<compile_context>
chip_gen: v7x
topology: tpu7x:2x2x1
jax: 0.10.2.dev20260603
libtpu: 0.0.44.dev20260713+nightly
codegen_flags: <defaults>
</compile_context>

<pallas_src>
import functools

import jax
import jax.numpy as jnp
from jax import lax
from jax.experimental import pallas as pl
from jax.experimental.pallas import tpu as pltpu
from jax.experimental.pallas import tpu_sc as plsc

NX, NY, NZ = 432, 496, 1
VOXEL_SIZE = (0.16, 0.16, 4.0)
PC_RANGE = (0.0, -39.68, -3.0, 69.12, 39.68, 1.0)
BATCH = 2
N_VOX, MAX_PTS, C_PT = 16000, 32, 4
C_OUT = 64
C_PAD = 128
EPS = 1e-3

CELLS = NX * NY
TRASH = BATCH * CELLS
R_CANVAS = BATCH * CELLS + 8

NB = 320
NSTEPS = N_VOX // NB

SC_CORES, SC_TILES = 2, 16
ROWS_PER_TILE = CELLS // SC_TILES
ZCH = 744
NZCOPIES = ROWS_PER_TILE // ZCH
PPT = N_VOX // SC_TILES
CHUNK = 128
NCHUNKS = (PPT + CHUNK - 1) // CHUNK
PAD_N = SC_TILES * NCHUNKS * CHUNK

TCOLS = 3456
TBLK = CELLS // TCOLS


def _a1_body(vox_ref, coords_ref, nump_ref, w1t_ref, w23t_ref, w2t_ref,
             w3t_ref, maxh_ref, stats_ref):
  i = pl.program_id(0)
  v = vox_ref[...]
  v2 = v.reshape(NB * MAX_PTS, C_PT)
  h = jnp.dot(v2, w1t_ref[...], preferred_element_type=jnp.float32)
  h = h + jnp.dot(v2[:, 0:3], w23t_ref[...], preferred_element_type=jnp.float32)
  npts = nump_ref[...]
  mean = jnp.sum(v[:, :, 0:3], axis=1) / npts
  cf = coords_ref[...].astype(jnp.float32)
  vx, vy, vz = VOXEL_SIZE
  cenx = cf[:, 3:4] * vx + (vx / 2 + PC_RANGE[0])
  ceny = cf[:, 2:3] * vy + (vy / 2 + PC_RANGE[1])
  cenz = cf[:, 1:2] * vz + (vz / 2 + PC_RANGE[2])
  t = (mean[:, 0:1] * w2t_ref[0:1, :] + mean[:, 1:2] * w2t_ref[1:2, :]
       + mean[:, 2:3] * w2t_ref[2:3, :]
       + cenx * w3t_ref[0:1, :] + ceny * w3t_ref[1:2, :]
       + cenz * w3t_ref[2:3, :])
  h3 = h.reshape(NB, MAX_PTS, C_PAD) - t[:, None, :]
  pidx = lax.broadcasted_iota(jnp.int32, (NB, MAX_PTS), 1).astype(jnp.float32)
  m = (pidx < npts).astype(jnp.float32)
  h3 = h3 * m[:, :, None]
  maxh_ref[...] = jnp.max(h3, axis=1)

  @pl.when(i == 0)
  def _():
    stats_ref[...] = jnp.zeros((8, C_PAD), jnp.float32)

  ssum = jnp.sum(h3, axis=(0, 1))
  ssq = jnp.sum(h3 * h3, axis=(0, 1))
  stats_ref[0:1, :] = stats_ref[0:1, :] + ssum[None, :]
  stats_ref[1:2, :] = stats_ref[1:2, :] + ssq[None, :]


def _a2_body(maxh_ref, scale_ref, shift_ref, pf_ref):
  pf_ref[...] = jnp.maximum(
      maxh_ref[:, 0:C_OUT] * scale_ref[...] + shift_ref[...], 0.0)


def _sc_body(pf_hbm, perm_hbm, dest_hbm, zsrc_hbm, out_hbm,
             zeros_v, perm_v, dest_v, rows_a, rows_b, sem, sem_g, sem_s):
  c = lax.axis_index("c")
  s = lax.axis_index("s")

  ld_p = pltpu.async_copy(perm_hbm.at[s], perm_v, sem_g)
  ld_d = pltpu.async_copy(dest_hbm.at[s], dest_v, sem_s)

  pltpu.sync_copy(zsrc_hbm, zeros_v)
  base = c * CELLS + s * ROWS_PER_TILE
  zcopies = [
      pltpu.async_copy(zeros_v, out_hbm.at[pl.ds(base + t * ZCH, ZCH), :], sem)
      for t in range(NZCOPIES)
  ]
  ld_p.wait()
  ld_d.wait()

  lo = c * CELLS
  hi = lo + CELLS
  for j in range(NCHUNKS):
    for k in range(CHUNK // 16):
      dv = dest_v[j, pl.ds(k * 16, 16)]
      owned = (dv >= lo) & (dv < hi)
      dest_v[j, pl.ds(k * 16, 16)] = jnp.where(owned, dv, TRASH)

  for cp in zcopies:
    cp.wait()
  plsc.subcore_barrier()

  bufs = [rows_a, rows_b]
  gets = [None] * NCHUNKS
  puts = [None] * NCHUNKS
  gets[0] = pltpu.async_copy(pf_hbm.at[perm_v.at[0]], bufs[0], sem_g)
  gets[1] = pltpu.async_copy(pf_hbm.at[perm_v.at[1]], bufs[1], sem_g)
  for j in range(NCHUNKS):
    gets[j].wait()
    puts[j] = pltpu.async_copy(bufs[j % 2], out_hbm.at[dest_v.at[j]], sem_s)
    if j + 2 < NCHUNKS:
      puts[j].wait()
      gets[j + 2] = pltpu.async_copy(pf_hbm.at[perm_v.at[j + 2]],
                                     bufs[j % 2], sem_g)
  puts[NCHUNKS - 2].wait()
  puts[NCHUNKS - 1].wait()


def _tr_body(canvas_ref, out_ref):
  out_ref[...] = jnp.swapaxes(canvas_ref[...], 0, 1)[None]


@jax.jit
def kernel(voxels, coords, voxel_num_points, W, gamma, beta):
  pad_c = ((0, 0), (0, C_PAD - C_OUT))
  w1t = jnp.pad(jnp.transpose(W[:, 0:C_PT]), pad_c)
  w2t = jnp.pad(jnp.transpose(W[:, C_PT:C_PT + 3]), pad_c)
  w3t = jnp.pad(jnp.transpose(W[:, C_PT + 3:C_PT + 6]), pad_c)
  w23t = w2t + w3t
  numpf = voxel_num_points.astype(jnp.float32)[:, None]

  maxh, stats = pl.pallas_call(
      _a1_body,
      grid=(NSTEPS,),
      in_specs=[
          pl.BlockSpec((NB, MAX_PTS, C_PT), lambda i: (i, 0, 0)),
          pl.BlockSpec((NB, 4), lambda i: (i, 0)),
          pl.BlockSpec((NB, 1), lambda i: (i, 0)),
          pl.BlockSpec((C_PT, C_PAD), lambda i: (0, 0)),
          pl.BlockSpec((3, C_PAD), lambda i: (0, 0)),
          pl.BlockSpec((3, C_PAD), lambda i: (0, 0)),
          pl.BlockSpec((3, C_PAD), lambda i: (0, 0)),
      ],
      out_specs=[
          pl.BlockSpec((NB, C_PAD), lambda i: (i, 0)),
          pl.BlockSpec((8, C_PAD), lambda i: (0, 0)),
      ],
      out_shape=[
          jax.ShapeDtypeStruct((N_VOX, C_PAD), jnp.float32),
          jax.ShapeDtypeStruct((8, C_PAD), jnp.float32),
      ],
  )(voxels, coords, numpf, w1t, w23t, w2t, w3t)

  cnt = float(N_VOX * MAX_PTS)
  mu = stats[0, 0:C_OUT] / cnt
  var = stats[1, 0:C_OUT] / cnt - mu * mu
  scale = gamma * lax.rsqrt(var + EPS)
  shift = beta - mu * scale

  pf = pl.pallas_call(
      _a2_body,
      grid=(4,),
      in_specs=[
          pl.BlockSpec((N_VOX // 4, C_PAD), lambda i: (i, 0)),
          pl.BlockSpec((1, C_OUT), lambda i: (0, 0)),
          pl.BlockSpec((1, C_OUT), lambda i: (0, 0)),
      ],
      out_specs=pl.BlockSpec((N_VOX // 4, C_OUT), lambda i: (i, 0)),
      out_shape=jax.ShapeDtypeStruct((N_VOX, C_OUT), jnp.float32),
  )(maxh, scale[None, :], shift[None, :])

  key = coords[:, 0] * CELLS + coords[:, 2] * NX + coords[:, 3]
  sk, perm = lax.sort_key_val(key, jnp.arange(N_VOX, dtype=jnp.int32),
                              is_stable=True)
  is_win = jnp.concatenate(
      [sk[1:] != sk[:-1], jnp.ones((1,), bool)])
  dest = jnp.where(is_win, sk, TRASH)
  pad = PAD_N - N_VOX
  perm_pad = jnp.concatenate(
      [perm, jnp.zeros((pad,), jnp.int32)]).reshape(SC_TILES, NCHUNKS, CHUNK)
  dest_pad = jnp.concatenate(
      [dest, jnp.full((pad,), TRASH, jnp.int32)]).reshape(
          SC_TILES, NCHUNKS, CHUNK)
  zsrc = jnp.zeros((ZCH, C_OUT), jnp.float32)

  mesh = plsc.VectorSubcoreMesh(core_axis_name="c", subcore_axis_name="s",
                                num_cores=SC_CORES, num_subcores=SC_TILES)
  canvas = pl.kernel(
      _sc_body,
      out_type=jax.ShapeDtypeStruct((R_CANVAS, C_OUT), jnp.float32),
      mesh=mesh,
      scratch_types=[
          pltpu.VMEM((ZCH, C_OUT), jnp.float32),
          pltpu.VMEM((NCHUNKS, CHUNK), jnp.int32),
          pltpu.VMEM((NCHUNKS, CHUNK), jnp.int32),
          pltpu.VMEM((CHUNK, C_OUT), jnp.float32),
          pltpu.VMEM((CHUNK, C_OUT), jnp.float32),
          pltpu.SemaphoreType.DMA,
          pltpu.SemaphoreType.DMA,
          pltpu.SemaphoreType.DMA,
      ],
      compiler_params=pltpu.CompilerParams(use_tc_tiling_on_sc=False),
  )(pf, perm_pad, dest_pad, zsrc)

  out = pl.pallas_call(
      _tr_body,
      grid=(BATCH, TBLK),
      in_specs=[pl.BlockSpec((TCOLS, C_OUT), lambda b, j: (b * TBLK + j, 0))],
      out_specs=pl.BlockSpec((1, C_OUT, TCOLS), lambda b, j: (b, 0, j)),
      out_shape=jax.ShapeDtypeStruct((BATCH, C_OUT, CELLS), jnp.float32),
  )(canvas)
  return out.reshape(BATCH, C_OUT * NZ, NY, NX)

# --- scband reference (transcript-rebuilt; emitter-appended) ---
"""Pipeline reference for scband-pillar-vfe-24292335026905 (READ-ONLY COPY).

The authoritative reference and input builder live on the scoring server;
editing this copy changes nothing except your own understanding.
"""

import jax, jax.numpy as jnp
import numpy as np

NX, NY, NZ = 432, 496, 1
VOXEL_SIZE = (0.16, 0.16, 4.0)
PC_RANGE = (0.0, -39.68, -3.0, 69.12, 39.68, 1.0)
BATCH = 2
N_VOX, MAX_PTS, C_PT = 16000, 32, 4
C_OUT = 64
EPS = 1e-3


def setup_inputs(seed: int = 0):
    key = jax.random.key(seed)
    k1, k2, k3, k4, k5, k6 = jax.random.split(key, 6)
    voxels = jax.random.normal(k1, (N_VOX, MAX_PTS, C_PT), dtype=jnp.float32)
    b = jax.random.randint(k2, (N_VOX,), 0, BATCH)
    z = jnp.zeros((N_VOX,), jnp.int32)
    y = jax.random.randint(k3, (N_VOX,), 0, NY)
    x = jax.random.randint(k4, (N_VOX,), 0, NX)
    coords = jnp.stack([b, z, y, x], axis=1).astype(jnp.int32)
    voxel_num_points = jax.random.randint(k5, (N_VOX,), 1, MAX_PTS + 1).astype(jnp.int32)
    # PFN layer params: linear (no bias) 10 -> 64, BatchNorm1d(64)
    W = jax.random.normal(k6, (C_OUT, C_PT + 6), dtype=jnp.float32) * 0.1
    gamma = jnp.ones((C_OUT,), jnp.float32)
    beta = jnp.zeros((C_OUT,), jnp.float32)
    return {"voxels": voxels, "coords": coords, "voxel_num_points": voxel_num_points,
            "W": W, "gamma": gamma, "beta": beta}


def reference(voxels, coords, voxel_num_points, W, gamma, beta):
    N, P, _ = voxels.shape
    # --- pillar feature augmentation ---
    nump = voxel_num_points.astype(jnp.float32).reshape(-1, 1, 1)
    points_mean = jnp.sum(voxels[:, :, :3], axis=1, keepdims=True) / nump
    f_cluster = voxels[:, :, :3] - points_mean
    vx, vy, vz = VOXEL_SIZE
    x_off = vx / 2 + PC_RANGE[0]
    y_off = vy / 2 + PC_RANGE[1]
    z_off = vz / 2 + PC_RANGE[2]
    cx = coords[:, 3].astype(jnp.float32)[:, None]
    cy = coords[:, 2].astype(jnp.float32)[:, None]
    cz = coords[:, 1].astype(jnp.float32)[:, None]
    f_center = jnp.stack([
        voxels[:, :, 0] - (cx * vx + x_off),
        voxels[:, :, 1] - (cy * vy + y_off),
        voxels[:, :, 2] - (cz * vz + z_off)], axis=-1)
    features = jnp.concatenate([voxels, f_cluster, f_center], axis=-1)
    # padding mask
    mask = (voxel_num_points[:, None] > jnp.arange(P, dtype=voxel_num_points.dtype)[None, :])
    features = features * mask.astype(features.dtype)[:, :, None]
    # --- PFN layer (linear -> batchnorm over (N,P) per channel -> relu -> max over points) ---
    h = features @ W.T                       # (N, P, 64)
    mu = jnp.mean(h, axis=(0, 1))
    var = jnp.var(h, axis=(0, 1))
    h = (h - mu) / jnp.sqrt(var + EPS) * gamma + beta
    h = jax.nn.relu(h)
    pillar_features = jnp.max(h, axis=1)     # (N, 64)
    # --- scatter into dense BEV canvas ---
    idx = coords[:, 1] + coords[:, 2] * NX + coords[:, 3]
    spatial = jnp.zeros((BATCH, NZ * NX * NY, C_OUT), jnp.float32)
    spatial = spatial.at[coords[:, 0], idx].set(pillar_features)
    spatial = jnp.transpose(spatial, (0, 2, 1)).reshape(BATCH, C_OUT * NZ, NY, NX)
    return spatial


if False:  # reference __main__ guard neutralized (emitter)
    out = reference(**setup_inputs())
    print(out.shape)

if __name__ == "__main__":
    import jax
    _d = setup_inputs()
    print(jax.jit(kernel)(*tuple(_d.values())))

</pallas_src>

<mosaic_0001>
#map = affine_map<(d0, d1) -> (0, 0)>
#map1 = affine_map<(d0, d1) -> (0, 0, 0)>
module attributes {stable_mosaic.version = 14 : i64} {
  func.func @_sc_body(%arg0: i32, %arg1: i32, %arg2: memref<16000x64xf32, #tpu.memory_space<hbm>>, %arg3: memref<16x8x128xi32, #tpu.memory_space<hbm>>, %arg4: memref<16x8x128xi32, #tpu.memory_space<hbm>>, %arg5: memref<744x64xf32, #tpu.memory_space<hbm>>, %arg6: memref<428552x64xf32, #tpu.memory_space<hbm>>, %arg7: memref<744x64xf32, #tpu.memory_space<vmem>>, %arg8: memref<8x128xi32, #tpu.memory_space<vmem>>, %arg9: memref<8x128xi32, #tpu.memory_space<vmem>>, %arg10: memref<128x64xf32, #tpu.memory_space<vmem>>, %arg11: memref<128x64xf32, #tpu.memory_space<vmem>>, %arg12: memref<!tpu.dma_semaphore, #tpu.memory_space<semaphore_mem>>, %arg13: memref<!tpu.dma_semaphore, #tpu.memory_space<semaphore_mem>>, %arg14: memref<!tpu.dma_semaphore, #tpu.memory_space<semaphore_mem>>) attributes {dimension_semantics = [#tpu.dimension_semantics<core_parallel>, #tpu.dimension_semantics<subcore_parallel>], iteration_bounds = array<i64: 2, 16>, scalar_prefetch = 0 : i64, scratch_operands = 8 : i64, tpu.core_type = #tpu.core_type<sc_vector_subcore>, window_params = [{transform_indices = #map}, {transform_indices = #map1}, {transform_indices = #map1}, {transform_indices = #map}, {transform_indices = #map}]} {
    %dma_start3A = arith.constant 0 : i32
    %dma_start3A_0 = arith.constant 0 : i32
    %dma_start3A_1 = tpu.memref_slice %arg3[%arg1, %dma_start3A, %dma_start3A_0] : memref<16x8x128xi32, #tpu.memory_space<hbm>> -> memref<1x8x128xi32, #tpu.memory_space<hbm>>
    %dma_start3A_2 = tpu.memref_squeeze %dma_start3A_1 : memref<1x8x128xi32, #tpu.memory_space<hbm>> -> memref<8x128xi32, #tpu.memory_space<hbm>>
    %dma_start3A_3 = arith.constant 0 : i32
    %dma_start3A_4 = arith.constant 0 : i32
    %dma_start3A_5 = tpu.memref_slice %arg3[%arg1, %dma_start3A_3, %dma_start3A_4] : memref<16x8x128xi32, #tpu.memory_space<hbm>> -> memref<1x8x128xi32, #tpu.memory_space<hbm>>
    %dma_start3A_6 = tpu.memref_squeeze %dma_start3A_5 : memref<1x8x128xi32, #tpu.memory_space<hbm>> -> memref<8x128xi32, #tpu.memory_space<hbm>>
    tpu.enqueue_dma source(%dma_start3A_6 : memref<8x128xi32, #tpu.memory_space<hbm>>) target(%arg8 : memref<8x128xi32, #tpu.memory_space<vmem>>) target_semaphore(%arg13 : memref<!tpu.dma_semaphore, #tpu.memory_space<semaphore_mem>>)
    %dma_start3A_7 = arith.constant 0 : i32
    %dma_start3A_8 = arith.constant 0 : i32
    %dma_start3A_9 = tpu.memref_slice %arg4[%arg1, %dma_start3A_7, %dma_start3A_8] : memref<16x8x128xi32, #tpu.memory_space<hbm>> -> memref<1x8x128xi32, #tpu.memory_space<hbm>>
    %dma_start3A_10 = tpu.memref_squeeze %dma_start3A_9 : memref<1x8x128xi32, #tpu.memory_space<hbm>> -> memref<8x128xi32, #tpu.memory_space<hbm>>
    %dma_start3A_11 = arith.constant 0 : i32
    %dma_start3A_12 = arith.constant 0 : i32
    %dma_start3A_13 = tpu.memref_slice %arg4[%arg1, %dma_start3A_11, %dma_start3A_12] : memref<16x8x128xi32, #tpu.memory_space<hbm>> -> memref<1x8x128xi32, #tpu.memory_space<hbm>>
    %dma_start3A_14 = tpu.memref_squeeze %dma_start3A_13 : memref<1x8x128xi32, #tpu.memory_space<hbm>> -> memref<8x128xi32, #tpu.memory_space<hbm>>
    tpu.enqueue_dma source(%dma_start3A_14 : memref<8x128xi32, #tpu.memory_space<hbm>>) target(%arg9 : memref<8x128xi32, #tpu.memory_space<vmem>>) target_semaphore(%arg14 : memref<!tpu.dma_semaphore, #tpu.memory_space<semaphore_mem>>)
    "tpu.region"() ({
      %run_scoped3A = tpu.sem_alloc : memref<!tpu.dma_semaphore, #tpu.memory_space<semaphore_mem>>
      tpu.enqueue_dma source(%arg5 : memref<744x64xf32, #tpu.memory_space<hbm>>) target(%arg7 : memref<744x64xf32, #tpu.memory_space<vmem>>) target_semaphore(%run_scoped3A : memref<!tpu.dma_semaphore, #tpu.memory_space<semaphore_mem>>)
      tpu.wait_dma2 semaphore(%run_scoped3A : memref<!tpu.dma_semaphore, #tpu.memory_space<semaphore_mem>>) src(%arg5 : memref<744x64xf32, #tpu.memory_space<hbm>>) dst(%arg7 : memref<744x64xf32, #tpu.memory_space<vmem>>)
      tpu.yield
    }) : () -> ()
    %mul3A = arith.constant 214272 : i32
    %mul3A_15 = arith.muli %arg0, %mul3A : i32
    %mul3A_16 = arith.constant 13392 : i32
    %mul3A_17 = arith.muli %arg1, %mul3A_16 : i32
    %add3A = arith.addi %mul3A_15, %mul3A_17 : i32
    %add3A_18 = arith.constant 0 : i32
    %add3A_19 = arith.addi %add3A, %add3A_18 : i32
    %dma_start3A_20 = arith.constant 0 : i32
    %dma_start3A_21 = tpu.memref_slice %arg6[%add3A_19, %dma_start3A_20] : memref<428552x64xf32, #tpu.memory_space<hbm>> -> memref<744x64xf32, #tpu.memory_space<hbm>>
    %dma_start3A_22 = arith.constant 0 : i32
    %dma_start3A_23 = tpu.memref_slice %arg6[%add3A_19, %dma_start3A_22] : memref<428552x64xf32, #tpu.memory_space<hbm>> -> memref<744x64xf32, #tpu.memory_space<hbm>>
    tpu.enqueue_dma source(%arg7 : memref<744x64xf32, #tpu.memory_space<vmem>>) target(%dma_start3A_23 : memref<744x64xf32, #tpu.memory_space<hbm>>) target_semaphore(%arg12 : memref<!tpu.dma_semaphore, #tpu.memory_space<semaphore_mem>>)
    %add3A_24 = arith.constant 744 : i32
    %add3A_25 = arith.addi %add3A, %add3A_24 : i32
    %dma_start3A_26 = arith.constant 0 : i32
    %dma_start3A_27 = tpu.memref_slice %arg6[%add3A_25, %dma_start3A_26] : memref<428552x64xf32, #tpu.memory_space<hbm>> -> memref<744x64xf32, #tpu.memory_space<hbm>>
    %dma_start3A_28 = arith.constant 0 : i32
    %dma_start3A_29 = tpu.memref_slice %arg6[%add3A_25, %dma_start3A_28] : memref<428552x64xf32, #tpu.memory_space<hbm>> -> memref<744x64xf32, #tpu.memory_space<hbm>>
    tpu.enqueue_dma source(%arg7 : memref<744x64xf32, #tpu.memory_space<vmem>>) target(%dma_start3A_29 : memref<744x64xf32, #tpu.memory_space<hbm>>) target_semaphore(%arg12 : memref<!tpu.dma_semaphore, #tpu.memory_space<semaphore_mem>>)
    %add3A_30 = arith.constant 1488 : i32
    %add3A_31 = arith.addi %add3A, %add3A_30 : i32
    %dma_start3A_32 = arith.constant 0 : i32
    %dma_start3A_33 = tpu.memref_slice %arg6[%add3A_31, %dma_start3A_32] : memref<428552x64xf32, #tpu.memory_space<hbm>> -> memref<744x64xf32, #tpu.memory_space<hbm>>
    %dma_start3A_34 = arith.constant 0 : i32
    %dma_start3A_35 = tpu.memref_slice %arg6[%add3A_31, %dma_start3A_34] : memref<428552x64xf32, #tpu.memory_space<hbm>> -> memref<744x64xf32, #tpu.memory_space<hbm>>
    tpu.enqueue_dma source(%arg7 : memref<744x64xf32, #tpu.memory_space<vmem>>) target(%dma_start3A_35 : memref<744x64xf32, #tpu.memory_space<hbm>>) target_semaphore(%arg12 : memref<!tpu.dma_semaphore, #tpu.memory_space<semaphore_mem>>)
    %add3A_36 = arith.constant 2232 : i32
    %add3A_37 = arith.addi %add3A, %add3A_36 : i32
    %dma_start3A_38 = arith.constant 0 : i32
    %dma_start3A_39 = tpu.memref_slice %arg6[%add3A_37, %dma_start3A_38] : memref<428552x64xf32, #tpu.memory_space<hbm>> -> memref<744x64xf32, #tpu.memory_space<hbm>>
    %dma_start3A_40 = arith.constant 0 : i32
    %dma_start3A_41 = tpu.memref_slice %arg6[%add3A_37, %dma_start3A_40] : memref<428552x64xf32, #tpu.memory_space<hbm>> -> memref<744x64xf32, #tpu.memory_space<hbm>>
    tpu.enqueue_dma source(%arg7 : memref<744x64xf32, #tpu.memory_space<vmem>>) target(%dma_start3A_41 : memref<744x64xf32, #tpu.memory_space<hbm>>) target_semaphore(%arg12 : memref<!tpu.dma_semaphore, #tpu.memory_space<semaphore_mem>>)
    %add3A_42 = arith.constant 2976 : i32
    %add3A_43 = arith.addi %add3A, %add3A_42 : i32
    %dma_start3A_44 = arith.constant 0 : i32
    %dma_start3A_45 = tpu.memref_slice %arg6[%add3A_43, %dma_start3A_44] : memref<428552x64xf32, #tpu.memory_space<hbm>> -> memref<744x64xf32, #tpu.memory_space<hbm>>
    %dma_start3A_46 = arith.constant 0 : i32
    %dma_start3A_47 = tpu.memref_slice %arg6[%add3A_43, %dma_start3A_46] : memref<428552x64xf32, #tpu.memory_space<hbm>> -> memref<744x64xf32, #tpu.memory_space<hbm>>
    tpu.enqueue_dma source(%arg7 : memref<744x64xf32, #tpu.memory_space<vmem>>) target(%dma_start3A_47 : memref<744x64xf32, #tpu.memory_space<hbm>>) target_semaphore(%arg12 : memref<!tpu.dma_semaphore, #tpu.memory_space<semaphore_mem>>)
    %add3A_48 = arith.constant 3720 : i32
    %add3A_49 = arith.addi %add3A, %add3A_48 : i32
    %dma_start3A_50 = arith.constant 0 : i32
    %dma_start3A_51 = tpu.memref_slice %arg6[%add3A_49, %dma_start3A_50] : memref<428552x64xf32, #tpu.memory_space<hbm>> -> memref<744x64xf32, #tpu.memory_space<hbm>>
    %dma_start3A_52 = arith.constant 0 : i32
    %dma_start3A_53 = tpu.memref_slice %arg6[%add3A_49, %dma_start3A_52] : memref<428552x64xf32, #tpu.memory_space<hbm>> -> memref<744x64xf32, #tpu.memory_space<hbm>>
    tpu.enqueue_dma source(%arg7 : memref<744x64xf32, #tpu.memory_space<vmem>>) target(%dma_start3A_53 : memref<744x64xf32, #tpu.memory_space<hbm>>) target_semaphore(%arg12 : memref<!tpu.dma_semaphore, #tpu.memory_space<semaphore_mem>>)
    %add3A_54 = arith.constant 4464 : i32
    %add3A_55 = arith.addi %add3A, %add3A_54 : i32
    %dma_start3A_56 = arith.constant 0 : i32
    %dma_start3A_57 = tpu.memref_slice %arg6[%add3A_55, %dma_start3A_56] : memref<428552x64xf32, #tpu.memory_space<hbm>> -> memref<744x64xf32, #tpu.memory_space<hbm>>
    %dma_start3A_58 = arith.constant 0 : i32
    %dma_start3A_59 = tpu.memref_slice %arg6[%add3A_55, %dma_start3A_58] : memref<428552x64xf32, #tpu.memory_space<hbm>> -> memref<744x64xf32, #tpu.memory_space<hbm>>
    tpu.enqueue_dma source(%arg7 : memref<744x64xf32, #tpu.memory_space<vmem>>) target(%dma_start3A_59 : memref<744x64xf32, #tpu.memory_space<hbm>>) target_semaphore(%arg12 : memref<!tpu.dma_semaphore, #tpu.memory_space<semaphore_mem>>)
    %add3A_60 = arith.constant 5208 : i32
    %add3A_61 = arith.addi %add3A, %add3A_60 : i32
    %dma_start3A_62 = arith.constant 0 : i32
    %dma_start3A_63 = tpu.memref_slice %arg6[%add3A_61, %dma_start3A_62] : memref<428552x64xf32, #tpu.memory_space<hbm>> -> memref<744x64xf32, #tpu.memory_space<hbm>>
    %dma_start3A_64 = arith.constant 0 : i32
    %dma_start3A_65 = tpu.memref_slice %arg6[%add3A_61, %dma_start3A_64] : memref<428552x64xf32, #tpu.memory_space<hbm>> -> memref<744x64xf32, #tpu.memory_space<hbm>>
    tpu.enqueue_dma source(%arg7 : memref<744x64xf32, #tpu.memory_space<vmem>>) target(%dma_start3A_65 : memref<744x64xf32, #tpu.memory_space<hbm>>) target_semaphore(%arg12 : memref<!tpu.dma_semaphore, #tpu.memory_space<semaphore_mem>>)
    %add3A_66 = arith.constant 5952 : i32
    %add3A_67 = arith.addi %add3A, %add3A_66 : i32
    %dma_start3A_68 = arith.constant 0 : i32
    %dma_start3A_69 = tpu.memref_slice %arg6[%add3A_67, %dma_start3A_68] : memref<428552x64xf32, #tpu.memory_space<hbm>> -> memref<744x64xf32, #tpu.memory_space<hbm>>
    %dma_start3A_70 = arith.constant 0 : i32
    %dma_start3A_71 = tpu.memref_slice %arg6[%add3A_67, %dma_start3A_70] : memref<428552x64xf32, #tpu.memory_space<hbm>> -> memref<744x64xf32, #tpu.memory_space<hbm>>
    tpu.enqueue_dma source(%arg7 : memref<744x64xf32, #tpu.memory_space<vmem>>) target(%dma_start3A_71 : memref<744x64xf32, #tpu.memory_space<hbm>>) target_semaphore(%arg12 : memref<!tpu.dma_semaphore, #tpu.memory_space<semaphore_mem>>)
    %add3A_72 = arith.constant 6696 : i32
    %add3A_73 = arith.addi %add3A, %add3A_72 : i32
    %dma_start3A_74 = arith.constant 0 : i32
    %dma_start3A_75 = tpu.memref_slice %arg6[%add3A_73, %dma_start3A_74] : memref<428552x64xf32, #tpu.memory_space<hbm>> -> memref<744x64xf32, #tpu.memory_space<hbm>>
    %dma_start3A_76 = arith.constant 0 : i32
    %dma_start3A_77 = tpu.memref_slice %arg6[%add3A_73, %dma_start3A_76] : memref<428552x64xf32, #tpu.memory_space<hbm>> -> memref<744x64xf32, #tpu.memory_space<hbm>>
    tpu.enqueue_dma source(%arg7 : memref<744x64xf32, #tpu.memory_space<vmem>>) target(%dma_start3A_77 : memref<744x64xf32, #tpu.memory_space<hbm>>) target_semaphore(%arg12 : memref<!tpu.dma_semaphore, #tpu.memory_space<semaphore_mem>>)
    %add3A_78 = arith.constant 7440 : i32
    %add3A_79 = arith.addi %add3A, %add3A_78 : i32
    %dma_start3A_80 = arith.constant 0 : i32
    %dma_start3A_81 = tpu.memref_slice %arg6[%add3A_79, %dma_start3A_80] : memref<428552x64xf32, #tpu.memory_space<hbm>> -> memref<744x64xf32, #tpu.memory_space<hbm>>
    %dma_start3A_82 = arith.constant 0 : i32
    %dma_start3A_83 = tpu.memref_slice %arg6[%add3A_79, %dma_start3A_82] : memref<428552x64xf32, #tpu.memory_space<hbm>> -> memref<744x64xf32, #tpu.memory_space<hbm>>
    tpu.enqueue_dma source(%arg7 : memref<744x64xf32, #tpu.memory_space<vmem>>) target(%dma_start3A_83 : memref<744x64xf32, #tpu.memory_space<hbm>>) target_semaphore(%arg12 : memref<!tpu.dma_semaphore, #tpu.memory_space<semaphore_mem>>)
    %add3A_84 = arith.constant 8184 : i32
    %add3A_85 = arith.addi %add3A, %add3A_84 : i32
    %dma_start3A_86 = arith.constant 0 : i32
    %dma_start3A_87 = tpu.memref_slice %arg6[%add3A_85, %dma_start3A_86] : memref<428552x64xf32, #tpu.memory_space<hbm>> -> memref<744x64xf32, #tpu.memory_space<hbm>>
    %dma_start3A_88 = arith.constant 0 : i32
    %dma_start3A_89 = tpu.memref_slice %arg6[%add3A_85, %dma_start3A_88] : memref<428552x64xf32, #tpu.memory_space<hbm>> -> memref<744x64xf32, #tpu.memory_space<hbm>>
    tpu.enqueue_dma source(%arg7 : memref<744x64xf32, #tpu.memory_space<vmem>>) target(%dma_start3A_89 : memref<744x64xf32, #tpu.memory_space<hbm>>) target_semaphore(%arg12 : memref<!tpu.dma_semaphore, #tpu.memory_space<semaphore_mem>>)
    %add3A_90 = arith.constant 8928 : i32
    %add3A_91 = arith.addi %add3A, %add3A_90 : i32
    %dma_start3A_92 = arith.constant 0 : i32
    %dma_start3A_93 = tpu.memref_slice %arg6[%add3A_91, %dma_start3A_92] : memref<428552x64xf32, #tpu.memory_space<hbm>> -> memref<744x64xf32, #tpu.memory_space<hbm>>
    %dma_start3A_94 = arith.constant 0 : i32
    %dma_start3A_95 = tpu.memref_slice %arg6[%add3A_91, %dma_start3A_94] : memref<428552x64xf32, #tpu.memory_space<hbm>> -> memref<744x64xf32, #tpu.memory_space<hbm>>
    tpu.enqueue_dma source(%arg7 : memref<744x64xf32, #tpu.memory_space<vmem>>) target(%dma_start3A_95 : memref<744x64xf32, #tpu.memory_space<hbm>>) target_semaphore(%arg12 : memref<!tpu.dma_semaphore, #tpu.memory_space<semaphore_mem>>)
    %add3A_96 = arith.constant 9672 : i32
    %add3A_97 = arith.addi %add3A, %add3A_96 : i32
    %dma_start3A_98 = arith.constant 0 : i32
    %dma_start3A_99 = tpu.memref_slice %arg6[%add3A_97, %dma_start3A_98] : memref<428552x64xf32, #tpu.memory_space<hbm>> -> memref<744x64xf32, #tpu.memory_space<hbm>>
    %dma_start3A_100 = arith.constant 0 : i32
    %dma_start3A_101 = tpu.memref_slice %arg6[%add3A_97, %dma_start3A_100] : memref<428552x64xf32, #tpu.memory_space<hbm>> -> memref<744x64xf32, #tpu.memory_space<hbm>>
    tpu.enqueue_dma source(%arg7 : memref<744x64xf32, #tpu.memory_space<vmem>>) target(%dma_start3A_101 : memref<744x64xf32, #tpu.memory_space<hbm>>) target_semaphore(%arg12 : memref<!tpu.dma_semaphore, #tpu.memory_space<semaphore_mem>>)
    %add3A_102 = arith.constant 10416 : i32
    %add3A_103 = arith.addi %add3A, %add3A_102 : i32
    %dma_start3A_104 = arith.constant 0 : i32
    %dma_start3A_105 = tpu.memref_slice %arg6[%add3A_103, %dma_start3A_104] : memref<428552x64xf32, #tpu.memory_space<hbm>> -> memref<744x64xf32, #tpu.memory_space<hbm>>
    %dma_start3A_106 = arith.constant 0 : i32
    %dma_start3A_107 = tpu.memref_slice %arg6[%add3A_103, %dma_start3A_106] : memref<428552x64xf32, #tpu.memory_space<hbm>> -> memref<744x64xf32, #tpu.memory_space<hbm>>
    tpu.enqueue_dma source(%arg7 : memref<744x64xf32, #tpu.memory_space<vmem>>) target(%dma_start3A_107 : memref<744x64xf32, #tpu.memory_space<hbm>>) target_semaphore(%arg12 : memref<!tpu.dma_semaphore, #tpu.memory_space<semaphore_mem>>)
    %add3A_108 = arith.constant 11160 : i32
    %add3A_109 = arith.addi %add3A, %add3A_108 : i32
    %dma_start3A_110 = arith.constant 0 : i32
    %dma_start3A_111 = tpu.memref_slice %arg6[%add3A_109, %dma_start3A_110] : memref<428552x64xf32, #tpu.memory_space<hbm>> -> memref<744x64xf32, #tpu.memory_space<hbm>>
    %dma_start3A_112 = arith.constant 0 : i32
    %dma_start3A_113 = tpu.memref_slice %arg6[%add3A_109, %dma_start3A_112] : memref<428552x64xf32, #tpu.memory_space<hbm>> -> memref<744x64xf32, #tpu.memory_space<hbm>>
    tpu.enqueue_dma source(%arg7 : memref<744x64xf32, #tpu.memory_space<vmem>>) target(%dma_start3A_113 : memref<744x64xf32, #tpu.memory_space<hbm>>) target_semaphore(%arg12 : memref<!tpu.dma_semaphore, #tpu.memory_space<semaphore_mem>>)
    %add3A_114 = arith.constant 11904 : i32
    %add3A_115 = arith.addi %add3A, %add3A_114 : i32
    %dma_start3A_116 = arith.constant 0 : i32
    %dma_start3A_117 = tpu.memref_slice %arg6[%add3A_115, %dma_start3A_116] : memref<428552x64xf32, #tpu.memory_space<hbm>> -> memref<744x64xf32, #tpu.memory_space<hbm>>
    %dma_start3A_118 = arith.constant 0 : i32
    %dma_start3A_119 = tpu.memref_slice %arg6[%add3A_115, %dma_start3A_118] : memref<428552x64xf32, #tpu.memory_space<hbm>> -> memref<744x64xf32, #tpu.memory_space<hbm>>
    tpu.enqueue_dma source(%arg7 : memref<744x64xf32, #tpu.memory_space<vmem>>) target(%dma_start3A_119 : memref<744x64xf32, #tpu.memory_space<hbm>>) target_semaphore(%arg12 : memref<!tpu.dma_semaphore, #tpu.memory_space<semaphore_mem>>)
    %add3A_120 = arith.constant 12648 : i32
    %add3A_121 = arith.addi %add3A, %add3A_120 : i32
    %dma_start3A_122 = arith.constant 0 : i32
    %dma_start3A_123 = tpu.memref_slice %arg6[%add3A_121, %dma_start3A_122] : memref<428552x64xf32, #tpu.memory_space<hbm>> -> memref<744x64xf32, #tpu.memory_space<hbm>>
    %dma_start3A_124 = arith.constant 0 : i32
    %dma_start3A_125 = tpu.memref_slice %arg6[%add3A_121, %dma_start3A_124] : memref<428552x64xf32, #tpu.memory_space<hbm>> -> memref<744x64xf32, #tpu.memory_space<hbm>>
    tpu.enqueue_dma source(%arg7 : memref<744x64xf32, #tpu.memory_space<vmem>>) target(%dma_start3A_125 : memref<744x64xf32, #tpu.memory_space<hbm>>) target_semaphore(%arg12 : memref<!tpu.dma_semaphore, #tpu.memory_space<semaphore_mem>>)
    %dma_wait3A = arith.constant 0 : i32
    %dma_wait3A_126 = arith.constant 0 : i32
    %dma_wait3A_127 = tpu.memref_slice %arg3[%arg1, %dma_wait3A, %dma_wait3A_126] : memref<16x8x128xi32, #tpu.memory_space<hbm>> -> memref<1x8x128xi32, #tpu.memory_space<hbm>>
    %dma_wait3A_128 = tpu.memref_squeeze %dma_wait3A_127 : memref<1x8x128xi32, #tpu.memory_space<hbm>> -> memref<8x128xi32, #tpu.memory_space<hbm>>
    %dma_wait3A_129 = arith.constant 0 : i32
    %dma_wait3A_130 = arith.constant 0 : i32
    %dma_wait3A_131 = tpu.memref_slice %arg3[%arg1, %dma_wait3A_129, %dma_wait3A_130] : memref<16x8x128xi32, #tpu.memory_space<hbm>> -> memref<1x8x128xi32, #tpu.memory_space<hbm>>
    %dma_wait3A_132 = tpu.memref_squeeze %dma_wait3A_131 : memref<1x8x128xi32, #tpu.memory_space<hbm>> -> memref<8x128xi32, #tpu.memory_space<hbm>>
    tpu.wait_dma2 semaphore(%arg13 : memref<!tpu.dma_semaphore, #tpu.memory_space<semaphore_mem>>) src(%dma_wait3A_132 : memref<8x128xi32, #tpu.memory_space<hbm>>) dst(%arg8 : memref<8x128xi32, #tpu.memory_space<vmem>>)
    %dma_wait3A_133 = arith.constant 0 : i32
    %dma_wait3A_134 = arith.constant 0 : i32
    %dma_wait3A_135 = tpu.memref_slice %arg4[%arg1, %dma_wait3A_133, %dma_wait3A_134] : memref<16x8x128xi32, #tpu.memory_space<hbm>> -> memref<1x8x128xi32, #tpu.memory_space<hbm>>
    %dma_wait3A_136 = tpu.memref_squeeze %dma_wait3A_135 : memref<1x8x128xi32, #tpu.memory_space<hbm>> -> memref<8x128xi32, #tpu.memory_space<hbm>>
    %dma_wait3A_137 = arith.constant 0 : i32
    %dma_wait3A_138 = arith.constant 0 : i32
    %dma_wait3A_139 = tpu.memref_slice %arg4[%arg1, %dma_wait3A_137, %dma_wait3A_138] : memref<16x8x128xi32, #tpu.memory_space<hbm>> -> memref<1x8x128xi32, #tpu.memory_space<hbm>>
    %dma_wait3A_140 = tpu.memref_squeeze %dma_wait3A_139 : memref<1x8x128xi32, #tpu.memory_space<hbm>> -> memref<8x128xi32, #tpu.memory_space<hbm>>
    tpu.wait_dma2 semaphore(%arg14 : memref<!tpu.dma_semaphore, #tpu.memory_space<semaphore_mem>>) src(%dma_wait3A_140 : memref<8x128xi32, #tpu.memory_space<hbm>>) dst(%arg9 : memref<8x128xi32, #tpu.memory_space<vmem>>)
    %mul3A_141 = arith.constant 214272 : i32
    %mul3A_142 = arith.muli %arg0, %mul3A_141 : i32
    %add3A_143 = arith.constant 214272 : i32
    %add3A_144 = arith.addi %mul3A_142, %add3A_143 : i32
    %get3A = arith.constant 0 : i32
    %get3A_145 = arith.index_cast %get3A : i32 to index
    %get3A_146 = arith.constant 0 : index
    %get3A_147 = tpu.vector_load %arg9[%get3A_145, %get3A_146] {strides = array<i32>} : memref<8x128xi32, #tpu.memory_space<vmem>>, vector<1x16xi32>,
    %get3A_148 = vector.shape_cast %get3A_147 : vector<1x16xi32> to vector<16xi32>
    %ge3A = vector.broadcast %mul3A_142 : i32 to vector<16xi32>
    %ge3A_149 = arith.cmpi sge, %get3A_148, %ge3A : vector<16xi32>
    %lt3A = vector.broadcast %add3A_144 : i32 to vector<16xi32>
    %lt3A_150 = arith.cmpi slt, %get3A_148, %lt3A : vector<16xi32>
    %and3A = arith.andi %ge3A_149, %lt3A_150 : vector<16xi1>
    %jit3A = arith.constant 428544 : i32
    %broadcast_in_dim3A = vector.broadcast %jit3A : i32 to vector<16xi32>
    %select_n3A = arith.select %and3A, %get3A_148, %broadcast_in_dim3A : vector<16xi1>, vector<16xi32>
    %swap3A = arith.constant 0 : i32
    %swap3A_151 = arith.index_cast %swap3A : i32 to index
    %swap3A_152 = arith.constant 0 : index
    %swap3A_153 = tpu.vector_load %arg9[%swap3A_151, %swap3A_152] {strides = array<i32>} : memref<8x128xi32, #tpu.memory_space<vmem>>, vector<1x16xi32>,
    %swap3A_154 = vector.shape_cast %swap3A_153 : vector<1x16xi32> to vector<16xi32>
    %swap3A_155 = vector.shape_cast %select_n3A : vector<16xi32> to vector<1x16xi32>
    tpu.vector_store %arg9[%swap3A_151, %swap3A_152], %swap3A_155 {strides = array<i32>} : memref<8x128xi32, #tpu.memory_space<vmem>>, vector<1x16xi32>,
    %get3A_156 = arith.constant 0 : i32
    %get3A_157 = arith.index_cast %get3A_156 : i32 to index
    %get3A_158 = arith.constant 16 : index
    %get3A_159 = tpu.vector_load %arg9[%get3A_157, %get3A_158] {strides = array<i32>} : memref<8x128xi32, #tpu.memory_space<vmem>>, vector<1x16xi32>,
    %get3A_160 = vector.shape_cast %get3A_159 : vector<1x16xi32> to vector<16xi32>
    %ge3A_161 = vector.broadcast %mul3A_142 : i32 to vector<16xi32>
    %ge3A_162 = arith.cmpi sge, %get3A_160, %ge3A_161 : vector<16xi32>
    %lt3A_163 = vector.broadcast %add3A_144 : i32 to vector<16xi32>
    %lt3A_164 = arith.cmpi slt, %get3A_160, %lt3A_163 : vector<16xi32>
    %and3A_165 = arith.andi %ge3A_162, %lt3A_164 : vector<16xi1>
    %jit3A_166 = arith.constant 428544 : i32
    %broadcast_in_dim3A_167 = vector.broadcast %jit3A_166 : i32 to vector<16xi32>
    %select_n3A_168 = arith.select %and3A_165, %get3A_160, %broadcast_in_dim3A_167 : vector<16xi1>, vector<16xi32>
    %swap3A_169 = arith.constant 0 : i32
    %swap3A_170 = arith.index_cast %swap3A_169 : i32 to index
    %swap3A_171 = arith.constant 16 : index
    %swap3A_172 = tpu.vector_load %arg9[%swap3A_170, %swap3A_171] {strides = array<i32>} : memref<8x128xi32, #tpu.memory_space<vmem>>, vector<1x16xi32>,
    %swap3A_173 = vector.shape_cast %swap3A_172 : vector<1x16xi32> to vector<16xi32>
    %swap3A_174 = vector.shape_cast %select_n3A_168 : vector<16xi32> to vector<1x16xi32>
    tpu.vector_store %arg9[%swap3A_170, %swap3A_171], %swap3A_174 {strides = array<i32>} : memref<8x128xi32, #tpu.memory_space<vmem>>, vector<1x16xi32>,
    %get3A_175 = arith.constant 0 : i32
    %get3A_176 = arith.index_cast %get3A_175 : i32 to index
    %get3A_177 = arith.constant 32 : index
    %get3A_178 = tpu.vector_load %arg9[%get3A_176, %get3A_177] {strides = array<i32>} : memref<8x128xi32, #tpu.memory_space<vmem>>, vector<1x16xi32>,
    %get3A_179 = vector.shape_cast %get3A_178 : vector<1x16xi32> to vector<16xi32>
    %ge3A_180 = vector.broadcast %mul3A_142 : i32 to vector<16xi32>
    %ge3A_181 = arith.cmpi sge, %get3A_179, %ge3A_180 : vector<16xi32>
    %lt3A_182 = vector.broadcast %add3A_144 : i32 to vector<16xi32>
    %lt3A_183 = arith.cmpi slt, %get3A_179, %lt3A_182 : vector<16xi32>
    %and3A_184 = arith.andi %ge3A_181, %lt3A_183 : vector<16xi1>
    %jit3A_185 = arith.constant 428544 : i32
    %broadcast_in_dim3A_186 = vector.broadcast %jit3A_185 : i32 to vector<16xi32>
    %select_n3A_187 = arith.select %and3A_184, %get3A_179, %broadcast_in_dim3A_186 : vector<16xi1>, vector<16xi32>
    %swap3A_188 = arith.constant 0 : i32
    %swap3A_189 = arith.index_cast %swap3A_188 : i32 to index
    %swap3A_190 = arith.constant 32 : index
    %swap3A_191 = tpu.vector_load %arg9[%swap3A_189, %swap3A_190] {strides = array<i32>} : memref<8x128xi32, #tpu.memory_space<vmem>>, vector<1x16xi32>,
    %swap3A_192 = vector.shape_cast %swap3A_191 : vector<1x16xi32> to vector<16xi32>
    %swap3A_193 = vector.shape_cast %select_n3A_187 : vector<16xi32> to vector<1x16xi32>
    tpu.vector_store %arg9[%swap3A_189, %swap3A_190], %swap3A_193 {strides = array<i32>} : memref<8x128xi32, #tpu.memory_space<vmem>>, vector<1x16xi32>,
    %get3A_194 = arith.constant 0 : i32
    %get3A_195 = arith.index_cast %get3A_194 : i32 to index
    %get3A_196 = arith.constant 48 : index
    %get3A_197 = tpu.vector_load %arg9[%get3A_195, %get3A_196] {strides = array<i32>} : memref<8x128xi32, #tpu.memory_space<vmem>>, vector<1x16xi32>,
    %get3A_198 = vector.shape_cast %get3A_197 : vector<1x16xi32> to vector<16xi32>
    %ge3A_199 = vector.broadcast %mul3A_142 : i32 to vector<16xi32>
    %ge3A_200 = arith.cmpi sge, %get3A_198, %ge3A_199 : vector<16xi32>
    %lt3A_201 = vector.broadcast %add3A_144 : i32 to vector<16xi32>
    %lt3A_202 = arith.cmpi slt, %get3A_198, %lt3A_201 : vector<16xi32>
    %and3A_203 = arith.andi %ge3A_200, %lt3A_202 : vector<16xi1>
    %jit3A_204 = arith.constant 428544 : i32
    %broadcast_in_dim3A_205 = vector.broadcast %jit3A_204 : i32 to vector<16xi32>
    %select_n3A_206 = arith.select %and3A_203, %get3A_198, %broadcast_in_dim3A_205 : vector<16xi1>, vector<16xi32>
    %swap3A_207 = arith.constant 0 : i32
    %swap3A_208 = arith.index_cast %swap3A_207 : i32 to index
    %swap3A_209 = arith.constant 48 : index
    %swap3A_210 = tpu.vector_load %arg9[%swap3A_208, %swap3A_209] {strides = array<i32>} : memref<8x128xi32, #tpu.memory_space<vmem>>, vector<1x16xi32>,
    %swap3A_211 = vector.shape_cast %swap3A_210 : vector<1x16xi32> to vector<16xi32>
    %swap3A_212 = vector.shape_cast %select_n3A_206 : vector<16xi32> to vector<1x16xi32>
    tpu.vector_store %arg9[%swap3A_208, %swap3A_209], %swap3A_212 {strides = array<i32>} : memref<8x128xi32, #tpu.memory_space<vmem>>, vector<1x16xi32>,
    %get3A_213 = arith.constant 0 : i32
    %get3A_214 = arith.index_cast %get3A_213 : i32 to index
    %get3A_215 = arith.constant 64 : index
    %get3A_216 = tpu.vector_load %arg9[%get3A_214, %get3A_215] {strides = array<i32>} : memref<8x128xi32, #tpu.memory_space<vmem>>, vector<1x16xi32>,
    %get3A_217 = vector.shape_cast %get3A_216 : vector<1x16xi32> to vector<16xi32>
    %ge3A_218 = vector.broadcast %mul3A_142 : i32 to vector<16xi32>
    %ge3A_219 = arith.cmpi sge, %get3A_217, %ge3A_218 : vector<16xi32>
    %lt3A_220 = vector.broadcast %add3A_144 : i32 to vector<16xi32>
    %lt3A_221 = arith.cmpi slt, %get3A_217, %lt3A_220 : vector<16xi32>
    %and3A_222 = arith.andi %ge3A_219, %lt3A_221 : vector<16xi1>
    %jit3A_223 = arith.constant 428544 : i32
    %broadcast_in_dim3A_224 = vector.broadcast %jit3A_223 : i32 to vector<16xi32>
    %select_n3A_225 = arith.select %and3A_222, %get3A_217, %broadcast_in_dim3A_224 : vector<16xi1>, vector<16xi32>
    %swap3A_226 = arith.constant 0 : i32
    %swap3A_227 = arith.index_cast %swap3A_226 : i32 to index
    %swap3A_228 = arith.constant 64 : index
    %swap3A_229 = tpu.vector_load %arg9[%swap3A_227, %swap3A_228] {strides = array<i32>} : memref<8x128xi32, #tpu.memory_space<vmem>>, vector<1x16xi32>,
    %swap3A_230 = vector.shape_cast %swap3A_229 : vector<1x16xi32> to vector<16xi32>
    %swap3A_231 = vector.shape_cast %select_n3A_225 : vector<16xi32> to vector<1x16xi32>
    tpu.vector_store %arg9[%swap3A_227, %swap3A_228], %swap3A_231 {strides = array<i32>} : memref<8x128xi32, #tpu.memory_space<vmem>>, vector<1x16xi32>,
    %get3A_232 = arith.constant 0 : i32
    %get3A_233 = arith.index_cast %get3A_232 : i32 to index
    %get3A_234 = arith.constant 80 : index
    %get3A_235 = tpu.vector_load %arg9[%get3A_233, %get3A_234] {strides = array<i32>} : memref<8x128xi32, #tpu.memory_space<vmem>>, vector<1x16xi32>,
    %get3A_236 = vector.shape_cast %get3A_235 : vector<1x16xi32> to vector<16xi32>
    %ge3A_237 = vector.broadcast %mul3A_142 : i32 to vector<16xi32>
    %ge3A_238 = arith.cmpi sge, %get3A_236, %ge3A_237 : vector<16xi32>
    %lt3A_239 = vector.broadcast %add3A_144 : i32 to vector<16xi32>
    %lt3A_240 = arith.cmpi slt, %get3A_236, %lt3A_239 : vector<16xi32>
    %and3A_241 = arith.andi %ge3A_238, %lt3A_240 : vector<16xi1>
    %jit3A_242 = arith.constant 428544 : i32
    %broadcast_in_dim3A_243 = vector.broadcast %jit3A_242 : i32 to vector<16xi32>
    %select_n3A_244 = arith.select %and3A_241, %get3A_236, %broadcast_in_dim3A_243 : vector<16xi1>, vector<16xi32>
    %swap3A_245 = arith.constant 0 : i32
    %swap3A_246 = arith.index_cast %swap3A_245 : i32 to index
    %swap3A_247 = arith.constant 80 : index
    %swap3A_248 = tpu.vector_load %arg9[%swap3A_246, %swap3A_247] {strides = array<i32>} : memref<8x128xi32, #tpu.memory_space<vmem>>, vector<1x16xi32>,
    %swap3A_249 = vector.shape_cast %swap3A_248 : vector<1x16xi32> to vector<16xi32>
    %swap3A_250 = vector.shape_cast %select_n3A_244 : vector<16xi32> to vector<1x16xi32>
    tpu.vector_store %arg9[%swap3A_246, %swap3A_247], %swap3A_250 {strides = array<i32>} : memref<8x128xi32, #tpu.memory_space<vmem>>, vector<1x16xi32>,
    %get3A_251 = arith.constant 0 : i32
    %get3A_252 = arith.index_cast %get3A_251 : i32 to index
    %get3A_253 = arith.constant 96 : index
    %get3A_254 = tpu.vector_load %arg9[%get3A_252, %get3A_253] {strides = array<i32>} : memref<8x128xi32, #tpu.memory_space<vmem>>, vector<1x16xi32>,
    %get3A_255 = vector.shape_cast %get3A_254 : vector<1x16xi32> to vector<16xi32>
    %ge3A_256 = vector.broadcast %mul3A_142 : i32 to vector<16xi32>
    %ge3A_257 = arith.cmpi sge, %get3A_255, %ge3A_256 : vector<16xi32>
    %lt3A_258 = vector.broadcast %add3A_144 : i32 to vector<16xi32>
    %lt3A_259 = arith.cmpi slt, %get3A_255, %lt3A_258 : vector<16xi32>
    %and3A_260 = arith.andi %ge3A_257, %lt3A_259 : vector<16xi1>
    %jit3A_261 = arith.constant 428544 : i32
    %broadcast_in_dim3A_262 = vector.broadcast %jit3A_261 : i32 to vector<16xi32>
    %select_n3A_263 = arith.select %and3A_260, %get3A_255, %broadcast_in_dim3A_262 : vector<16xi1>, vector<16xi32>
    %swap3A_264 = arith.constant 0 : i32
    %swap3A_265 = arith.index_cast %swap3A_264 : i32 to index
    %swap3A_266 = arith.constant 96 : index
    %swap3A_267 = tpu.vector_load %arg9[%swap3A_265, %swap3A_266] {strides = array<i32>} : memref<8x128xi32, #tpu.memory_space<vmem>>, vector<1x16xi32>,
    %swap3A_268 = vector.shape_cast %swap3A_267 : vector<1x16xi32> to vector<16xi32>
    %swap3A_269 = vector.shape_cast %select_n3A_263 : vector<16xi32> to vector<1x16xi32>
    tpu.vector_store %arg9[%swap3A_265, %swap3A_266], %swap3A_269 {strides = array<i32>} : memref<8x128xi32, #tpu.memory_space<vmem>>, vector<1x16xi32>,
    %get3A_270 = arith.constant 0 : i32
    %get3A_271 = arith.index_cast %get3A_270 : i32 to index
    %get3A_272 = arith.constant 112 : index
    %get3A_273 = tpu.vector_load %arg9[%get3A_271, %get3A_272] {strides = array<i32>} : memref<8x128xi32, #tpu.memory_space<vmem>>, vector<1x16xi32>,
    %get3A_274 = vector.shape_cast %get3A_273 : vector<1x16xi32> to vector<16xi32>
    %ge3A_275 = vector.broadcast %mul3A_142 : i32 to vector<16xi32>
    %ge3A_276 = arith.cmpi sge, %get3A_274, %ge3A_275 : vector<16xi32>
    %lt3A_277 = vector.broadcast %add3A_144 : i32 to vector<16xi32>
    %lt3A_278 = arith.cmpi slt, %get3A_274, %lt3A_277 : vector<16xi32>
    %and3A_279 = arith.andi %ge3A_276, %lt3A_278 : vector<16xi1>
    %jit3A_280 = arith.constant 428544 : i32
    %broadcast_in_dim3A_281 = vector.broadcast %jit3A_280 : i32 to vector<16xi32>
    %select_n3A_282 = arith.select %and3A_279, %get3A_274, %broadcast_in_dim3A_281 : vector<16xi1>, vector<16xi32>
    %swap3A_283 = arith.constant 0 : i32
    %swap3A_284 = arith.index_cast %swap3A_283 : i32 to index
    %swap3A_285 = arith.constant 112 : index
    %swap3A_286 = tpu.vector_load %arg9[%swap3A_284, %swap3A_285] {strides = array<i32>} : memref<8x128xi32, #tpu.memory_space<vmem>>, vector<1x16xi32>,
    %swap3A_287 = vector.shape_cast %swap3A_286 : vector<1x16xi32> to vector<16xi32>
    %swap3A_288 = vector.shape_cast %select_n3A_282 : vector<16xi32> to vector<1x16xi32>
    tpu.vector_store %arg9[%swap3A_284, %swap3A_285], %swap3A_288 {strides = array<i32>} : memref<8x128xi32, #tpu.memory_space<vmem>>, vector<1x16xi32>,
    %get3A_289 = arith.constant 1 : i32
    %get3A_290 = arith.index_cast %get3A_289 : i32 to index
    %get3A_291 = arith.constant 0 : index
    %get3A_292 = tpu.vector_load %arg9[%get3A_290, %get3A_291] {strides = array<i32>} : memref<8x128xi32, #tpu.memory_space<vmem>>, vector<1x16xi32>,
    %get3A_293 = vector.shape_cast %get3A_292 : vector<1x16xi32> to vector<16xi32>
    %ge3A_294 = vector.broadcast %mul3A_142 : i32 to vector<16xi32>
    %ge3A_295 = arith.cmpi sge, %get3A_293, %ge3A_294 : vector<16xi32>
    %lt3A_296 = vector.broadcast %add3A_144 : i32 to vector<16xi32>
    %lt3A_297 = arith.cmpi slt, %get3A_293, %lt3A_296 : vector<16xi32>
    %and3A_298 = arith.andi %ge3A_295, %lt3A_297 : vector<16xi1>
    %jit3A_299 = arith.constant 428544 : i32
    %broadcast_in_dim3A_300 = vector.broadcast %jit3A_299 : i32 to vector<16xi32>
    %select_n3A_301 = arith.select %and3A_298, %get3A_293, %broadcast_in_dim3A_300 : vector<16xi1>, vector<16xi32>
    %swap3A_302 = arith.constant 1 : i32
    %swap3A_303 = arith.index_cast %swap3A_302 : i32 to index
    %swap3A_304 = arith.constant 0 : index
    %swap3A_305 = tpu.vector_load %arg9[%swap3A_303, %swap3A_304] {strides = array<i32>} : memref<8x128xi32, #tpu.memory_space<vmem>>, vector<1x16xi32>,
    %swap3A_306 = vector.shape_cast %swap3A_305 : vector<1x16xi32> to vector<16xi32>
    %swap3A_307 = vector.shape_cast %select_n3A_301 : vector<16xi32> to vector<1x16xi32>
    tpu.vector_store %arg9[%swap3A_303, %swap3A_304], %swap3A_307 {strides = array<i32>} : memref<8x128xi32, #tpu.memory_space<vmem>>, vector<1x16xi32>,
    %get3A_308 = arith.constant 1 : i32
    %get3A_309 = arith.index_cast %get3A_308 : i32 to index
    %get3A_310 = arith.constant 16 : index
    %get3A_311 = tpu.vector_load %arg9[%get3A_309, %get3A_310] {strides = array<i32>} : memref<8x128xi32, #tpu.memory_space<vmem>>, vector<1x16xi32>,
    %get3A_312 = vector.shape_cast %get3A_311 : vector<1x16xi32> to vector<16xi32>
    %ge3A_313 = vector.broadcast %mul3A_142 : i32 to vector<16xi32>
    %ge3A_314 = arith.cmpi sge, %get3A_312, %ge3A_313 : vector<16xi32>
    %lt3A_315 = vector.broadcast %add3A_144 : i32 to vector<16xi32>
    %lt3A_316 = arith.cmpi slt, %get3A_312, %lt3A_315 : vector<16xi32>
    %and3A_317 = arith.andi %ge3A_314, %lt3A_316 : vector<16xi1>
    %jit3A_318 = arith.constant 428544 : i32
    %broadcast_in_dim3A_319 = vector.broadcast %jit3A_318 : i32 to vector<16xi32>
    %select_n3A_320 = arith.select %and3A_317, %get3A_312, %broadcast_in_dim3A_319 : vector<16xi1>, vector<16xi32>
    %swap3A_321 = arith.constant 1 : i32
    %swap3A_322 = arith.index_cast %swap3A_321 : i32 to index
    %swap3A_323 = arith.constant 16 : index
    %swap3A_324 = tpu.vector_load %arg9[%swap3A_322, %swap3A_323] {strides = array<i32>} : memref<8x128xi32, #tpu.memory_space<vmem>>, vector<1x16xi32>,
    %swap3A_325 = vector.shape_cast %swap3A_324 : vector<1x16xi32> to vector<16xi32>
    %swap3A_326 = vector.shape_cast %select_n3A_320 : vector<16xi32> to vector<1x16xi32>
    tpu.vector_store %arg9[%swap3A_322, %swap3A_323], %swap3A_326 {strides = array<i32>} : memref<8x128xi32, #tpu.memory_space<vmem>>, vector<1x16xi32>,
    %get3A_327 = arith.constant 1 : i32
    %get3A_328 = arith.index_cast %get3A_327 : i32 to index
    %get3A_329 = arith.constant 32 : index
    %get3A_330 = tpu.vector_load %arg9[%get3A_328, %get3A_329] {strides = array<i32>} : memref<8x128xi32, #tpu.memory_space<vmem>>, vector<1x16xi32>,
    %get3A_331 = vector.shape_cast %get3A_330 : vector<1x16xi32> to vector<16xi32>
    %ge3A_332 = vector.broadcast %mul3A_142 : i32 to vector<16xi32>
    %ge3A_333 = arith.cmpi sge, %get3A_331, %ge3A_332 : vector<16xi32>
    %lt3A_334 = vector.broadcast %add3A_144 : i32 to vector<16xi32>
    %lt3A_335 = arith.cmpi slt, %get3A_331, %lt3A_334 : vector<16xi32>
    %and3A_336 = arith.andi %ge3A_333, %lt3A_335 : vector<16xi1>
    %jit3A_337 = arith.constant 428544 : i32
    %broadcast_in_dim3A_338 = vector.broadcast %jit3A_337 : i32 to vector<16xi32>
    %select_n3A_339 = arith.select %and3A_336, %get3A_331, %broadcast_in_dim3A_338 : vector<16xi1>, vector<16xi32>
    %swap3A_340 = arith.constant 1 : i32
    %swap3A_341 = arith.index_cast %swap3A_340 : i32 to index
    %swap3A_342 = arith.constant 32 : index
    %swap3A_343 = tpu.vector_load %arg9[%swap3A_341, %swap3A_342] {strides = array<i32>} : memref<8x128xi32, #tpu.memory_space<vmem>>, vector<1x16xi32>,
    %swap3A_344 = vector.shape_cast %swap3A_343 : vector<1x16xi32> to vector<16xi32>
    %swap3A_345 = vector.shape_cast %select_n3A_339 : vector<16xi32> to vector<1x16xi32>
    tpu.vector_store %arg9[%swap3A_341, %swap3A_342], %swap3A_345 {strides = array<i32>} : memref<8x128xi32, #tpu.memory_space<vmem>>, vector<1x16xi32>,
    %get3A_346 = arith.constant 1 : i32
    %get3A_347 = arith.index_cast %get3A_346 : i32 to index
    %get3A_348 = arith.constant 48 : index
    %get3A_349 = tpu.vector_load %arg9[%get3A_347, %get3A_348] {strides = array<i32>} : memref<8x128xi32, #tpu.memory_space<vmem>>, vector<1x16xi32>,
    %get3A_350 = vector.shape_cast %get3A_349 : vector<1x16xi32> to vector<16xi32>
    %ge3A_351 = vector.broadcast %mul3A_142 : i32 to vector<16xi32>
    %ge3A_352 = arith.cmpi sge, %get3A_350, %ge3A_351 : vector<16xi32>
    %lt3A_353 = vector.broadcast %add3A_144 : i32 to vector<16xi32>
    %lt3A_354 = arith.cmpi slt, %get3A_350, %lt3A_353 : vector<16xi32>
    %and3A_355 = arith.andi %ge3A_352, %lt3A_354 : vector<16xi1>
    %jit3A_356 = arith.constant 428544 : i32
    %broadcast_in_dim3A_357 = vector.broadcast %jit3A_356 : i32 to vector<16xi32>
    %select_n3A_358 = arith.select %and3A_355, %get3A_350, %broadcast_in_dim3A_357 : vector<16xi1>, vector<16xi32>
    %swap3A_359 = arith.constant 1 : i32
    %swap3A_360 = arith.index_cast %swap3A_359 : i32 to index
    %swap3A_361 = arith.constant 48 : index
    %swap3A_362 = tpu.vector_load %arg9[%swap3A_360, %swap3A_361] {strides = array<i32>} : memref<8x128xi32, #tpu.memory_space<vmem>>, vector<1x16xi32>,
    %swap3A_363 = vector.shape_cast %swap3A_362 : vector<1x16xi32> to vector<16xi32>
    %swap3A_364 = vector.shape_cast %select_n3A_358 : vector<16xi32> to vector<1x16xi32>
    tpu.vector_store %arg9[%swap3A_360, %swap3A_361], %swap3A_364 {strides = array<i32>} : memref<8x128xi32, #tpu.memory_space<vmem>>, vector<1x16xi32>,
    %get3A_365 = arith.constant 1 : i32
    %get3A_366 = arith.index_cast %get3A_365 : i32 to index
    %get3A_367 = arith.constant 64 : index
    %get3A_368 = tpu.vector_load %arg9[%get3A_366, %get3A_367] {strides = array<i32>} : memref<8x128xi32, #tpu.memory_space<vmem>>, vector<1x16xi32>,
    %get3A_369 = vector.shape_cast %get3A_368 : vector<1x16xi32> to vector<16xi32>
    %ge3A_370 = vector.broadcast %mul3A_142 : i32 to vector<16xi32>
    %ge3A_371 = arith.cmpi sge, %get3A_369, %ge3A_370 : vector<16xi32>
    %lt3A_372 = vector.broadcast %add3A_144 : i32 to vector<16xi32>
    %lt3A_373 = arith.cmpi slt, %get3A_369, %lt3A_372 : vector<16xi32>
    %and3A_374 = arith.andi %ge3A_371, %lt3A_373 : vector<16xi1>
    %jit3A_375 = arith.constant 428544 : i32
    %broadcast_in_dim3A_376 = vector.broadcast %jit3A_375 : i32 to vector<16xi32>
    %select_n3A_377 = arith.select %and3A_374, %get3A_369, %broadcast_in_dim3A_376 : vector<16xi1>, vector<16xi32>
    %swap3A_378 = arith.constant 1 : i32
    %swap3A_379 = arith.index_cast %swap3A_378 : i32 to index
    %swap3A_380 = arith.constant 64 : index
    %swap3A_381 = tpu.vector_load %arg9[%swap3A_379, %swap3A_380] {strides = array<i32>} : memref<8x128xi32, #tpu.memory_space<vmem>>, vector<1x16xi32>,
    %swap3A_382 = vector.shape_cast %swap3A_381 : vector<1x16xi32> to vector<16xi32>
    %swap3A_383 = vector.shape_cast %select_n3A_377 : vector<16xi32> to vector<1x16xi32>
    tpu.vector_store %arg9[%swap3A_379, %swap3A_380], %swap3A_383 {strides = array<i32>} : memref<8x128xi32, #tpu.memory_space<vmem>>, vector<1x16xi32>,
    %get3A_384 = arith.constant 1 : i32
    %get3A_385 = arith.index_cast %get3A_384 : i32 to index
    %get3A_386 = arith.constant 80 : index
    %get3A_387 = tpu.vector_load %arg9[%get3A_385, %get3A_386] {strides = array<i32>} : memref<8x128xi32, #tpu.memory_space<vmem>>, vector<1x16xi32>,
    %get3A_388 = vector.shape_cast %get3A_387 : vector<1x16xi32> to vector<16xi32>
    %ge3A_389 = vector.broadcast %mul3A_142 : i32 to vector<16xi32>
    %ge3A_390 = arith.cmpi sge, %get3A_388, %ge3A_389 : vector<16xi32>
    %lt3A_391 = vector.broadcast %add3A_144 : i32 to vector<16xi32>
    %lt3A_392 = arith.cmpi slt, %get3A_388, %lt3A_391 : vector<16xi32>
    %and3A_393 = arith.andi %ge3A_390, %lt3A_392 : vector<16xi1>
    %jit3A_394 = arith.constant 428544 : i32
    %broadcast_in_dim3A_395 = vector.broadcast %jit3A_394 : i32 to vector<16xi32>
    %select_n3A_396 = arith.select %and3A_393, %get3A_388, %broadcast_in_dim3A_395 : vector<16xi1>, vector<16xi32>
    %swap3A_397 = arith.constant 1 : i32
    %swap3A_398 = arith.index_cast %swap3A_397 : i32 to index
    %swap3A_399 = arith.constant 80 : index
    %swap3A_400 = tpu.vector_load %arg9[%swap3A_398, %swap3A_399] {strides = array<i32>} : memref<8x128xi32, #tpu.memory_space<vmem>>, vector<1x16xi32>,
    %swap3A_401 = vector.shape_cast %swap3A_400 : vector<1x16xi32> to vector<16xi32>
    %swap3A_402 = vector.shape_cast %select_n3A_396 : vector<16xi32> to vector<1x16xi32>
    tpu.vector_store %arg9[%swap3A_398, %swap3A_399], %swap3A_402 {strides = array<i32>} : memref<8x128xi32, #tpu.memory_space<vmem>>, vector<1x16xi32>,
    %get3A_403 = arith.constant 1 : i32
    %get3A_404 = arith.index_cast %get3A_403 : i32 to index
    %get3A_405 = arith.constant 96 : index
    %get3A_406 = tpu.vector_load %arg9[%get3A_404, %get3A_405] {strides = array<i32>} : memref<8x128xi32, #tpu.memory_space<vmem>>, vector<1x16xi32>,
    %get3A_407 = vector.shape_cast %get3A_406 : vector<1x16xi32> to vector<16xi32>
    %ge3A_408 = vector.broadcast %mul3A_142 : i32 to vector<16xi32>
    %ge3A_409 = arith.cmpi sge, %get3A_407, %ge3A_408 : vector<16xi32>
    %lt3A_410 = vector.broadcast %add3A_144 : i32 to vector<16xi32>
    %lt3A_411 = arith.cmpi slt, %get3A_407, %lt3A_410 : vector<16xi32>
    %and3A_412 = arith.andi %ge3A_409, %lt3A_411 : vector<16xi1>
    %jit3A_413 = arith.constant 428544 : i32
    %broadcast_in_dim3A_414 = vector.broadcast %jit3A_413 : i32 to vector<16xi32>
    %select_n3A_415 = arith.select %and3A_412, %get3A_407, %broadcast_in_dim3A_414 : vector<16xi1>, vector<16xi32>
    %swap3A_416 = arith.constant 1 : i32
    %swap3A_417 = arith.index_cast %swap3A_416 : i32 to index
    %swap3A_418 = arith.constant 96 : index
    %swap3A_419 = tpu.vector_load %arg9[%swap3A_417, %swap3A_418] {strides = array<i32>} : memref<8x128xi32, #tpu.memory_space<vmem>>, vector<1x16xi32>,
    %swap3A_420 = vector.shape_cast %swap3A_419 : vector<1x16xi32> to vector<16xi32>
    %swap3A_421 = vector.shape_cast %select_n3A_415 : vector<16xi32> to vector<1x16xi32>
    tpu.vector_store %arg9[%swap3A_417, %swap3A_418], %swap3A_421 {strides = array<i32>} : memref<8x128xi32, #tpu.memory_space<vmem>>, vector<1x16xi32>,
    %get3A_422 = arith.constant 1 : i32
    %get3A_423 = arith.index_cast %get3A_422 : i32 to index
    %get3A_424 = arith.constant 112 : index
    %get3A_425 = tpu.vector_load %arg9[%get3A_423, %get3A_424] {strides = array<i32>} : memref<8x128xi32, #tpu.memory_space<vmem>>, vector<1x16xi32>,
    %get3A_426 = vector.shape_cast %get3A_425 : vector<1x16xi32> to vector<16xi32>
    %ge3A_427 = vector.broadcast %mul3A_142 : i32 to vector<16xi32>
    %ge3A_428 = arith.cmpi sge, %get3A_426, %ge3A_427 : vector<16xi32>
    %lt3A_429 = vector.broadcast %add3A_144 : i32 to vector<16xi32>
    %lt3A_430 = arith.cmpi slt, %get3A_426, %lt3A_429 : vector<16xi32>
    %and3A_431 = arith.andi %ge3A_428, %lt3A_430 : vector<16xi1>
    %jit3A_432 = arith.constant 428544 : i32
    %broadcast_in_dim3A_433 = vector.broadcast %jit3A_432 : i32 to vector<16xi32>
    %select_n3A_434 = arith.select %and3A_431, %get3A_426, %broadcast_in_dim3A_433 : vector<16xi1>, vector<16xi32>
    %swap3A_435 = arith.constant 1 : i32
    %swap3A_436 = arith.index_cast %swap3A_435 : i32 to index
    %swap3A_437 = arith.constant 112 : index
    %swap3A_438 = tpu.vector_load %arg9[%swap3A_436, %swap3A_437] {strides = array<i32>} : memref<8x128xi32, #tpu.memory_space<vmem>>, vector<1x16xi32>,
    %swap3A_439 = vector.shape_cast %swap3A_438 : vector<1x16xi32> to vector<16xi32>
    %swap3A_440 = vector.shape_cast %select_n3A_434 : vector<16xi32> to vector<1x16xi32>
    tpu.vector_store %arg9[%swap3A_436, %swap3A_437], %swap3A_440 {strides = array<i32>} : memref<8x128xi32, #tpu.memory_space<vmem>>, vector<1x16xi32>,
    %get3A_441 = arith.constant 2 : i32
    %get3A_442 = arith.index_cast %get3A_441 : i32 to index
    %get3A_443 = arith.constant 0 : index
    %get3A_444 = tpu.vector_load %arg9[%get3A_442, %get3A_443] {strides = array<i32>} : memref<8x128xi32, #tpu.memory_space<vmem>>, vector<1x16xi32>,
    %get3A_445 = vector.shape_cast %get3A_444 : vector<1x16xi32> to vector<16xi32>
    %ge3A_446 = vector.broadcast %mul3A_142 : i32 to vector<16xi32>
    %ge3A_447 = arith.cmpi sge, %get3A_445, %ge3A_446 : vector<16xi32>
    %lt3A_448 = vector.broadcast %add3A_144 : i32 to vector<16xi32>
    %lt3A_449 = arith.cmpi slt, %get3A_445, %lt3A_448 : vector<16xi32>
    %and3A_450 = arith.andi %ge3A_447, %lt3A_449 : vector<16xi1>
    %jit3A_451 = arith.constant 428544 : i32
    %broadcast_in_dim3A_452 = vector.broadcast %jit3A_451 : i32 to vector<16xi32>
    %select_n3A_453 = arith.select %and3A_450, %get3A_445, %broadcast_in_dim3A_452 : vector<16xi1>, vector<16xi32>
    %swap3A_454 = arith.constant 2 : i32
    %swap3A_455 = arith.index_cast %swap3A_454 : i32 to index
    %swap3A_456 = arith.constant 0 : index
    %swap3A_457 = tpu.vector_load %arg9[%swap3A_455, %swap3A_456] {strides = array<i32>} : memref<8x128xi32, #tpu.memory_space<vmem>>, vector<1x16xi32>,
    %swap3A_458 = vector.shape_cast %swap3A_457 : vector<1x16xi32> to vector<16xi32>
    %swap3A_459 = vector.shape_cast %select_n3A_453 : vector<16xi32> to vector<1x16xi32>
    tpu.vector_store %arg9[%swap3A_455, %swap3A_456], %swap3A_459 {strides = array<i32>} : memref<8x128xi32, #tpu.memory_space<vmem>>, vector<1x16xi32>,
    %get3A_460 = arith.constant 2 : i32
    %get3A_461 = arith.index_cast %get3A_460 : i32 to index
    %get3A_462 = arith.constant 16 : index
    %get3A_463 = tpu.vector_load %arg9[%get3A_461, %get3A_462] {strides = array<i32>} : memref<8x128xi32, #tpu.memory_space<vmem>>, vector<1x16xi32>,
    %get3A_464 = vector.shape_cast %get3A_463 : vector<1x16xi32> to vector<16xi32>
    %ge3A_465 = vector.broadcast %mul3A_142 : i32 to vector<16xi32>
    %ge3A_466 = arith.cmpi sge, %get3A_464, %ge3A_465 : vector<16xi32>
    %lt3A_467 = vector.broadcast %add3A_144 : i32 to vector<16xi32>
    %lt3A_468 = arith.cmpi slt, %get3A_464, %lt3A_467 : vector<16xi32>
    %and3A_469 = arith.andi %ge3A_466, %lt3A_468 : vector<16xi1>
    %jit3A_470 = arith.constant 428544 : i32
    %broadcast_in_dim3A_471 = vector.broadcast %jit3A_470 : i32 to vector<16xi32>
    %select_n3A_472 = arith.select %and3A_469, %get3A_464, %broadcast_in_dim3A_471 : vector<16xi1>, vector<16xi32>
    %swap3A_473 = arith.constant 2 : i32
    %swap3A_474 = arith.index_cast %swap3A_473 : i32 to index
    %swap3A_475 = arith.constant 16 : index
    %swap3A_476 = tpu.vector_load %arg9[%swap3A_474, %swap3A_475] {strides = array<i32>} : memref<8x128xi32, #tpu.memory_space<vmem>>, vector<1x16xi32>,
    %swap3A_477 = vector.shape_cast %swap3A_476 : vector<1x16xi32> to vector<16xi32>
    %swap3A_478 = vector.shape_cast %select_n3A_472 : vector<16xi32> to vector<1x16xi32>
    tpu.vector_store %arg9[%swap3A_474, %swap3A_475], %swap3A_478 {strides = array<i32>} : memref<8x128xi32, #tpu.memory_space<vmem>>, vector<1x16xi32>,
    %get3A_479 = arith.constant 2 : i32
    %get3A_480 = arith.index_cast %get3A_479 : i32 to index
    %get3A_481 = arith.constant 32 : index
    %get3A_482 = tpu.vector_load %arg9[%get3A_480, %get3A_481] {strides = array<i32>} : memref<8x128xi32, #tpu.memory_space<vmem>>, vector<1x16xi32>,
    %get3A_483 = vector.shape_cast %get3A_482 : vector<1x16xi32> to vector<16xi32>
    %ge3A_484 = vector.broadcast %mul3A_142 : i32 to vector<16xi32>
    %ge3A_485 = arith.cmpi sge, %get3A_483, %ge3A_484 : vector<16xi32>
    %lt3A_486 = vector.broadcast %add3A_144 : i32 to vector<16xi32>
    %lt3A_487 = arith.cmpi slt, %get3A_483, %lt3A_486 : vector<16xi32>
    %and3A_488 = arith.andi %ge3A_485, %lt3A_487 : vector<16xi1>
    %jit3A_489 = arith.constant 428544 : i32
    %broadcast_in_dim3A_490 = vector.broadcast %jit3A_489 : i32 to vector<16xi32>
    %select_n3A_491 = arith.select %and3A_488, %get3A_483, %broadcast_in_dim3A_490 : vector<16xi1>, vector<16xi32>
    %swap3A_492 = arith.constant 2 : i32
    %swap3A_493 = arith.index_cast %swap3A_492 : i32 to index
    %swap3A_494 = arith.constant 32 : index
    %swap3A_495 = tpu.vector_load %arg9[%swap3A_493, %swap3A_494] {strides = array<i32>} : memref<8x128xi32, #tpu.memory_space<vmem>>, vector<1x16xi32>,
    %swap3A_496 = vector.shape_cast %swap3A_495 : vector<1x16xi32> to vector<16xi32>
    %swap3A_497 = vector.shape_cast %select_n3A_491 : vector<16xi32> to vector<1x16xi32>
    tpu.vector_store %arg9[%swap3A_493, %swap3A_494], %swap3A_497 {strides = array<i32>} : memref<8x128xi32, #tpu.memory_space<vmem>>, vector<1x16xi32>,
    %get3A_498 = arith.constant 2 : i32
    %get3A_499 = arith.index_cast %get3A_498 : i32 to index
    %get3A_500 = arith.constant 48 : index
    %get3A_501 = tpu.vector_load %arg9[%get3A_499, %get3A_500] {strides = array<i32>} : memref<8x128xi32, #tpu.memory_space<vmem>>, vector<1x16xi32>,
    %get3A_502 = vector.shape_cast %get3A_501 : vector<1x16xi32> to vector<16xi32>
    %ge3A_503 = vector.broadcast %mul3A_142 : i32 to vector<16xi32>
    %ge3A_504 = arith.cmpi sge, %get3A_502, %ge3A_503 : vector<16xi32>
    %lt3A_505 = vector.broadcast %add3A_144 : i32 to vector<16xi32>
    %lt3A_506 = arith.cmpi slt, %get3A_502, %lt3A_505 : vector<16xi32>
    %and3A_507 = arith.andi %ge3A_504, %lt3A_506 : vector<16xi1>
    %jit3A_508 = arith.constant 428544 : i32
    %broadcast_in_dim3A_509 = vector.broadcast %jit3A_508 : i32 to vector<16xi32>
    %select_n3A_510 = arith.select %and3A_507, %get3A_502, %broadcast_in_dim3A_509 : vector<16xi1>, vector<16xi32>
    %swap3A_511 = arith.constant 2 : i32
    %swap3A_512 = arith.index_cast %swap3A_511 : i32 to index
    %swap3A_513 = arith.constant 48 : index
    %swap3A_514 = tpu.vector_load %arg9[%swap3A_512, %swap3A_513] {strides = array<i32>} : memref<8x128xi32, #tpu.memory_space<vmem>>, vector<1x16xi32>,
    %swap3A_515 = vector.shape_cast %swap3A_514 : vector<1x16xi32> to vector<16xi32>
    %swap3A_516 = vector.shape_cast %select_n3A_510 : vector<16xi32> to vector<1x16xi32>
    tpu.vector_store %arg9[%swap3A_512, %swap3A_513], %swap3A_516 {strides = array<i32>} : memref<8x128xi32, #tpu.memory_space<vmem>>, vector<1x16xi32>,
    %get3A_517 = arith.constant 2 : i32
    %get3A_518 = arith.index_cast %get3A_517 : i32 to index
    %get3A_519 = arith.constant 64 : index
    %get3A_520 = tpu.vector_load %arg9[%get3A_518, %get3A_519] {strides = array<i32>} : memref<8x128xi32, #tpu.memory_space<vmem>>, vector<1x16xi32>,
    %get3A_521 = vector.shape_cast %get3A_520 : vector<1x16xi32> to vector<16xi32>
    %ge3A_522 = vector.broadcast %mul3A_142 : i32 to vector<16xi32>
    %ge3A_523 = arith.cmpi sge, %get3A_521, %ge3A_522 : vector<16xi32>
    %lt3A_524 = vector.broadcast %add3A_144 : i32 to vector<16xi32>
    %lt3A_525 = arith.cmpi slt, %get3A_521, %lt3A_524 : vector<16xi32>
    %and3A_526 = arith.andi %ge3A_523, %lt3A_525 : vector<16xi1>
    %jit3A_527 = arith.constant 428544 : i32
    %broadcast_in_dim3A_528 = vector.broadcast %jit3A_527 : i32 to vector<16xi32>
    %select_n3A_529 = arith.select %and3A_526, %get3A_521, %broadcast_in_dim3A_528 : vector<16xi1>, vector<16xi32>
    %swap3A_530 = arith.constant 2 : i32
    %swap3A_531 = arith.index_cast %swap3A_530 : i32 to index
    %swap3A_532 = arith.constant 64 : index
    %swap3A_533 = tpu.vector_load %arg9[%swap3A_531, %swap3A_532] {strides = array<i32>} : memref<8x128xi32, #tpu.memory_space<vmem>>, vector<1x16xi32>,
    %swap3A_534 = vector.shape_cast %swap3A_533 : vector<1x16xi32> to vector<16xi32>
    %swap3A_535 = vector.shape_cast %select_n3A_529 : vector<16xi32> to vector<1x16xi32>
    tpu.vector_store %arg9[%swap3A_531, %swap3A_532], %swap3A_535 {strides = array<i32>} : memref<8x128xi32, #tpu.memory_space<vmem>>, vector<1x16xi32>,
    %get3A_536 = arith.constant 2 : i32
    %get3A_537 = arith.index_cast %get3A_536 : i32 to index
    %get3A_538 = arith.constant 80 : index
    %get3A_539 = tpu.vector_load %arg9[%get3A_537, %get3A_538] {strides = array<i32>} : memref<8x128xi32, #tpu.memory_space<vmem>>, vector<1x16xi32>,
    %get3A_540 = vector.shape_cast %get3A_539 : vector<1x16xi32> to vector<16xi32>
    %ge3A_541 = vector.broadcast %mul3A_142 : i32 to vector<16xi32>
    %ge3A_542 = arith.cmpi sge, %get3A_540, %ge3A_541 : vector<16xi32>
    %lt3A_543 = vector.broadcast %add3A_144 : i32 to vector<16xi32>
    %lt3A_544 = arith.cmpi slt, %get3A_540, %lt3A_543 : vector<16xi32>
    %and3A_545 = arith.andi %ge3A_542, %lt3A_544 : vector<16xi1>
    %jit3A_546 = arith.constant 428544 : i32
    %broadcast_in_dim3A_547 = vector.broadcast %jit3A_546 : i32 to vector<16xi32>
    %select_n3A_548 = arith.select %and3A_545, %get3A_540, %broadcast_in_dim3A_547 : vector<16xi1>, vector<16xi32>
    %swap3A_549 = arith.constant 2 : i32
    %swap3A_550 = arith.index_cast %swap3A_549 : i32 to index
    %swap3A_551 = arith.constant 80 : index
    %swap3A_552 = tpu.vector_load %arg9[%swap3A_550, %swap3A_551] {strides = array<i32>} : memref<8x128xi32, #tpu.memory_space<vmem>>, vector<1x16xi32>,
    %swap3A_553 = vector.shape_cast %swap3A_552 : vector<1x16xi32> to vector<16xi32>
    %swap3A_554 = vector.shape_cast %select_n3A_548 : vector<16xi32> to vector<1x16xi32>
    tpu.vector_store %arg9[%swap3A_550, %swap3A_551], %swap3A_554 {strides = array<i32>} : memref<8x128xi32, #tpu.memory_space<vmem>>, vector<1x16xi32>,
    %get3A_555 = arith.constant 2 : i32
    %get3A_556 = arith.index_cast %get3A_555 : i32 to index
    %get3A_557 = arith.constant 96 : index
    %get3A_558 = tpu.vector_load %arg9[%get3A_556, %get3A_557] {strides = array<i32>} : memref<8x128xi32, #tpu.memory_space<vmem>>, vector<1x16xi32>,
    %get3A_559 = vector.shape_cast %get3A_558 : vector<1x16xi32> to vector<16xi32>
    %ge3A_560 = vector.broadcast %mul3A_142 : i32 to vector<16xi32>
    %ge3A_561 = arith.cmpi sge, %get3A_559, %ge3A_560 : vector<16xi32>
    %lt3A_562 = vector.broadcast %add3A_144 : i32 to vector<16xi32>
    %lt3A_563 = arith.cmpi slt, %get3A_559, %lt3A_562 : vector<16xi32>
    %and3A_564 = arith.andi %ge3A_561, %lt3A_563 : vector<16xi1>
    %jit3A_565 = arith.constant 428544 : i32
    %broadcast_in_dim3A_566 = vector.broadcast %jit3A_565 : i32 to vector<16xi32>
    %select_n3A_567 = arith.select %and3A_564, %get3A_559, %broadcast_in_dim3A_566 : vector<16xi1>, vector<16xi32>
    %swap3A_568 = arith.constant 2 : i32
    %swap3A_569 = arith.index_cast %swap3A_568 : i32 to index
    %swap3A_570 = arith.constant 96 : index
    %swap3A_571 = tpu.vector_load %arg9[%swap3A_569, %swap3A_570] {strides = array<i32>} : memref<8x128xi32, #tpu.memory_space<vmem>>, vector<1x16xi32>,
    %swap3A_572 = vector.shape_cast %swap3A_571 : vector<1x16xi32> to vector<16xi32>
    %swap3A_573 = vector.shape_cast %select_n3A_567 : vector<16xi32> to vector<1x16xi32>
    tpu.vector_store %arg9[%swap3A_569, %swap3A_570], %swap3A_573 {strides = array<i32>} : memref<8x128xi32, #tpu.memory_space<vmem>>, vector<1x16xi32>,
    %get3A_574 = arith.constant 2 : i32
    %get3A_575 = arith.index_cast %get3A_574 : i32 to index
    %get3A_576 = arith.constant 112 : index
    %get3A_577 = tpu.vector_load %arg9[%get3A_575, %get3A_576] {strides = array<i32>} : memref<8x128xi32, #tpu.memory_space<vmem>>, vector<1x16xi32>,
    %get3A_578 = vector.shape_cast %get3A_577 : vector<1x16xi32> to vector<16xi32>
    %ge3A_579 = vector.broadcast %mul3A_142 : i32 to vector<16xi32>
    %ge3A_580 = arith.cmpi sge, %get3A_578, %ge3A_579 : vector<16xi32>
    %lt3A_581 = vector.broadcast %add3A_144 : i32 to vector<16xi32>
    %lt3A_582 = arith.cmpi slt, %get3A_578, %lt3A_581 : vector<16xi32>
    %and3A_583 = arith.andi %ge3A_580, %lt3A_582 : vector<16xi1>
    %jit3A_584 = arith.constant 428544 : i32
    %broadcast_in_dim3A_585 = vector.broadcast %jit3A_584 : i32 to vector<16xi32>
    %select_n3A_586 = arith.select %and3A_583, %get3A_578, %broadcast_in_dim3A_585 : vector<16xi1>, vector<16xi32>
    %swap3A_587 = arith.constant 2 : i32
    %swap3A_588 = arith.index_cast %swap3A_587 : i32 to index
    %swap3A_589 = arith.constant 112 : index
    %swap3A_590 = tpu.vector_load %arg9[%swap3A_588, %swap3A_589] {strides = array<i32>} : memref<8x128xi32, #tpu.memory_space<vmem>>, vector<1x16xi32>,
    %swap3A_591 = vector.shape_cast %swap3A_590 : vector<1x16xi32> to vector<16xi32>
    %swap3A_592 = vector.shape_cast %select_n3A_586 : vector<16xi32> to vector<1x16xi32>
    tpu.vector_store %arg9[%swap3A_588, %swap3A_589], %swap3A_592 {strides = array<i32>} : memref<8x128xi32, #tpu.memory_space<vmem>>, vector<1x16xi32>,
    %get3A_593 = arith.constant 3 : i32
    %get3A_594 = arith.index_cast %get3A_593 : i32 to index
    %get3A_595 = arith.constant 0 : index
    %get3A_596 = tpu.vector_load %arg9[%get3A_594, %get3A_595] {strides = array<i32>} : memref<8x128xi32, #tpu.memory_space<vmem>>, vector<1x16xi32>,
    %get3A_597 = vector.shape_cast %get3A_596 : vector<1x16xi32> to vector<16xi32>
    %ge3A_598 = vector.broadcast %mul3A_142 : i32 to vector<16xi32>
    %ge3A_599 = arith.cmpi sge, %get3A_597, %ge3A_598 : vector<16xi32>
    %lt3A_600 = vector.broadcast %add3A_144 : i32 to vector<16xi32>
    %lt3A_601 = arith.cmpi slt, %get3A_597, %lt3A_600 : vector<16xi32>
    %and3A_602 = arith.andi %ge3A_599, %lt3A_601 : vector<16xi1>
    %jit3A_603 = arith.constant 428544 : i32
    %broadcast_in_dim3A_604 = vector.broadcast %jit3A_603 : i32 to vector<16xi32>
    %select_n3A_605 = arith.select %and3A_602, %get3A_597, %broadcast_in_dim3A_604 : vector<16xi1>, vector<16xi32>
    %swap3A_606 = arith.constant 3 : i32
    %swap3A_607 = arith.index_cast %swap3A_606 : i32 to index
    %swap3A_608 = arith.constant 0 : index
    %swap3A_609 = tpu.vector_load %arg9[%swap3A_607, %swap3A_608] {strides = array<i32>} : memref<8x128xi32, #tpu.memory_space<vmem>>, vector<1x16xi32>,
    %swap3A_610 = vector.shape_cast %swap3A_609 : vector<1x16xi32> to vector<16xi32>
    %swap3A_611 = vector.shape_cast %select_n3A_605 : vector<16xi32> to vector<1x16xi32>
    tpu.vector_store %arg9[%swap3A_607, %swap3A_608], %swap3A_611 {strides = array<i32>} : memref<8x128xi32, #tpu.memory_space<vmem>>, vector<1x16xi32>,
    %get3A_612 = arith.constant 3 : i32
    %get3A_613 = arith.index_cast %get3A_612 : i32 to index
    %get3A_614 = arith.constant 16 : index
    %get3A_615 = tpu.vector_load %arg9[%get3A_613, %get3A_614] {strides = array<i32>} : memref<8x128xi32, #tpu.memory_space<vmem>>, vector<1x16xi32>,
    %get3A_616 = vector.shape_cast %get3A_615 : vector<1x16xi32> to vector<16xi32>
    %ge3A_617 = vector.broadcast %mul3A_142 : i32 to vector<16xi32>
    %ge3A_618 = arith.cmpi sge, %get3A_616, %ge3A_617 : vector<16xi32>
    %lt3A_619 = vector.broadcast %add3A_144 : i32 to vector<16xi32>
    %lt3A_620 = arith.cmpi slt, %get3A_616, %lt3A_619 : vector<16xi32>
    %and3A_621 = arith.andi %ge3A_618, %lt3A_620 : vector<16xi1>
    %jit3A_622 = arith.constant 428544 : i32
    %broadcast_in_dim3A_623 = vector.broadcast %jit3A_622 : i32 to vector<16xi32>
    %select_n3A_624 = arith.select %and3A_621, %get3A_616, %broadcast_in_dim3A_623 : vector<16xi1>, vector<16xi32>
    %swap3A_625 = arith.constant 3 : i32
    %swap3A_626 = arith.index_cast %swap3A_625 : i32 to index
    %swap3A_627 = arith.constant 16 : index
    %swap3A_628 = tpu.vector_load %arg9[%swap3A_626, %swap3A_627] {strides = array<i32>} : memref<8x128xi32, #tpu.memory_space<vmem>>, vector<1x16xi32>,
    %swap3A_629 = vector.shape_cast %swap3A_628 : vector<1x16xi32> to vector<16xi32>
    %swap3A_630 = vector.shape_cast %select_n3A_624 : vector<16xi32> to vector<1x16xi32>
    tpu.vector_store %arg9[%swap3A_626, %swap3A_627], %swap3A_630 {strides = array<i32>} : memref<8x128xi32, #tpu.memory_space<vmem>>, vector<1x16xi32>,
    %get3A_631 = arith.constant 3 : i32
    %get3A_632 = arith.index_cast %get3A_631 : i32 to index
    %get3A_633 = arith.constant 32 : index
    %get3A_634 = tpu.vector_load %arg9[%get3A_632, %get3A_633] {strides = array<i32>} : memref<8x128xi32, #tpu.memory_space<vmem>>, vector<1x16xi32>,
    %get3A_635 = vector.shape_cast %get3A_634 : vector<1x16xi32> to vector<16xi32>
    %ge3A_636 = vector.broadcast %mul3A_142 : i32 to vector<16xi32>
    %ge3A_637 = arith.cmpi sge, %get3A_635, %ge3A_636 : vector<16xi32>
    %lt3A_638 = vector.broadcast %add3A_144 : i32 to vector<16xi32>
    %lt3A_639 = arith.cmpi slt, %get3A_635, %lt3A_638 : vector<16xi32>
    %and3A_640 = arith.andi %ge3A_637, %lt3A_639 : vector<16xi1>
    %jit3A_641 = arith.constant 428544 : i32
    %broadcast_in_dim3A_642 = vector.broadcast %jit3A_641 : i32 to vector<16xi32>
    %select_n3A_643 = arith.select %and3A_640, %get3A_635, %broadcast_in_dim3A_642 : vector<16xi1>, vector<16xi32>
    %swap3A_644 = arith.constant 3 : i32
    %swap3A_645 = arith.index_cast %swap3A_644 : i32 to index
    %swap3A_646 = arith.constant 32 : index
    %swap3A_647 = tpu.vector_load %arg9[%swap3A_645, %swap3A_646] {strides = array<i32>} : memref<8x128xi32, #tpu.memory_space<vmem>>, vector<1x16xi32>,
    %swap3A_648 = vector.shape_cast %swap3A_647 : vector<1x16xi32> to vector<16xi32>
    %swap3A_649 = vector.shape_cast %select_n3A_643 : vector<16xi32> to vector<1x16xi32>
    tpu.vector_store %arg9[%swap3A_645, %swap3A_646], %swap3A_649 {strides = array<i32>} : memref<8x128xi32, #tpu.memory_space<vmem>>, vector<1x16xi32>,
    %get3A_650 = arith.constant 3 : i32
    %get3A_651 = arith.index_cast %get3A_650 : i32 to index
    %get3A_652 = arith.constant 48 : index
    %get3A_653 = tpu.vector_load %arg9[%get3A_651, %get3A_652] {strides = array<i32>} : memref<8x128xi32, #tpu.memory_space<vmem>>, vector<1x16xi32>,
    %get3A_654 = vector.shape_cast %get3A_653 : vector<1x16xi32> to vector<16xi32>
    %ge3A_655 = vector.broadcast %mul3A_142 : i32 to vector<16xi32>
    %ge3A_656 = arith.cmpi sge, %get3A_654, %ge3A_655 : vector<16xi32>
    %lt3A_657 = vector.broadcast %add3A_144 : i32 to vector<16xi32>
    %lt3A_658 = arith.cmpi slt, %get3A_654, %lt3A_657 : vector<16xi32>
    %and3A_659 = arith.andi %ge3A_656, %lt3A_658 : vector<16xi1>
    %jit3A_660 = arith.constant 428544 : i32
    %broadcast_in_dim3A_661 = vector.broadcast %jit3A_660 : i32 to vector<16xi32>
    %select_n3A_662 = arith.select %and3A_659, %get3A_654, %broadcast_in_dim3A_661 : vector<16xi1>, vector<16xi32>
    %swap3A_663 = arith.constant 3 : i32
    %swap3A_664 = arith.index_cast %swap3A_663 : i32 to index
    %swap3A_665 = arith.constant 48 : index
    %swap3A_666 = tpu.vector_load %arg9[%swap3A_664, %swap3A_665] {strides = array<i32>} : memref<8x128xi32, #tpu.memory_space<vmem>>, vector<1x16xi32>,
    %swap3A_667 = vector.shape_cast %swap3A_666 : vector<1x16xi32> to vector<16xi32>
    %swap3A_668 = vector.shape_cast %select_n3A_662 : vector<16xi32> to vector<1x16xi32>
    tpu.vector_store %arg9[%swap3A_664, %swap3A_665], %swap3A_668 {strides = array<i32>} : memref<8x128xi32, #tpu.memory_space<vmem>>, vector<1x16xi32>,
    %get3A_669 = arith.constant 3 : i32
    %get3A_670 = arith.index_cast %get3A_669 : i32 to index
    %get3A_671 = arith.constant 64 : index
    %get3A_672 = tpu.vector_load %arg9[%get3A_670, %get3A_671] {strides = array<i32>} : memref<8x128xi32, #tpu.memory_space<vmem>>, vector<1x16xi32>,
    %get3A_673 = vector.shape_cast %get3A_672 : vector<1x16xi32> to vector<16xi32>
    %ge3A_674 = vector.broadcast %mul3A_142 : i32 to vector<16xi32>
    %ge3A_675 = arith.cmpi sge, %get3A_673, %ge3A_674 : vector<16xi32>
    %lt3A_676 = vector.broadcast %add3A_144 : i32 to vector<16xi32>
    %lt3A_677 = arith.cmpi slt, %get3A_673, %lt3A_676 : vector<16xi32>
    %and3A_678 = arith.andi %ge3A_675, %lt3A_677 : vector<16xi1>
    %jit3A_679 = arith.constant 428544 : i32
    %broadcast_in_dim3A_680 = vector.broadcast %jit3A_679 : i32 to vector<16xi32>
    %select_n3A_681 = arith.select %and3A_678, %get3A_673, %broadcast_in_dim3A_680 : vector<16xi1>, vector<16xi32>
    %swap3A_682 = arith.constant 3 : i32
    %swap3A_683 = arith.index_cast %swap3A_682 : i32 to index
    %swap3A_684 = arith.constant 64 : index
    %swap3A_685 = tpu.vector_load %arg9[%swap3A_683, %swap3A_684] {strides = array<i32>} : memref<8x128xi32, #tpu.memory_space<vmem>>, vector<1x16xi32>,
    %swap3A_686 = vector.shape_cast %swap3A_685 : vector<1x16xi32> to vector<16xi32>
    %swap3A_687 = vector.shape_cast %select_n3A_681 : vector<16xi32> to vector<1x16xi32>
    tpu.vector_store %arg9[%swap3A_683, %swap3A_684], %swap3A_687 {strides = array<i32>} : memref<8x128xi32, #tpu.memory_space<vmem>>, vector<1x16xi32>,
    %get3A_688 = arith.constant 3 : i32
    %get3A_689 = arith.index_cast %get3A_688 : i32 to index
    %get3A_690 = arith.constant 80 : index
    %get3A_691 = tpu.vector_load %arg9[%get3A_689, %get3A_690] {strides = array<i32>} : memref<8x128xi32, #tpu.memory_space<vmem>>, vector<1x16xi32>,
    %get3A_692 = vector.shape_cast %get3A_691 : vector<1x16xi32> to vector<16xi32>
    %ge3A_693 = vector.broadcast %mul3A_142 : i32 to vector<16xi32>
    %ge3A_694 = arith.cmpi sge, %get3A_692, %ge3A_693 : vector<16xi32>
    %lt3A_695 = vector.broadcast %add3A_144 : i32 to vector<16xi32>
    %lt3A_696 = arith.cmpi slt, %get3A_692, %lt3A_695 : vector<16xi32>
    %and3A_697 = arith.andi %ge3A_694, %lt3A_696 : vector<16xi1>
    %jit3A_698 = arith.constant 428544 : i32
    %broadcast_in_dim3A_699 = vector.broadcast %jit3A_698 : i32 to vector<16xi32>
    %select_n3A_700 = arith.select %and3A_697, %get3A_692, %broadcast_in_dim3A_699 : vector<16xi1>, vector<16xi32>
    %swap3A_701 = arith.constant 3 : i32
    %swap3A_702 = arith.index_cast %swap3A_701 : i32 to index
    %swap3A_703 = arith.constant 80 : index
    %swap3A_704 = tpu.vector_load %arg9[%swap3A_702, %swap3A_703] {strides = array<i32>} : memref<8x128xi32, #tpu.memory_space<vmem>>, vector<1x16xi32>,
    %swap3A_705 = vector.shape_cast %swap3A_704 : vector<1x16xi32> to vector<16xi32>
    %swap3A_706 = vector.shape_cast %select_n3A_700 : vector<16xi32> to vector<1x16xi32>
    tpu.vector_store %arg9[%swap3A_702, %swap3A_703], %swap3A_706 {strides = array<i32>} : memref<8x128xi32, #tpu.memory_space<vmem>>, vector<1x16xi32>,
    %get3A_707 = arith.constant 3 : i32
    %get3A_708 = arith.index_cast %get3A_707 : i32 to index
    %get3A_709 = arith.constant 96 : index
    %get3A_710 = tpu.vector_load %arg9[%get3A_708, %get3A_709] {strides = array<i32>} : memref<8x128xi32, #tpu.memory_space<vmem>>, vector<1x16xi32>,
    %get3A_711 = vector.shape_cast %get3A_710 : vector<1x16xi32> to vector<16xi32>
    %ge3A_712 = vector.broadcast %mul3A_142 : i32 to vector<16xi32>
    %ge3A_713 = arith.cmpi sge, %get3A_711, %ge3A_712 : vector<16xi32>
    %lt3A_714 = vector.broadcast %add3A_144 : i32 to vector<16xi32>
    %lt3A_715 = arith.cmpi slt, %get3A_711, %lt3A_714 : vector<16xi32>
    %and3A_716 = arith.andi %ge3A_713, %lt3A_715 : vector<16xi1>
    %jit3A_717 = arith.constant 428544 : i32
    %broadcast_in_dim3A_718 = vector.broadcast %jit3A_717 : i32 to vector<16xi32>
    %select_n3A_719 = arith.select %and3A_716, %get3A_711, %broadcast_in_dim3A_718 : vector<16xi1>, vector<16xi32>
    %swap3A_720 = arith.constant 3 : i32
    %swap3A_721 = arith.index_cast %swap3A_720 : i32 to index
    %swap3A_722 = arith.constant 96 : index
    %swap3A_723 = tpu.vector_load %arg9[%swap3A_721, %swap3A_722] {strides = array<i32>} : memref<8x128xi32, #tpu.memory_space<vmem>>, vector<1x16xi32>,
    %swap3A_724 = vector.shape_cast %swap3A_723 : vector<1x16xi32> to vector<16xi32>
    %swap3A_725 = vector.shape_cast %select_n3A_719 : vector<16xi32> to vector<1x16xi32>
    tpu.vector_store %arg9[%swap3A_721, %swap3A_722], %swap3A_725 {strides = array<i32>} : memref<8x128xi32, #tpu.memory_space<vmem>>, vector<1x16xi32>,
    %get3A_726 = arith.constant 3 : i32
    %get3A_727 = arith.index_cast %get3A_726 : i32 to index
    %get3A_728 = arith.constant 112 : index
    %get3A_729 = tpu.vector_load %arg9[%get3A_727, %get3A_728] {strides = array<i32>} : memref<8x128xi32, #tpu.memory_space<vmem>>, vector<1x16xi32>,
    %get3A_730 = vector.shape_cast %get3A_729 : vector<1x16xi32> to vector<16xi32>
    %ge3A_731 = vector.broadcast %mul3A_142 : i32 to vector<16xi32>
    %ge3A_732 = arith.cmpi sge, %get3A_730, %ge3A_731 : vector<16xi32>
    %lt3A_733 = vector.broadcast %add3A_144 : i32 to vector<16xi32>
    %lt3A_734 = arith.cmpi slt, %get3A_730, %lt3A_733 : vector<16xi32>
    %and3A_735 = arith.andi %ge3A_732, %lt3A_734 : vector<16xi1>
    %jit3A_736 = arith.constant 428544 : i32
    %broadcast_in_dim3A_737 = vector.broadcast %jit3A_736 : i32 to vector<16xi32>
    %select_n3A_738 = arith.select %and3A_735, %get3A_730, %broadcast_in_dim3A_737 : vector<16xi1>, vector<16xi32>
    %swap3A_739 = arith.constant 3 : i32
    %swap3A_740 = arith.index_cast %swap3A_739 : i32 to index
    %swap3A_741 = arith.constant 112 : index
    %swap3A_742 = tpu.vector_load %arg9[%swap3A_740, %swap3A_741] {strides = array<i32>} : memref<8x128xi32, #tpu.memory_space<vmem>>, vector<1x16xi32>,
    %swap3A_743 = vector.shape_cast %swap3A_742 : vector<1x16xi32> to vector<16xi32>
    %swap3A_744 = vector.shape_cast %select_n3A_738 : vector<16xi32> to vector<1x16xi32>
    tpu.vector_store %arg9[%swap3A_740, %swap3A_741], %swap3A_744 {strides = array<i32>} : memref<8x128xi32, #tpu.memory_space<vmem>>, vector<1x16xi32>,
    %get3A_745 = arith.constant 4 : i32
    %get3A_746 = arith.index_cast %get3A_745 : i32 to index
    %get3A_747 = arith.constant 0 : index
    %get3A_748 = tpu.vector_load %arg9[%get3A_746, %get3A_747] {strides = array<i32>} : memref<8x128xi32, #tpu.memory_space<vmem>>, vector<1x16xi32>,
    %get3A_749 = vector.shape_cast %get3A_748 : vector<1x16xi32> to vector<16xi32>
    %ge3A_750 = vector.broadcast %mul3A_142 : i32 to vector<16xi32>
    %ge3A_751 = arith.cmpi sge, %get3A_749, %ge3A_750 : vector<16xi32>
    %lt3A_752 = vector.broadcast %add3A_144 : i32 to vector<16xi32>
    %lt3A_753 = arith.cmpi slt, %get3A_749, %lt3A_752 : vector<16xi32>
    %and3A_754 = arith.andi %ge3A_751, %lt3A_753 : vector<16xi1>
    %jit3A_755 = arith.constant 428544 : i32
    %broadcast_in_dim3A_756 = vector.broadcast %jit3A_755 : i32 to vector<16xi32>
    %select_n3A_757 = arith.select %and3A_754, %get3A_749, %broadcast_in_dim3A_756 : vector<16xi1>, vector<16xi32>
    %swap3A_758 = arith.constant 4 : i32
    %swap3A_759 = arith.index_cast %swap3A_758 : i32 to index
    %swap3A_760 = arith.constant 0 : index
    %swap3A_761 = tpu.vector_load %arg9[%swap3A_759, %swap3A_760] {strides = array<i32>} : memref<8x128xi32, #tpu.memory_space<vmem>>, vector<1x16xi32>,
    %swap3A_762 = vector.shape_cast %swap3A_761 : vector<1x16xi32> to vector<16xi32>
    %swap3A_763 = vector.shape_cast %select_n3A_757 : vector<16xi32> to vector<1x16xi32>
    tpu.vector_store %arg9[%swap3A_759, %swap3A_760], %swap3A_763 {strides = array<i32>} : memref<8x128xi32, #tpu.memory_space<vmem>>, vector<1x16xi32>,
    %get3A_764 = arith.constant 4 : i32
    %get3A_765 = arith.index_cast %get3A_764 : i32 to index
    %get3A_766 = arith.constant 16 : index
    %get3A_767 = tpu.vector_load %arg9[%get3A_765, %get3A_766] {strides = array<i32>} : memref<8x128xi32, #tpu.memory_space<vmem>>, vector<1x16xi32>,
    %get3A_768 = vector.shape_cast %get3A_767 : vector<1x16xi32> to vector<16xi32>
    %ge3A_769 = vector.broadcast %mul3A_142 : i32 to vector<16xi32>
    %ge3A_770 = arith.cmpi sge, %get3A_768, %ge3A_769 : vector<16xi32>
    %lt3A_771 = vector.broadcast %add3A_144 : i32 to vector<16xi32>
    %lt3A_772 = arith.cmpi slt, %get3A_768, %lt3A_771 : vector<16xi32>
    %and3A_773 = arith.andi %ge3A_770, %lt3A_772 : vector<16xi1>
    %jit3A_774 = arith.constant 428544 : i32
    %broadcast_in_dim3A_775 = vector.broadcast %jit3A_774 : i32 to vector<16xi32>
    %select_n3A_776 = arith.select %and3A_773, %get3A_768, %broadcast_in_dim3A_775 : vector<16xi1>, vector<16xi32>
    %swap3A_777 = arith.constant 4 : i32
    %swap3A_778 = arith.index_cast %swap3A_777 : i32 to index
    %swap3A_779 = arith.constant 16 : index
    %swap3A_780 = tpu.vector_load %arg9[%swap3A_778, %swap3A_779] {strides = array<i32>} : memref<8x128xi32, #tpu.memory_space<vmem>>, vector<1x16xi32>,
    %swap3A_781 = vector.shape_cast %swap3A_780 : vector<1x16xi32> to vector<16xi32>
    %swap3A_782 = vector.shape_cast %select_n3A_776 : vector<16xi32> to vector<1x16xi32>
    tpu.vector_store %arg9[%swap3A_778, %swap3A_779], %swap3A_782 {strides = array<i32>} : memref<8x128xi32, #tpu.memory_space<vmem>>, vector<1x16xi32>,
    %get3A_783 = arith.constant 4 : i32
    %get3A_784 = arith.index_cast %get3A_783 : i32 to index
    %get3A_785 = arith.constant 32 : index
    %get3A_786 = tpu.vector_load %arg9[%get3A_784, %get3A_785] {strides = array<i32>} : memref<8x128xi32, #tpu.memory_space<vmem>>, vector<1x16xi32>,
    %get3A_787 = vector.shape_cast %get3A_786 : vector<1x16xi32> to vector<16xi32>
    %ge3A_788 = vector.broadcast %mul3A_142 : i32 to vector<16xi32>
    %ge3A_789 = arith.cmpi sge, %get3A_787, %ge3A_788 : vector<16xi32>
    %lt3A_790 = vector.broadcast %add3A_144 : i32 to vector<16xi32>
    %lt3A_791 = arith.cmpi slt, %get3A_787, %lt3A_790 : vector<16xi32>
    %and3A_792 = arith.andi %ge3A_789, %lt3A_791 : vector<16xi1>
    %jit3A_793 = arith.constant 428544 : i32
    %broadcast_in_dim3A_794 = vector.broadcast %jit3A_793 : i32 to vector<16xi32>
    %select_n3A_795 = arith.select %and3A_792, %get3A_787, %broadcast_in_dim3A_794 : vector<16xi1>, vector<16xi32>
    %swap3A_796 = arith.constant 4 : i32
    %swap3A_797 = arith.index_cast %swap3A_796 : i32 to index
    %swap3A_798 = arith.constant 32 : index
    %swap3A_799 = tpu.vector_load %arg9[%swap3A_797, %swap3A_798] {strides = array<i32>} : memref<8x128xi32, #tpu.memory_space<vmem>>, vector<1x16xi32>,
    %swap3A_800 = vector.shape_cast %swap3A_799 : vector<1x16xi32> to vector<16xi32>
    %swap3A_801 = vector.shape_cast %select_n3A_795 : vector<16xi32> to vector<1x16xi32>
    tpu.vector_store %arg9[%swap3A_797, %swap3A_798], %swap3A_801 {strides = array<i32>} : memref<8x128xi32, #tpu.memory_space<vmem>>, vector<1x16xi32>,
    %get3A_802 = arith.constant 4 : i32
    %get3A_803 = arith.index_cast %get3A_802 : i32 to index
    %get3A_804 = arith.constant 48 : index
    %get3A_805 = tpu.vector_load %arg9[%get3A_803, %get3A_804] {strides = array<i32>} : memref<8x128xi32, #tpu.memory_space<vmem>>, vector<1x16xi32>,
    %get3A_806 = vector.shape_cast %get3A_805 : vector<1x16xi32> to vector<16xi32>
    %ge3A_807 = vector.broadcast %mul3A_142 : i32 to vector<16xi32>
    %ge3A_808 = arith.cmpi sge, %get3A_806, %ge3A_807 : vector<16xi32>
    %lt3A_809 = vector.broadcast %add3A_144 : i32 to vector<16xi32>
    %lt3A_810 = arith.cmpi slt, %get3A_806, %lt3A_809 : vector<16xi32>
    %and3A_811 = arith.andi %ge3A_808, %lt3A_810 : vector<16xi1>
    %jit3A_812 = arith.constant 428544 : i32
    %broadcast_in_dim3A_813 = vector.broadcast %jit3A_812 : i32 to vector<16xi32>
    %select_n3A_814 = arith.select %and3A_811, %get3A_806, %broadcast_in_dim3A_813 : vector<16xi1>, vector<16xi32>
    %swap3A_815 = arith.constant 4 : i32
    %swap3A_816 = arith.index_cast %swap3A_815 : i32 to index
    %swap3A_817 = arith.constant 48 : index
    %swap3A_818 = tpu.vector_load %arg9[%swap3A_816, %swap3A_817] {strides = array<i32>} : memref<8x128xi32, #tpu.memory_space<vmem>>, vector<1x16xi32>,
    %swap3A_819 = vector.shape_cast %swap3A_818 : vector<1x16xi32> to vector<16xi32>
    %swap3A_820 = vector.shape_cast %select_n3A_814 : vector<16xi32> to vector<1x16xi32>
    tpu.vector_store %arg9[%swap3A_816, %swap3A_817], %swap3A_820 {strides = array<i32>} : memref<8x128xi32, #tpu.memory_space<vmem>>, vector<1x16xi32>,
    %get3A_821 = arith.constant 4 : i32
    %get3A_822 = arith.index_cast %get3A_821 : i32 to index
    %get3A_823 = arith.constant 64 : index
    %get3A_824 = tpu.vector_load %arg9[%get3A_822, %get3A_823] {strides = array<i32>} : memref<8x128xi32, #tpu.memory_space<vmem>>, vector<1x16xi32>,
    %get3A_825 = vector.shape_cast %get3A_824 : vector<1x16xi32> to vector<16xi32>
    %ge3A_826 = vector.broadcast %mul3A_142 : i32 to vector<16xi32>
    %ge3A_827 = arith.cmpi sge, %get3A_825, %ge3A_826 : vector<16xi32>
    %lt3A_828 = vector.broadcast %add3A_144 : i32 to vector<16xi32>
    %lt3A_829 = arith.cmpi slt, %get3A_825, %lt3A_828 : vector<16xi32>
    %and3A_830 = arith.andi %ge3A_827, %lt3A_829 : vector<16xi1>
    %jit3A_831 = arith.constant 428544 : i32
    %broadcast_in_dim3A_832 = vector.broadcast %jit3A_831 : i32 to vector<16xi32>
    %select_n3A_833 = arith.select %and3A_830, %get3A_825, %broadcast_in_dim3A_832 : vector<16xi1>, vector<16xi32>
    %swap3A_834 = arith.constant 4 : i32
    %swap3A_835 = arith.index_cast %swap3A_834 : i32 to index
    %swap3A_836 = arith.constant 64 : index
    %swap3A_837 = tpu.vector_load %arg9[%swap3A_835, %swap3A_836] {strides = array<i32>} : memref<8x128xi32, #tpu.memory_space<vmem>>, vector<1x16xi32>,
    %swap3A_838 = vector.shape_cast %swap3A_837 : vector<1x16xi32> to vector<16xi32>
    %swap3A_839 = vector.shape_cast %select_n3A_833 : vector<16xi32> to vector<1x16xi32>
    tpu.vector_store %arg9[%swap3A_835, %swap3A_836], %swap3A_839 {strides = array<i32>} : memref<8x128xi32, #tpu.memory_space<vmem>>, vector<1x16xi32>,
    %get3A_840 = arith.constant 4 : i32
    %get3A_841 = arith.index_cast %get3A_840 : i32 to index
    %get3A_842 = arith.constant 80 : index
    %get3A_843 = tpu.vector_load %arg9[%get3A_841, %get3A_842] {strides = array<i32>} : memref<8x128xi32, #tpu.memory_space<vmem>>, vector<1x16xi32>,
    %get3A_844 = vector.shape_cast %get3A_843 : vector<1x16xi32> to vector<16xi32>
    %ge3A_845 = vector.broadcast %mul3A_142 : i32 to vector<16xi32>
    %ge3A_846 = arith.cmpi sge, %get3A_844, %ge3A_845 : vector<16xi32>
    %lt3A_847 = vector.broadcast %add3A_144 : i32 to vector<16xi32>
    %lt3A_848 = arith.cmpi slt, %get3A_844, %lt3A_847 : vector<16xi32>
    %and3A_849 = arith.andi %ge3A_846, %lt3A_848 : vector<16xi1>
    %jit3A_850 = arith.constant 428544 : i32
    %broadcast_in_dim3A_851 = vector.broadcast %jit3A_850 : i32 to vector<16xi32>
    %select_n3A_852 = arith.select %and3A_849, %get3A_844, %broadcast_in_dim3A_851 : vector<16xi1>, vector<16xi32>
    %swap3A_853 = arith.constant 4 : i32
    %swap3A_854 = arith.index_cast %swap3A_853 : i32 to index
    %swap3A_855 = arith.constant 80 : index
    %swap3A_856 = tpu.vector_load %arg9[%swap3A_854, %swap3A_855] {strides = array<i32>} : memref<8x128xi32, #tpu.memory_space<vmem>>, vector<1x16xi32>,
    %swap3A_857 = vector.shape_cast %swap3A_856 : vector<1x16xi32> to vector<16xi32>
    %swap3A_858 = vector.shape_cast %select_n3A_852 : vector<16xi32> to vector<1x16xi32>
    tpu.vector_store %arg9[%swap3A_854, %swap3A_855], %swap3A_858 {strides = array<i32>} : memref<8x128xi32, #tpu.memory_space<vmem>>, vector<1x16xi32>,
    %get3A_859 = arith.constant 4 : i32
    %get3A_860 = arith.index_cast %get3A_859 : i32 to index
    %get3A_861 = arith.constant 96 : index
    %get3A_862 = tpu.vector_load %arg9[%get3A_860, %get3A_861] {strides = array<i32>} : memref<8x128xi32, #tpu.memory_space<vmem>>, vector<1x16xi32>,
    %get3A_863 = vector.shape_cast %get3A_862 : vector<1x16xi32> to vector<16xi32>
    %ge3A_864 = vector.broadcast %mul3A_142 : i32 to vector<16xi32>
    %ge3A_865 = arith.cmpi sge, %get3A_863, %ge3A_864 : vector<16xi32>
    %lt3A_866 = vector.broadcast %add3A_144 : i32 to vector<16xi32>
    %lt3A_867 = arith.cmpi slt, %get3A_863, %lt3A_866 : vector<16xi32>
    %and3A_868 = arith.andi %ge3A_865, %lt3A_867 : vector<16xi1>
    %jit3A_869 = arith.constant 428544 : i32
    %broadcast_in_dim3A_870 = vector.broadcast %jit3A_869 : i32 to vector<16xi32>
    %select_n3A_871 = arith.select %and3A_868, %get3A_863, %broadcast_in_dim3A_870 : vector<16xi1>, vector<16xi32>
    %swap3A_872 = arith.constant 4 : i32
    %swap3A_873 = arith.index_cast %swap3A_872 : i32 to index
    %swap3A_874 = arith.constant 96 : index
    %swap3A_875 = tpu.vector_load %arg9[%swap3A_873, %swap3A_874] {strides = array<i32>} : memref<8x128xi32, #tpu.memory_space<vmem>>, vector<1x16xi32>,
    %swap3A_876 = vector.shape_cast %swap3A_875 : vector<1x16xi32> to vector<16xi32>
    %swap3A_877 = vector.shape_cast %select_n3A_871 : vector<16xi32> to vector<1x16xi32>
    tpu.vector_store %arg9[%swap3A_873, %swap3A_874], %swap3A_877 {strides = array<i32>} : memref<8x128xi32, #tpu.memory_space<vmem>>, vector<1x16xi32>,
    %get3A_878 = arith.constant 4 : i32
    %get3A_879 = arith.index_cast %get3A_878 : i32 to index
    %get3A_880 = arith.constant 112 : index
    %get3A_881 = tpu.vector_load %arg9[%get3A_879, %get3A_880] {strides = array<i32>} : memref<8x128xi32, #tpu.memory_space<vmem>>, vector<1x16xi32>,
    %get3A_882 = vector.shape_cast %get3A_881 : vector<1x16xi32> to vector<16xi32>
    %ge3A_883 = vector.broadcast %mul3A_142 : i32 to vector<16xi32>
    %ge3A_884 = arith.cmpi sge, %get3A_882, %ge3A_883 : vector<16xi32>
    %lt3A_885 = vector.broadcast %add3A_144 : i32 to vector<16xi32>
    %lt3A_886 = arith.cmpi slt, %get3A_882, %lt3A_885 : vector<16xi32>
    %and3A_887 = arith.andi %ge3A_884, %lt3A_886 : vector<16xi1>
    %jit3A_888 = arith.constant 428544 : i32
    %broadcast_in_dim3A_889 = vector.broadcast %jit3A_888 : i32 to vector<16xi32>
    %select_n3A_890 = arith.select %and3A_887, %get3A_882, %broadcast_in_dim3A_889 : vector<16xi1>, vector<16xi32>
    %swap3A_891 = arith.constant 4 : i32
    %swap3A_892 = arith.index_cast %swap3A_891 : i32 to index
    %swap3A_893 = arith.constant 112 : index
    %swap3A_894 = tpu.vector_load %arg9[%swap3A_892, %swap3A_893] {strides = array<i32>} : memref<8x128xi32, #tpu.memory_space<vmem>>, vector<1x16xi32>,
    %swap3A_895 = vector.shape_cast %swap3A_894 : vector<1x16xi32> to vector<16xi32>
    %swap3A_896 = vector.shape_cast %select_n3A_890 : vector<16xi32> to vector<1x16xi32>
    tpu.vector_store %arg9[%swap3A_892, %swap3A_893], %swap3A_896 {strides = array<i32>} : memref<8x128xi32, #tpu.memory_space<vmem>>, vector<1x16xi32>,
    %get3A_897 = arith.constant 5 : i32
    %get3A_898 = arith.index_cast %get3A_897 : i32 to index
    %get3A_899 = arith.constant 0 : index
    %get3A_900 = tpu.vector_load %arg9[%get3A_898, %get3A_899] {strides = array<i32>} : memref<8x128xi32, #tpu.memory_space<vmem>>, vector<1x16xi32>,
    %get3A_901 = vector.shape_cast %get3A_900 : vector<1x16xi32> to vector<16xi32>
    %ge3A_902 = vector.broadcast %mul3A_142 : i32 to vector<16xi32>
    %ge3A_903 = arith.cmpi sge, %get3A_901, %ge3A_902 : vector<16xi32>
    %lt3A_904 = vector.broadcast %add3A_144 : i32 to vector<16xi32>
    %lt3A_905 = arith.cmpi slt, %get3A_901, %lt3A_904 : vector<16xi32>
    %and3A_906 = arith.andi %ge3A_903, %lt3A_905 : vector<16xi1>
    %jit3A_907 = arith.constant 428544 : i32
    %broadcast_in_dim3A_908 = vector.broadcast %jit3A_907 : i32 to vector<16xi32>
    %select_n3A_909 = arith.select %and3A_906, %get3A_901, %broadcast_in_dim3A_908 : vector<16xi1>, vector<16xi32>
    %swap3A_910 = arith.constant 5 : i32
    %swap3A_911 = arith.index_cast %swap3A_910 : i32 to index
    %swap3A_912 = arith.constant 0 : index
    %swap3A_913 = tpu.vector_load %arg9[%swap3A_911, %swap3A_912] {strides = array<i32>} : memref<8x128xi32, #tpu.memory_space<vmem>>, vector<1x16xi32>,
    %swap3A_914 = vector.shape_cast %swap3A_913 : vector<1x16xi32> to vector<16xi32>
    %swap3A_915 = vector.shape_cast %select_n3A_909 : vector<16xi32> to vector<1x16xi32>
    tpu.vector_store %arg9[%swap3A_911, %swap3A_912], %swap3A_915 {strides = array<i32>} : memref<8x128xi32, #tpu.memory_space<vmem>>, vector<1x16xi32>,
    %get3A_916 = arith.constant 5 : i32
    %get3A_917 = arith.index_cast %get3A_916 : i32 to index
    %get3A_918 = arith.constant 16 : index
    %get3A_919 = tpu.vector_load %arg9[%get3A_917, %get3A_918] {strides = array<i32>} : memref<8x128xi32, #tpu.memory_space<vmem>>, vector<1x16xi32>,
    %get3A_920 = vector.shape_cast %get3A_919 : vector<1x16xi32> to vector<16xi32>
    %ge3A_921 = vector.broadcast %mul3A_142 : i32 to vector<16xi32>
    %ge3A_922 = arith.cmpi sge, %get3A_920, %ge3A_921 : vector<16xi32>
    %lt3A_923 = vector.broadcast %add3A_144 : i32 to vector<16xi32>
    %lt3A_924 = arith.cmpi slt, %get3A_920, %lt3A_923 : vector<16xi32>
    %and3A_925 = arith.andi %ge3A_922, %lt3A_924 : vector<16xi1>
    %jit3A_926 = arith.constant 428544 : i32
    %broadcast_in_dim3A_927 = vector.broadcast %jit3A_926 : i32 to vector<16xi32>
    %select_n3A_928 = arith.select %and3A_925, %get3A_920, %broadcast_in_dim3A_927 : vector<16xi1>, vector<16xi32>
    %swap3A_929 = arith.constant 5 : i32
    %swap3A_930 = arith.index_cast %swap3A_929 : i32 to index
    %swap3A_931 = arith.constant 16 : index
    %swap3A_932 = tpu.vector_load %arg9[%swap3A_930, %swap3A_931] {strides = array<i32>} : memref<8x128xi32, #tpu.memory_space<vmem>>, vector<1x16xi32>,
    %swap3A_933 = vector.shape_cast %swap3A_932 : vector<1x16xi32> to vector<16xi32>
    %swap3A_934 = vector.shape_cast %select_n3A_928 : vector<16xi32> to vector<1x16xi32>
    tpu.vector_store %arg9[%swap3A_930, %swap3A_931], %swap3A_934 {strides = array<i32>} : memref<8x128xi32, #tpu.memory_space<vmem>>, vector<1x16xi32>,
    %get3A_935 = arith.constant 5 : i32
    %get3A_936 = arith.index_cast %get3A_935 : i32 to index
    %get3A_937 = arith.constant 32 : index
    %get3A_938 = tpu.vector_load %arg9[%get3A_936, %get3A_937] {strides = array<i32>} : memref<8x128xi32, #tpu.memory_space<vmem>>, vector<1x16xi32>,
    %get3A_939 = vector.shape_cast %get3A_938 : vector<1x16xi32> to vector<16xi32>
    %ge3A_940 = vector.broadcast %mul3A_142 : i32 to vector<16xi32>
    %ge3A_941 = arith.cmpi sge, %get3A_939, %ge3A_940 : vector<16xi32>
    %lt3A_942 = vector.broadcast %add3A_144 : i32 to vector<16xi32>
    %lt3A_943 = arith.cmpi slt, %get3A_939, %lt3A_942 : vector<16xi32>
    %and3A_944 = arith.andi %ge3A_941, %lt3A_943 : vector<16xi1>
    %jit3A_945 = arith.constant 428544 : i32
    %broadcast_in_dim3A_946 = vector.broadcast %jit3A_945 : i32 to vector<16xi32>
    %select_n3A_947 = arith.select %and3A_944, %get3A_939, %broadcast_in_dim3A_946 : vector<16xi1>, vector<16xi32>
    %swap3A_948 = arith.constant 5 : i32
    %swap3A_949 = arith.index_cast %swap3A_948 : i32 to index
    %swap3A_950 = arith.constant 32 : index
    %swap3A_951 = tpu.vector_load %arg9[%swap3A_949, %swap3A_950] {strides = array<i32>} : memref<8x128xi32, #tpu.memory_space<vmem>>, vector<1x16xi32>,
    %swap3A_952 = vector.shape_cast %swap3A_951 : vector<1x16xi32> to vector<16xi32>
    %swap3A_953 = vector.shape_cast %select_n3A_947 : vector<16xi32> to vector<1x16xi32>
    tpu.vector_store %arg9[%swap3A_949, %swap3A_950], %swap3A_953 {strides = array<i32>} : memref<8x128xi32, #tpu.memory_space<vmem>>, vector<1x16xi32>,
    %get3A_954 = arith.constant 5 : i32
    %get3A_955 = arith.index_cast %get3A_954 : i32 to index
    %get3A_956 = arith.constant 48 : index
    %get3A_957 = tpu.vector_load %arg9[%get3A_955, %get3A_956] {strides = array<i32>} : memref<8x128xi32, #tpu.memory_space<vmem>>, vector<1x16xi32>,
    %get3A_958 = vector.shape_cast %get3A_957 : vector<1x16xi32> to vector<16xi32>
    %ge3A_959 = vector.broadcast %mul3A_142 : i32 to vector<16xi32>
    %ge3A_960 = arith.cmpi sge, %get3A_958, %ge3A_959 : vector<16xi32>
    %lt3A_961 = vector.broadcast %add3A_144 : i32 to vector<16xi32>
    %lt3A_962 = arith.cmpi slt, %get3A_958, %lt3A_961 : vector<16xi32>
    %and3A_963 = arith.andi %ge3A_960, %lt3A_962 : vector<16xi1>
    %jit3A_964 = arith.constant 428544 : i32
    %broadcast_in_dim3A_965 = vector.broadcast %jit3A_964 : i32 to vector<16xi32>
    %select_n3A_966 = arith.select %and3A_963, %get3A_958, %broadcast_in_dim3A_965 : vector<16xi1>, vector<16xi32>
    %swap3A_967 = arith.constant 5 : i32
    %swap3A_968 = arith.index_cast %swap3A_967 : i32 to index
    %swap3A_969 = arith.constant 48 : index
    %swap3A_970 = tpu.vector_load %arg9[%swap3A_968, %swap3A_969] {strides = array<i32>} : memref<8x128xi32, #tpu.memory_space<vmem>>, vector<1x16xi32>,
    %swap3A_971 = vector.shape_cast %swap3A_970 : vector<1x16xi32> to vector<16xi32>
    %swap3A_972 = vector.shape_cast %select_n3A_966 : vector<16xi32> to vector<1x16xi32>
    tpu.vector_store %arg9[%swap3A_968, %swap3A_969], %swap3A_972 {strides = array<i32>} : memref<8x128xi32, #tpu.memory_space<vmem>>, vector<1x16xi32>,
    %get3A_973 = arith.constant 5 : i32
    %get3A_974 = arith.index_cast %get3A_973 : i32 to index
    %get3A_975 = arith.constant 64 : index
    %get3A_976 = tpu.vector_load %arg9[%get3A_974, %get3A_975] {strides = array<i32>} : memref<8x128xi32, #tpu.memory_space<vmem>>, vector<1x16xi32>,
    %get3A_977 = vector.shape_cast %get3A_976 : vector<1x16xi32> to vector<16xi32>
    %ge3A_978 = vector.broadcast %mul3A_142 : i32 to vector<16xi32>
    %ge3A_979 = arith.cmpi sge, %get3A_977, %ge3A_978 : vector<16xi32>
    %lt3A_980 = vector.broadcast %add3A_144 : i32 to vector<16xi32>
    %lt3A_981 = arith.cmpi slt, %get3A_977, %lt3A_980 : vector<16xi32>
    %and3A_982 = arith.andi %ge3A_979, %lt3A_981 : vector<16xi1>
    %jit3A_983 = arith.constant 428544 : i32
    %broadcast_in_dim3A_984 = vector.broadcast %jit3A_983 : i32 to vector<16xi32>
    %select_n3A_985 = arith.select %and3A_982, %get3A_977, %broadcast_in_dim3A_984 : vector<16xi1>, vector<16xi32>
    %swap3A_986 = arith.constant 5 : i32
    %swap3A_987 = arith.index_cast %swap3A_986 : i32 to index
    %swap3A_988 = arith.constant 64 : index
    %swap3A_989 = tpu.vector_load %arg9[%swap3A_987, %swap3A_988] {strides = array<i32>} : memref<8x128xi32, #tpu.memory_space<vmem>>, vector<1x16xi32>,
    %swap3A_990 = vector.shape_cast %swap3A_989 : vector<1x16xi32> to vector<16xi32>
    %swap3A_991 = vector.shape_cast %select_n3A_985 : vector<16xi32> to vector<1x16xi32>
    tpu.vector_store %arg9[%swap3A_987, %swap3A_988], %swap3A_991 {strides = array<i32>} : memref<8x128xi32, #tpu.memory_space<vmem>>, vector<1x16xi32>,
    %get3A_992 = arith.constant 5 : i32
    %get3A_993 = arith.index_cast %get3A_992 : i32 to index
    %get3A_994 = arith.constant 80 : index
    %get3A_995 = tpu.vector_load %arg9[%get3A_993, %get3A_994] {strides = array<i32>} : memref<8x128xi32, #tpu.memory_space<vmem>>, vector<1x16xi32>,
    %get3A_996 = vector.shape_cast %get3A_995 : vector<1x16xi32> to vector<16xi32>
    %ge3A_997 = vector.broadcast %mul3A_142 : i32 to vector<16xi32>
    %ge3A_998 = arith.cmpi sge, %get3A_996, %ge3A_997 : vector<16xi32>
    %lt3A_999 = vector.broadcast %add3A_144 : i32 to vector<16xi32>
    %lt3A_1000 = arith.cmpi slt, %get3A_996, %lt3A_999 : vector<16xi32>
    %and3A_1001 = arith.andi %ge3A_998, %lt3A_1000 : vector<16xi1>
    %jit3A_1002 = arith.constant 428544 : i32
    %broadcast_in_dim3A_1003 = vector.broadcast %jit3A_1002 : i32 to vector<16xi32>
    %select_n3A_1004 = arith.select %and3A_1001, %get3A_996, %broadcast_in_dim3A_1003 : vector<16xi1>, vector<16xi32>
    %swap3A_1005 = arith.constant 5 : i32
    %swap3A_1006 = arith.index_cast %swap3A_1005 : i32 to index
    %swap3A_1007 = arith.constant 80 : index
    %swap3A_1008 = tpu.vector_load %arg9[%swap3A_1006, %swap3A_1007] {strides = array<i32>} : memref<8x128xi32, #tpu.memory_space<vmem>>, vector<1x16xi32>,
    %swap3A_1009 = vector.shape_cast %swap3A_1008 : vector<1x16xi32> to vector<16xi32>
    %swap3A_1010 = vector.shape_cast %select_n3A_1004 : vector<16xi32> to vector<1x16xi32>
    tpu.vector_store %arg9[%swap3A_1006, %swap3A_1007], %swap3A_1010 {strides = array<i32>} : memref<8x128xi32, #tpu.memory_space<vmem>>, vector<1x16xi32>,
    %get3A_1011 = arith.constant 5 : i32
    %get3A_1012 = arith.index_cast %get3A_1011 : i32 to index
    %get3A_1013 = arith.constant 96 : index
    %get3A_1014 = tpu.vector_load %arg9[%get3A_1012, %get3A_1013] {strides = array<i32>} : memref<8x128xi32, #tpu.memory_space<vmem>>, vector<1x16xi32>,
    %get3A_1015 = vector.shape_cast %get3A_1014 : vector<1x16xi32> to vector<16xi32>
    %ge3A_1016 = vector.broadcast %mul3A_142 : i32 to vector<16xi32>
    %ge3A_1017 = arith.cmpi sge, %get3A_1015, %ge3A_1016 : vector<16xi32>
    %lt3A_1018 = vector.broadcast %add3A_144 : i32 to vector<16xi32>
    %lt3A_1019 = arith.cmpi slt, %get3A_1015, %lt3A_1018 : vector<16xi32>
    %and3A_1020 = arith.andi %ge3A_1017, %lt3A_1019 : vector<16xi1>
    %jit3A_1021 = arith.constant 428544 : i32
    %broadcast_in_dim3A_1022 = vector.broadcast %jit3A_1021 : i32 to vector<16xi32>
    %select_n3A_1023 = arith.select %and3A_1020, %get3A_1015, %broadcast_in_dim3A_1022 : vector<16xi1>, vector<16xi32>
    %swap3A_1024 = arith.constant 5 : i32
    %swap3A_1025 = arith.index_cast %swap3A_1024 : i32 to index
    %swap3A_1026 = arith.constant 96 : index
    %swap3A_1027 = tpu.vector_load %arg9[%swap3A_1025, %swap3A_1026] {strides = array<i32>} : memref<8x128xi32, #tpu.memory_space<vmem>>, vector<1x16xi32>,
    %swap3A_1028 = vector.shape_cast %swap3A_1027 : vector<1x16xi32> to vector<16xi32>
    %swap3A_1029 = vector.shape_cast %select_n3A_1023 : vector<16xi32> to vector<1x16xi32>
    tpu.vector_store %arg9[%swap3A_1025, %swap3A_1026], %swap3A_1029 {strides = array<i32>} : memref<8x128xi32, #tpu.memory_space<vmem>>, vector<1x16xi32>,
    %get3A_1030 = arith.constant 5 : i32
    %get3A_1031 = arith.index_cast %get3A_1030 : i32 to index
    %get3A_1032 = arith.constant 112 : index
    %get3A_1033 = tpu.vector_load %arg9[%get3A_1031, %get3A_1032] {strides = array<i32>} : memref<8x128xi32, #tpu.memory_space<vmem>>, vector<1x16xi32>,
    %get3A_1034 = vector.shape_cast %get3A_1033 : vector<1x16xi32> to vector<16xi32>
    %ge3A_1035 = vector.broadcast %mul3A_142 : i32 to vector<16xi32>
    %ge3A_1036 = arith.cmpi sge, %get3A_1034, %ge3A_1035 : vector<16xi32>
    %lt3A_1037 = vector.broadcast %add3A_144 : i32 to vector<16xi32>
    %lt3A_1038 = arith.cmpi slt, %get3A_1034, %lt3A_1037 : vector<16xi32>
    %and3A_1039 = arith.andi %ge3A_1036, %lt3A_1038 : vector<16xi1>
    %jit3A_1040 = arith.constant 428544 : i32
    %broadcast_in_dim3A_1041 = vector.broadcast %jit3A_1040 : i32 to vector<16xi32>
    %select_n3A_1042 = arith.select %and3A_1039, %get3A_1034, %broadcast_in_dim3A_1041 : vector<16xi1>, vector<16xi32>
    %swap3A_1043 = arith.constant 5 : i32
    %swap3A_1044 = arith.index_cast %swap3A_1043 : i32 to index
    %swap3A_1045 = arith.constant 112 : index
    %swap3A_1046 = tpu.vector_load %arg9[%swap3A_1044, %swap3A_1045] {strides = array<i32>} : memref<8x128xi32, #tpu.memory_space<vmem>>, vector<1x16xi32>,
    %swap3A_1047 = vector.shape_cast %swap3A_1046 : vector<1x16xi32> to vector<16xi32>
    %swap3A_1048 = vector.shape_cast %select_n3A_1042 : vector<16xi32> to vector<1x16xi32>
    tpu.vector_store %arg9[%swap3A_1044, %swap3A_1045], %swap3A_1048 {strides = array<i32>} : memref<8x128xi32, #tpu.memory_space<vmem>>, vector<1x16xi32>,
    %get3A_1049 = arith.constant 6 : i32
    %get3A_1050 = arith.index_cast %get3A_1049 : i32 to index
    %get3A_1051 = arith.constant 0 : index
    %get3A_1052 = tpu.vector_load %arg9[%get3A_1050, %get3A_1051] {strides = array<i32>} : memref<8x128xi32, #tpu.memory_space<vmem>>, vector<1x16xi32>,
    %get3A_1053 = vector.shape_cast %get3A_1052 : vector<1x16xi32> to vector<16xi32>
    %ge3A_1054 = vector.broadcast %mul3A_142 : i32 to vector<16xi32>
    %ge3A_1055 = arith.cmpi sge, %get3A_1053, %ge3A_1054 : vector<16xi32>
    %lt3A_1056 = vector.broadcast %add3A_144 : i32 to vector<16xi32>
    %lt3A_1057 = arith.cmpi slt, %get3A_1053, %lt3A_1056 : vector<16xi32>
    %and3A_1058 = arith.andi %ge3A_1055, %lt3A_1057 : vector<16xi1>
    %jit3A_1059 = arith.constant 428544 : i32
    %broadcast_in_dim3A_1060 = vector.broadcast %jit3A_1059 : i32 to vector<16xi32>
    %select_n3A_1061 = arith.select %and3A_1058, %get3A_1053, %broadcast_in_dim3A_1060 : vector<16xi1>, vector<16xi32>
    %swap3A_1062 = arith.constant 6 : i32
    %swap3A_1063 = arith.index_cast %swap3A_1062 : i32 to index
    %swap3A_1064 = arith.constant 0 : index
    %swap3A_1065 = tpu.vector_load %arg9[%swap3A_1063, %swap3A_1064] {strides = array<i32>} : memref<8x128xi32, #tpu.memory_space<vmem>>, vector<1x16xi32>,
    %swap3A_1066 = vector.shape_cast %swap3A_1065 : vector<1x16xi32> to vector<16xi32>
    %swap3A_1067 = vector.shape_cast %select_n3A_1061 : vector<16xi32> to vector<1x16xi32>
    tpu.vector_store %arg9[%swap3A_1063, %swap3A_1064], %swap3A_1067 {strides = array<i32>} : memref<8x128xi32, #tpu.memory_space<vmem>>, vector<1x16xi32>,
    %get3A_1068 = arith.constant 6 : i32
    %get3A_1069 = arith.index_cast %get3A_1068 : i32 to index
    %get3A_1070 = arith.constant 16 : index
    %get3A_1071 = tpu.vector_load %arg9[%get3A_1069, %get3A_1070] {strides = array<i32>} : memref<8x128xi32, #tpu.memory_space<vmem>>, vector<1x16xi32>,
    %get3A_1072 = vector.shape_cast %get3A_1071 : vector<1x16xi32> to vector<16xi32>
    %ge3A_1073 = vector.broadcast %mul3A_142 : i32 to vector<16xi32>
    %ge3A_1074 = arith.cmpi sge, %get3A_1072, %ge3A_1073 : vector<16xi32>
    %lt3A_1075 = vector.broadcast %add3A_144 : i32 to vector<16xi32>
    %lt3A_1076 = arith.cmpi slt, %get3A_1072, %lt3A_1075 : vector<16xi32>
    %and3A_1077 = arith.andi %ge3A_1074, %lt3A_1076 : vector<16xi1>
    %jit3A_1078 = arith.constant 428544 : i32
    %broadcast_in_dim3A_1079 = vector.broadcast %jit3A_1078 : i32 to vector<16xi32>
    %select_n3A_1080 = arith.select %and3A_1077, %get3A_1072, %broadcast_in_dim3A_1079 : vector<16xi1>, vector<16xi32>
    %swap3A_1081 = arith.constant 6 : i32
    %swap3A_1082 = arith.index_cast %swap3A_1081 : i32 to index
    %swap3A_1083 = arith.constant 16 : index
    %swap3A_1084 = tpu.vector_load %arg9[%swap3A_1082, %swap3A_1083] {strides = array<i32>} : memref<8x128xi32, #tpu.memory_space<vmem>>, vector<1x16xi32>,
    %swap3A_1085 = vector.shape_cast %swap3A_1084 : vector<1x16xi32> to vector<16xi32>
    %swap3A_1086 = vector.shape_cast %select_n3A_1080 : vector<16xi32> to vector<1x16xi32>
    tpu.vector_store %arg9[%swap3A_1082, %swap3A_1083], %swap3A_1086 {strides = array<i32>} : memref<8x128xi32, #tpu.memory_space<vmem>>, vector<1x16xi32>,
    %get3A_1087 = arith.constant 6 : i32
    %get3A_1088 = arith.index_cast %get3A_1087 : i32 to index
    %get3A_1089 = arith.constant 32 : index
    %get3A_1090 = tpu.vector_load %arg9[%get3A_1088, %get3A_1089] {strides = array<i32>} : memref<8x128xi32, #tpu.memory_space<vmem>>, vector<1x16xi32>,
    %get3A_1091 = vector.shape_cast %get3A_1090 : vector<1x16xi32> to vector<16xi32>
    %ge3A_1092 = vector.broadcast %mul3A_142 : i32 to vector<16xi32>
    %ge3A_1093 = arith.cmpi sge, %get3A_1091, %ge3A_1092 : vector<16xi32>
    %lt3A_1094 = vector.broadcast %add3A_144 : i32 to vector<16xi32>
    %lt3A_1095 = arith.cmpi slt, %get3A_1091, %lt3A_1094 : vector<16xi32>
    %and3A_1096 = arith.andi %ge3A_1093, %lt3A_1095 : vector<16xi1>
    %jit3A_1097 = arith.constant 428544 : i32
    %broadcast_in_dim3A_1098 = vector.broadcast %jit3A_1097 : i32 to vector<16xi32>
    %select_n3A_1099 = arith.select %and3A_1096, %get3A_1091, %broadcast_in_dim3A_1098 : vector<16xi1>, vector<16xi32>
    %swap3A_1100 = arith.constant 6 : i32
    %swap3A_1101 = arith.index_cast %swap3A_1100 : i32 to index
    %swap3A_1102 = arith.constant 32 : index
    %swap3A_1103 = tpu.vector_load %arg9[%swap3A_1101, %swap3A_1102] {strides = array<i32>} : memref<8x128xi32, #tpu.memory_space<vmem>>, vector<1x16xi32>,
    %swap3A_1104 = vector.shape_cast %swap3A_1103 : vector<1x16xi32> to vector<16xi32>
    %swap3A_1105 = vector.shape_cast %select_n3A_1099 : vector<16xi32> to vector<1x16xi32>
    tpu.vector_store %arg9[%swap3A_1101, %swap3A_1102], %swap3A_1105 {strides = array<i32>} : memref<8x128xi32, #tpu.memory_space<vmem>>, vector<1x16xi32>,
    %get3A_1106 = arith.constant 6 : i32
    %get3A_1107 = arith.index_cast %get3A_1106 : i32 to index
    %get3A_1108 = arith.constant 48 : index
    %get3A_1109 = tpu.vector_load %arg9[%get3A_1107, %get3A_1108] {strides = array<i32>} : memref<8x128xi32, #tpu.memory_space<vmem>>, vector<1x16xi32>,
    %get3A_1110 = vector.shape_cast %get3A_1109 : vector<1x16xi32> to vector<16xi32>
    %ge3A_1111 = vector.broadcast %mul3A_142 : i32 to vector<16xi32>
    %ge3A_1112 = arith.cmpi sge, %get3A_1110, %ge3A_1111 : vector<16xi32>
    %lt3A_1113 = vector.broadcast %add3A_144 : i32 to vector<16xi32>
    %lt3A_1114 = arith.cmpi slt, %get3A_1110, %lt3A_1113 : vector<16xi32>
    %and3A_1115 = arith.andi %ge3A_1112, %lt3A_1114 : vector<16xi1>
    %jit3A_1116 = arith.constant 428544 : i32
    %broadcast_in_dim3A_1117 = vector.broadcast %jit3A_1116 : i32 to vector<16xi32>
    %select_n3A_1118 = arith.select %and3A_1115, %get3A_1110, %broadcast_in_dim3A_1117 : vector<16xi1>, vector<16xi32>
    %swap3A_1119 = arith.constant 6 : i32
    %swap3A_1120 = arith.index_cast %swap3A_1119 : i32 to index
    %swap3A_1121 = arith.constant 48 : index
    %swap3A_1122 = tpu.vector_load %arg9[%swap3A_1120, %swap3A_1121] {strides = array<i32>} : memref<8x128xi32, #tpu.memory_space<vmem>>, vector<1x16xi32>,
    %swap3A_1123 = vector.shape_cast %swap3A_1122 : vector<1x16xi32> to vector<16xi32>
    %swap3A_1124 = vector.shape_cast %select_n3A_1118 : vector<16xi32> to vector<1x16xi32>
    tpu.vector_store %arg9[%swap3A_1120, %swap3A_1121], %swap3A_1124 {strides = array<i32>} : memref<8x128xi32, #tpu.memory_space<vmem>>, vector<1x16xi32>,
    %get3A_1125 = arith.constant 6 : i32
    %get3A_1126 = arith.index_cast %get3A_1125 : i32 to index
    %get3A_1127 = arith.constant 64 : index
    %get3A_1128 = tpu.vector_load %arg9[%get3A_1126, %get3A_1127] {strides = array<i32>} : memref<8x128xi32, #tpu.memory_space<vmem>>, vector<1x16xi32>,
    %get3A_1129 = vector.shape_cast %get3A_1128 : vector<1x16xi32> to vector<16xi32>
    %ge3A_1130 = vector.broadcast %mul3A_142 : i32 to vector<16xi32>
    %ge3A_1131 = arith.cmpi sge, %get3A_1129, %ge3A_1130 : vector<16xi32>
    %lt3A_1132 = vector.broadcast %add3A_144 : i32 to vector<16xi32>
    %lt3A_1133 = arith.cmpi slt, %get3A_1129, %lt3A_1132 : vector<16xi32>
    %and3A_1134 = arith.andi %ge3A_1131, %lt3A_1133 : vector<16xi1>
    %jit3A_1135 = arith.constant 428544 : i32
    %broadcast_in_dim3A_1136 = vector.broadcast %jit3A_1135 : i32 to vector<16xi32>
    %select_n3A_1137 = arith.select %and3A_1134, %get3A_1129, %broadcast_in_dim3A_1136 : vector<16xi1>, vector<16xi32>
    %swap3A_1138 = arith.constant 6 : i32
    %swap3A_1139 = arith.index_cast %swap3A_1138 : i32 to index
    %swap3A_1140 = arith.constant 64 : index
    %swap3A_1141 = tpu.vector_load %arg9[%swap3A_1139, %swap3A_1140] {strides = array<i32>} : memref<8x128xi32, #tpu.memory_space<vmem>>, vector<1x16xi32>,
    %swap3A_1142 = vector.shape_cast %swap3A_1141 : vector<1x16xi32> to vector<16xi32>
    %swap3A_1143 = vector.shape_cast %select_n3A_1137 : vector<16xi32> to vector<1x16xi32>
    tpu.vector_store %arg9[%swap3A_1139, %swap3A_1140], %swap3A_1143 {strides = array<i32>} : memref<8x128xi32, #tpu.memory_space<vmem>>, vector<1x16xi32>,
    %get3A_1144 = arith.constant 6 : i32
    %get3A_1145 = arith.index_cast %get3A_1144 : i32 to index
    %get3A_1146 = arith.constant 80 : index
    %get3A_1147 = tpu.vector_load %arg9[%get3A_1145, %get3A_1146] {strides = array<i32>} : memref<8x128xi32, #tpu.memory_space<vmem>>, vector<1x16xi32>,
    %get3A_1148 = vector.shape_cast %get3A_1147 : vector<1x16xi32> to vector<16xi32>
    %ge3A_1149 = vector.broadcast %mul3A_142 : i32 to vector<16xi32>
    %ge3A_1150 = arith.cmpi sge, %get3A_1148, %ge3A_1149 : vector<16xi32>
    %lt3A_1151 = vector.broadcast %add3A_144 : i32 to vector<16xi32>
    %lt3A_1152 = arith.cmpi slt, %get3A_1148, %lt3A_1151 : vector<16xi32>
    %and3A_1153 = arith.andi %ge3A_1150, %lt3A_1152 : vector<16xi1>
    %jit3A_1154 = arith.constant 428544 : i32
    %broadcast_in_dim3A_1155 = vector.broadcast %jit3A_1154 : i32 to vector<16xi32>
    %select_n3A_1156 = arith.select %and3A_1153, %get3A_1148, %broadcast_in_dim3A_1155 : vector<16xi1>, vector<16xi32>
    %swap3A_1157 = arith.constant 6 : i32
    %swap3A_1158 = arith.index_cast %swap3A_1157 : i32 to index
    %swap3A_1159 = arith.constant 80 : index
    %swap3A_1160 = tpu.vector_load %arg9[%swap3A_1158, %swap3A_1159] {strides = array<i32>} : memref<8x128xi32, #tpu.memory_space<vmem>>, vector<1x16xi32>,
    %swap3A_1161 = vector.shape_cast %swap3A_1160 : vector<1x16xi32> to vector<16xi32>
    %swap3A_1162 = vector.shape_cast %select_n3A_1156 : vector<16xi32> to vector<1x16xi32>
    tpu.vector_store %arg9[%swap3A_1158, %swap3A_1159], %swap3A_1162 {strides = array<i32>} : memref<8x128xi32, #tpu.memory_space<vmem>>, vector<1x16xi32>,
    %get3A_1163 = arith.constant 6 : i32
    %get3A_1164 = arith.index_cast %get3A_1163 : i32 to index
    %get3A_1165 = arith.constant 96 : index
    %get3A_1166 = tpu.vector_load %arg9[%get3A_1164, %get3A_1165] {strides = array<i32>} : memref<8x128xi32, #tpu.memory_space<vmem>>, vector<1x16xi32>,
    %get3A_1167 = vector.shape_cast %get3A_1166 : vector<1x16xi32> to vector<16xi32>
    %ge3A_1168 = vector.broadcast %mul3A_142 : i32 to vector<16xi32>
    %ge3A_1169 = arith.cmpi sge, %get3A_1167, %ge3A_1168 : vector<16xi32>
    %lt3A_1170 = vector.broadcast %add3A_144 : i32 to vector<16xi32>
    %lt3A_1171 = arith.cmpi slt, %get3A_1167, %lt3A_1170 : vector<16xi32>
    %and3A_1172 = arith.andi %ge3A_1169, %lt3A_1171 : vector<16xi1>
    %jit3A_1173 = arith.constant 428544 : i32
    %broadcast_in_dim3A_1174 = vector.broadcast %jit3A_1173 : i32 to vector<16xi32>
    %select_n3A_1175 = arith.select %and3A_1172, %get3A_1167, %broadcast_in_dim3A_1174 : vector<16xi1>, vector<16xi32>
    %swap3A_1176 = arith.constant 6 : i32
    %swap3A_1177 = arith.index_cast %swap3A_1176 : i32 to index
    %swap3A_1178 = arith.constant 96 : index
    %swap3A_1179 = tpu.vector_load %arg9[%swap3A_1177, %swap3A_1178] {strides = array<i32>} : memref<8x128xi32, #tpu.memory_space<vmem>>, vector<1x16xi32>,
    %swap3A_1180 = vector.shape_cast %swap3A_1179 : vector<1x16xi32> to vector<16xi32>
    %swap3A_1181 = vector.shape_cast %select_n3A_1175 : vector<16xi32> to vector<1x16xi32>
    tpu.vector_store %arg9[%swap3A_1177, %swap3A_1178], %swap3A_1181 {strides = array<i32>} : memref<8x128xi32, #tpu.memory_space<vmem>>, vector<1x16xi32>,
    %get3A_1182 = arith.constant 6 : i32
    %get3A_1183 = arith.index_cast %get3A_1182 : i32 to index
    %get3A_1184 = arith.constant 112 : index
    %get3A_1185 = tpu.vector_load %arg9[%get3A_1183, %get3A_1184] {strides = array<i32>} : memref<8x128xi32, #tpu.memory_space<vmem>>, vector<1x16xi32>,
    %get3A_1186 = vector.shape_cast %get3A_1185 : vector<1x16xi32> to vector<16xi32>
    %ge3A_1187 = vector.broadcast %mul3A_142 : i32 to vector<16xi32>
    %ge3A_1188 = arith.cmpi sge, %get3A_1186, %ge3A_1187 : vector<16xi32>
    %lt3A_1189 = vector.broadcast %add3A_144 : i32 to vector<16xi32>
    %lt3A_1190 = arith.cmpi slt, %get3A_1186, %lt3A_1189 : vector<16xi32>
    %and3A_1191 = arith.andi %ge3A_1188, %lt3A_1190 : vector<16xi1>
    %jit3A_1192 = arith.constant 428544 : i32
    %broadcast_in_dim3A_1193 = vector.broadcast %jit3A_1192 : i32 to vector<16xi32>
    %select_n3A_1194 = arith.select %and3A_1191, %get3A_1186, %broadcast_in_dim3A_1193 : vector<16xi1>, vector<16xi32>
    %swap3A_1195 = arith.constant 6 : i32
    %swap3A_1196 = arith.index_cast %swap3A_1195 : i32 to index
    %swap3A_1197 = arith.constant 112 : index
    %swap3A_1198 = tpu.vector_load %arg9[%swap3A_1196, %swap3A_1197] {strides = array<i32>} : memref<8x128xi32, #tpu.memory_space<vmem>>, vector<1x16xi32>,
    %swap3A_1199 = vector.shape_cast %swap3A_1198 : vector<1x16xi32> to vector<16xi32>
    %swap3A_1200 = vector.shape_cast %select_n3A_1194 : vector<16xi32> to vector<1x16xi32>
    tpu.vector_store %arg9[%swap3A_1196, %swap3A_1197], %swap3A_1200 {strides = array<i32>} : memref<8x128xi32, #tpu.memory_space<vmem>>, vector<1x16xi32>,
    %get3A_1201 = arith.constant 7 : i32
    %get3A_1202 = arith.index_cast %get3A_1201 : i32 to index
    %get3A_1203 = arith.constant 0 : index
    %get3A_1204 = tpu.vector_load %arg9[%get3A_1202, %get3A_1203] {strides = array<i32>} : memref<8x128xi32, #tpu.memory_space<vmem>>, vector<1x16xi32>,
    %get3A_1205 = vector.shape_cast %get3A_1204 : vector<1x16xi32> to vector<16xi32>
    %ge3A_1206 = vector.broadcast %mul3A_142 : i32 to vector<16xi32>
    %ge3A_1207 = arith.cmpi sge, %get3A_1205, %ge3A_1206 : vector<16xi32>
    %lt3A_1208 = vector.broadcast %add3A_144 : i32 to vector<16xi32>
    %lt3A_1209 = arith.cmpi slt, %get3A_1205, %lt3A_1208 : vector<16xi32>
    %and3A_1210 = arith.andi %ge3A_1207, %lt3A_1209 : vector<16xi1>
    %jit3A_1211 = arith.constant 428544 : i32
    %broadcast_in_dim3A_1212 = vector.broadcast %jit3A_1211 : i32 to vector<16xi32>
    %select_n3A_1213 = arith.select %and3A_1210, %get3A_1205, %broadcast_in_dim3A_1212 : vector<16xi1>, vector<16xi32>
    %swap3A_1214 = arith.constant 7 : i32
    %swap3A_1215 = arith.index_cast %swap3A_1214 : i32 to index
    %swap3A_1216 = arith.constant 0 : index
    %swap3A_1217 = tpu.vector_load %arg9[%swap3A_1215, %swap3A_1216] {strides = array<i32>} : memref<8x128xi32, #tpu.memory_space<vmem>>, vector<1x16xi32>,
    %swap3A_1218 = vector.shape_cast %swap3A_1217 : vector<1x16xi32> to vector<16xi32>
    %swap3A_1219 = vector.shape_cast %select_n3A_1213 : vector<16xi32> to vector<1x16xi32>
    tpu.vector_store %arg9[%swap3A_1215, %swap3A_1216], %swap3A_1219 {strides = array<i32>} : memref<8x128xi32, #tpu.memory_space<vmem>>, vector<1x16xi32>,
    %get3A_1220 = arith.constant 7 : i32
    %get3A_1221 = arith.index_cast %get3A_1220 : i32 to index
    %get3A_1222 = arith.constant 16 : index
    %get3A_1223 = tpu.vector_load %arg9[%get3A_1221, %get3A_1222] {strides = array<i32>} : memref<8x128xi32, #tpu.memory_space<vmem>>, vector<1x16xi32>,
    %get3A_1224 = vector.shape_cast %get3A_1223 : vector<1x16xi32> to vector<16xi32>
    %ge3A_1225 = vector.broadcast %mul3A_142 : i32 to vector<16xi32>
    %ge3A_1226 = arith.cmpi sge, %get3A_1224, %ge3A_1225 : vector<16xi32>
    %lt3A_1227 = vector.broadcast %add3A_144 : i32 to vector<16xi32>
    %lt3A_1228 = arith.cmpi slt, %get3A_1224, %lt3A_1227 : vector<16xi32>
    %and3A_1229 = arith.andi %ge3A_1226, %lt3A_1228 : vector<16xi1>
    %jit3A_1230 = arith.constant 428544 : i32
    %broadcast_in_dim3A_1231 = vector.broadcast %jit3A_1230 : i32 to vector<16xi32>
    %select_n3A_1232 = arith.select %and3A_1229, %get3A_1224, %broadcast_in_dim3A_1231 : vector<16xi1>, vector<16xi32>
    %swap3A_1233 = arith.constant 7 : i32
    %swap3A_1234 = arith.index_cast %swap3A_1233 : i32 to index
    %swap3A_1235 = arith.constant 16 : index
    %swap3A_1236 = tpu.vector_load %arg9[%swap3A_1234, %swap3A_1235] {strides = array<i32>} : memref<8x128xi32, #tpu.memory_space<vmem>>, vector<1x16xi32>,
    %swap3A_1237 = vector.shape_cast %swap3A_1236 : vector<1x16xi32> to vector<16xi32>
    %swap3A_1238 = vector.shape_cast %select_n3A_1232 : vector<16xi32> to vector<1x16xi32>
    tpu.vector_store %arg9[%swap3A_1234, %swap3A_1235], %swap3A_1238 {strides = array<i32>} : memref<8x128xi32, #tpu.memory_space<vmem>>, vector<1x16xi32>,
    %get3A_1239 = arith.constant 7 : i32
    %get3A_1240 = arith.index_cast %get3A_1239 : i32 to index
    %get3A_1241 = arith.constant 32 : index
    %get3A_1242 = tpu.vector_load %arg9[%get3A_1240, %get3A_1241] {strides = array<i32>} : memref<8x128xi32, #tpu.memory_space<vmem>>, vector<1x16xi32>,
    %get3A_1243 = vector.shape_cast %get3A_1242 : vector<1x16xi32> to vector<16xi32>
    %ge3A_1244 = vector.broadcast %mul3A_142 : i32 to vector<16xi32>
    %ge3A_1245 = arith.cmpi sge, %get3A_1243, %ge3A_1244 : vector<16xi32>
    %lt3A_1246 = vector.broadcast %add3A_144 : i32 to vector<16xi32>
    %lt3A_1247 = arith.cmpi slt, %get3A_1243, %lt3A_1246 : vector<16xi32>
    %and3A_1248 = arith.andi %ge3A_1245, %lt3A_1247 : vector<16xi1>
    %jit3A_1249 = arith.constant 428544 : i32
    %broadcast_in_dim3A_1250 = vector.broadcast %jit3A_1249 : i32 to vector<16xi32>
    %select_n3A_1251 = arith.select %and3A_1248, %get3A_1243, %broadcast_in_dim3A_1250 : vector<16xi1>, vector<16xi32>
    %swap3A_1252 = arith.constant 7 : i32
    %swap3A_1253 = arith.index_cast %swap3A_1252 : i32 to index
    %swap3A_1254 = arith.constant 32 : index
    %swap3A_1255 = tpu.vector_load %arg9[%swap3A_1253, %swap3A_1254] {strides = array<i32>} : memref<8x128xi32, #tpu.memory_space<vmem>>, vector<1x16xi32>,
    %swap3A_1256 = vector.shape_cast %swap3A_1255 : vector<1x16xi32> to vector<16xi32>
    %swap3A_1257 = vector.shape_cast %select_n3A_1251 : vector<16xi32> to vector<1x16xi32>
    tpu.vector_store %arg9[%swap3A_1253, %swap3A_1254], %swap3A_1257 {strides = array<i32>} : memref<8x128xi32, #tpu.memory_space<vmem>>, vector<1x16xi32>,
    %get3A_1258 = arith.constant 7 : i32
    %get3A_1259 = arith.index_cast %get3A_1258 : i32 to index
    %get3A_1260 = arith.constant 48 : index
    %get3A_1261 = tpu.vector_load %arg9[%get3A_1259, %get3A_1260] {strides = array<i32>} : memref<8x128xi32, #tpu.memory_space<vmem>>, vector<1x16xi32>,
    %get3A_1262 = vector.shape_cast %get3A_1261 : vector<1x16xi32> to vector<16xi32>
    %ge3A_1263 = vector.broadcast %mul3A_142 : i32 to vector<16xi32>
    %ge3A_1264 = arith.cmpi sge, %get3A_1262, %ge3A_1263 : vector<16xi32>
    %lt3A_1265 = vector.broadcast %add3A_144 : i32 to vector<16xi32>
    %lt3A_1266 = arith.cmpi slt, %get3A_1262, %lt3A_1265 : vector<16xi32>
    %and3A_1267 = arith.andi %ge3A_1264, %lt3A_1266 : vector<16xi1>
    %jit3A_1268 = arith.constant 428544 : i32
    %broadcast_in_dim3A_1269 = vector.broadcast %jit3A_1268 : i32 to vector<16xi32>
    %select_n3A_1270 = arith.select %and3A_1267, %get3A_1262, %broadcast_in_dim3A_1269 : vector<16xi1>, vector<16xi32>
    %swap3A_1271 = arith.constant 7 : i32
    %swap3A_1272 = arith.index_cast %swap3A_1271 : i32 to index
    %swap3A_1273 = arith.constant 48 : index
    %swap3A_1274 = tpu.vector_load %arg9[%swap3A_1272, %swap3A_1273] {strides = array<i32>} : memref<8x128xi32, #tpu.memory_space<vmem>>, vector<1x16xi32>,
    %swap3A_1275 = vector.shape_cast %swap3A_1274 : vector<1x16xi32> to vector<16xi32>
    %swap3A_1276 = vector.shape_cast %select_n3A_1270 : vector<16xi32> to vector<1x16xi32>
    tpu.vector_store %arg9[%swap3A_1272, %swap3A_1273], %swap3A_1276 {strides = array<i32>} : memref<8x128xi32, #tpu.memory_space<vmem>>, vector<1x16xi32>,
    %get3A_1277 = arith.constant 7 : i32
    %get3A_1278 = arith.index_cast %get3A_1277 : i32 to index
    %get3A_1279 = arith.constant 64 : index
    %get3A_1280 = tpu.vector_load %arg9[%get3A_1278, %get3A_1279] {strides = array<i32>} : memref<8x128xi32, #tpu.memory_space<vmem>>, vector<1x16xi32>,
    %get3A_1281 = vector.shape_cast %get3A_1280 : vector<1x16xi32> to vector<16xi32>
    %ge3A_1282 = vector.broadcast %mul3A_142 : i32 to vector<16xi32>
    %ge3A_1283 = arith.cmpi sge, %get3A_1281, %ge3A_1282 : vector<16xi32>
    %lt3A_1284 = vector.broadcast %add3A_144 : i32 to vector<16xi32>
    %lt3A_1285 = arith.cmpi slt, %get3A_1281, %lt3A_1284 : vector<16xi32>
    %and3A_1286 = arith.andi %ge3A_1283, %lt3A_1285 : vector<16xi1>
    %jit3A_1287 = arith.constant 428544 : i32
    %broadcast_in_dim3A_1288 = vector.broadcast %jit3A_1287 : i32 to vector<16xi32>
    %select_n3A_1289 = arith.select %and3A_1286, %get3A_1281, %broadcast_in_dim3A_1288 : vector<16xi1>, vector<16xi32>
    %swap3A_1290 = arith.constant 7 : i32
    %swap3A_1291 = arith.index_cast %swap3A_1290 : i32 to index
    %swap3A_1292 = arith.constant 64 : index
    %swap3A_1293 = tpu.vector_load %arg9[%swap3A_1291, %swap3A_1292] {strides = array<i32>} : memref<8x128xi32, #tpu.memory_space<vmem>>, vector<1x16xi32>,
    %swap3A_1294 = vector.shape_cast %swap3A_1293 : vector<1x16xi32> to vector<16xi32>
    %swap3A_1295 = vector.shape_cast %select_n3A_1289 : vector<16xi32> to vector<1x16xi32>
    tpu.vector_store %arg9[%swap3A_1291, %swap3A_1292], %swap3A_1295 {strides = array<i32>} : memref<8x128xi32, #tpu.memory_space<vmem>>, vector<1x16xi32>,
    %get3A_1296 = arith.constant 7 : i32
    %get3A_1297 = arith.index_cast %get3A_1296 : i32 to index
    %get3A_1298 = arith.constant 80 : index
    %get3A_1299 = tpu.vector_load %arg9[%get3A_1297, %get3A_1298] {strides = array<i32>} : memref<8x128xi32, #tpu.memory_space<vmem>>, vector<1x16xi32>,
    %get3A_1300 = vector.shape_cast %get3A_1299 : vector<1x16xi32> to vector<16xi32>
    %ge3A_1301 = vector.broadcast %mul3A_142 : i32 to vector<16xi32>
    %ge3A_1302 = arith.cmpi sge, %get3A_1300, %ge3A_1301 : vector<16xi32>
    %lt3A_1303 = vector.broadcast %add3A_144 : i32 to vector<16xi32>
    %lt3A_1304 = arith.cmpi slt, %get3A_1300, %lt3A_1303 : vector<16xi32>
    %and3A_1305 = arith.andi %ge3A_1302, %lt3A_1304 : vector<16xi1>
    %jit3A_1306 = arith.constant 428544 : i32
    %broadcast_in_dim3A_1307 = vector.broadcast %jit3A_1306 : i32 to vector<16xi32>
    %select_n3A_1308 = arith.select %and3A_1305, %get3A_1300, %broadcast_in_dim3A_1307 : vector<16xi1>, vector<16xi32>
    %swap3A_1309 = arith.constant 7 : i32
    %swap3A_1310 = arith.index_cast %swap3A_1309 : i32 to index
    %swap3A_1311 = arith.constant 80 : index
    %swap3A_1312 = tpu.vector_load %arg9[%swap3A_1310, %swap3A_1311] {strides = array<i32>} : memref<8x128xi32, #tpu.memory_space<vmem>>, vector<1x16xi32>,
    %swap3A_1313 = vector.shape_cast %swap3A_1312 : vector<1x16xi32> to vector<16xi32>
    %swap3A_1314 = vector.shape_cast %select_n3A_1308 : vector<16xi32> to vector<1x16xi32>
    tpu.vector_store %arg9[%swap3A_1310, %swap3A_1311], %swap3A_1314 {strides = array<i32>} : memref<8x128xi32, #tpu.memory_space<vmem>>, vector<1x16xi32>,
    %get3A_1315 = arith.constant 7 : i32
    %get3A_1316 = arith.index_cast %get3A_1315 : i32 to index
    %get3A_1317 = arith.constant 96 : index
    %get3A_1318 = tpu.vector_load %arg9[%get3A_1316, %get3A_1317] {strides = array<i32>} : memref<8x128xi32, #tpu.memory_space<vmem>>, vector<1x16xi32>,
    %get3A_1319 = vector.shape_cast %get3A_1318 : vector<1x16xi32> to vector<16xi32>
    %ge3A_1320 = vector.broadcast %mul3A_142 : i32 to vector<16xi32>
    %ge3A_1321 = arith.cmpi sge, %get3A_1319, %ge3A_1320 : vector<16xi32>
    %lt3A_1322 = vector.broadcast %add3A_144 : i32 to vector<16xi32>
    %lt3A_1323 = arith.cmpi slt, %get3A_1319, %lt3A_1322 : vector<16xi32>
    %and3A_1324 = arith.andi %ge3A_1321, %lt3A_1323 : vector<16xi1>
    %jit3A_1325 = arith.constant 428544 : i32
    %broadcast_in_dim3A_1326 = vector.broadcast %jit3A_1325 : i32 to vector<16xi32>
    %select_n3A_1327 = arith.select %and3A_1324, %get3A_1319, %broadcast_in_dim3A_1326 : vector<16xi1>, vector<16xi32>
    %swap3A_1328 = arith.constant 7 : i32
    %swap3A_1329 = arith.index_cast %swap3A_1328 : i32 to index
    %swap3A_1330 = arith.constant 96 : index
    %swap3A_1331 = tpu.vector_load %arg9[%swap3A_1329, %swap3A_1330] {strides = array<i32>} : memref<8x128xi32, #tpu.memory_space<vmem>>, vector<1x16xi32>,
    %swap3A_1332 = vector.shape_cast %swap3A_1331 : vector<1x16xi32> to vector<16xi32>
    %swap3A_1333 = vector.shape_cast %select_n3A_1327 : vector<16xi32> to vector<1x16xi32>
    tpu.vector_store %arg9[%swap3A_1329, %swap3A_1330], %swap3A_1333 {strides = array<i32>} : memref<8x128xi32, #tpu.memory_space<vmem>>, vector<1x16xi32>,
    %get3A_1334 = arith.constant 7 : i32
    %get3A_1335 = arith.index_cast %get3A_1334 : i32 to index
    %get3A_1336 = arith.constant 112 : index
    %get3A_1337 = tpu.vector_load %arg9[%get3A_1335, %get3A_1336] {strides = array<i32>} : memref<8x128xi32, #tpu.memory_space<vmem>>, vector<1x16xi32>,
    %get3A_1338 = vector.shape_cast %get3A_1337 : vector<1x16xi32> to vector<16xi32>
    %ge3A_1339 = vector.broadcast %mul3A_142 : i32 to vector<16xi32>
    %ge3A_1340 = arith.cmpi sge, %get3A_1338, %ge3A_1339 : vector<16xi32>
    %lt3A_1341 = vector.broadcast %add3A_144 : i32 to vector<16xi32>
    %lt3A_1342 = arith.cmpi slt, %get3A_1338, %lt3A_1341 : vector<16xi32>
    %and3A_1343 = arith.andi %ge3A_1340, %lt3A_1342 : vector<16xi1>
    %jit3A_1344 = arith.constant 428544 : i32
    %broadcast_in_dim3A_1345 = vector.broadcast %jit3A_1344 : i32 to vector<16xi32>
    %select_n3A_1346 = arith.select %and3A_1343, %get3A_1338, %broadcast_in_dim3A_1345 : vector<16xi1>, vector<16xi32>
    %swap3A_1347 = arith.constant 7 : i32
    %swap3A_1348 = arith.index_cast %swap3A_1347 : i32 to index
    %swap3A_1349 = arith.constant 112 : index
    %swap3A_1350 = tpu.vector_load %arg9[%swap3A_1348, %swap3A_1349] {strides = array<i32>} : memref<8x128xi32, #tpu.memory_space<vmem>>, vector<1x16xi32>,
    %swap3A_1351 = vector.shape_cast %swap3A_1350 : vector<1x16xi32> to vector<16xi32>
    %swap3A_1352 = vector.shape_cast %select_n3A_1346 : vector<16xi32> to vector<1x16xi32>
    tpu.vector_store %arg9[%swap3A_1348, %swap3A_1349], %swap3A_1352 {strides = array<i32>} : memref<8x128xi32, #tpu.memory_space<vmem>>, vector<1x16xi32>,
    %dma_wait3A_1353 = arith.constant 0 : i32
    %dma_wait3A_1354 = tpu.memref_slice %arg6[%add3A_19, %dma_wait3A_1353] : memref<428552x64xf32, #tpu.memory_space<hbm>> -> memref<744x64xf32, #tpu.memory_space<hbm>>
    %dma_wait3A_1355 = arith.constant 0 : i32
    %dma_wait3A_1356 = tpu.memref_slice %arg6[%add3A_19, %dma_wait3A_1355] : memref<428552x64xf32, #tpu.memory_space<hbm>> -> memref<744x64xf32, #tpu.memory_space<hbm>>
    tpu.wait_dma2 semaphore(%arg12 : memref<!tpu.dma_semaphore, #tpu.memory_space<semaphore_mem>>) src(%arg7 : memref<744x64xf32, #tpu.memory_space<vmem>>) dst(%dma_wait3A_1356 : memref<744x64xf32, #tpu.memory_space<hbm>>)
    %dma_wait3A_1357 = arith.constant 0 : i32
    %dma_wait3A_1358 = tpu.memref_slice %arg6[%add3A_25, %dma_wait3A_1357] : memref<428552x64xf32, #tpu.memory_space<hbm>> -> memref<744x64xf32, #tpu.memory_space<hbm>>
    %dma_wait3A_1359 = arith.constant 0 : i32
    %dma_wait3A_1360 = tpu.memref_slice %arg6[%add3A_25, %dma_wait3A_1359] : memref<428552x64xf32, #tpu.memory_space<hbm>> -> memref<744x64xf32, #tpu.memory_space<hbm>>
    tpu.wait_dma2 semaphore(%arg12 : memref<!tpu.dma_semaphore, #tpu.memory_space<semaphore_mem>>) src(%arg7 : memref<744x64xf32, #tpu.memory_space<vmem>>) dst(%dma_wait3A_1360 : memref<744x64xf32, #tpu.memory_space<hbm>>)
    %dma_wait3A_1361 = arith.constant 0 : i32
    %dma_wait3A_1362 = tpu.memref_slice %arg6[%add3A_31, %dma_wait3A_1361] : memref<428552x64xf32, #tpu.memory_space<hbm>> -> memref<744x64xf32, #tpu.memory_space<hbm>>
    %dma_wait3A_1363 = arith.constant 0 : i32
    %dma_wait3A_1364 = tpu.memref_slice %arg6[%add3A_31, %dma_wait3A_1363] : memref<428552x64xf32, #tpu.memory_space<hbm>> -> memref<744x64xf32, #tpu.memory_space<hbm>>
    tpu.wait_dma2 semaphore(%arg12 : memref<!tpu.dma_semaphore, #tpu.memory_space<semaphore_mem>>) src(%arg7 : memref<744x64xf32, #tpu.memory_space<vmem>>) dst(%dma_wait3A_1364 : memref<744x64xf32, #tpu.memory_space<hbm>>)
    %dma_wait3A_1365 = arith.constant 0 : i32
    %dma_wait3A_1366 = tpu.memref_slice %arg6[%add3A_37, %dma_wait3A_1365] : memref<428552x64xf32, #tpu.memory_space<hbm>> -> memref<744x64xf32, #tpu.memory_space<hbm>>
    %dma_wait3A_1367 = arith.constant 0 : i32
    %dma_wait3A_1368 = tpu.memref_slice %arg6[%add3A_37, %dma_wait3A_1367] : memref<428552x64xf32, #tpu.memory_space<hbm>> -> memref<744x64xf32, #tpu.memory_space<hbm>>
    tpu.wait_dma2 semaphore(%arg12 : memref<!tpu.dma_semaphore, #tpu.memory_space<semaphore_mem>>) src(%arg7 : memref<744x64xf32, #tpu.memory_space<vmem>>) dst(%dma_wait3A_1368 : memref<744x64xf32, #tpu.memory_space<hbm>>)
    %dma_wait3A_1369 = arith.constant 0 : i32
    %dma_wait3A_1370 = tpu.memref_slice %arg6[%add3A_43, %dma_wait3A_1369] : memref<428552x64xf32, #tpu.memory_space<hbm>> -> memref<744x64xf32, #tpu.memory_space<hbm>>
    %dma_wait3A_1371 = arith.constant 0 : i32
    %dma_wait3A_1372 = tpu.memref_slice %arg6[%add3A_43, %dma_wait3A_1371] : memref<428552x64xf32, #tpu.memory_space<hbm>> -> memref<744x64xf32, #tpu.memory_space<hbm>>
    tpu.wait_dma2 semaphore(%arg12 : memref<!tpu.dma_semaphore, #tpu.memory_space<semaphore_mem>>) src(%arg7 : memref<744x64xf32, #tpu.memory_space<vmem>>) dst(%dma_wait3A_1372 : memref<744x64xf32, #tpu.memory_space<hbm>>)
    %dma_wait3A_1373 = arith.constant 0 : i32
    %dma_wait3A_1374 = tpu.memref_slice %arg6[%add3A_49, %dma_wait3A_1373] : memref<428552x64xf32, #tpu.memory_space<hbm>> -> memref<744x64xf32, #tpu.memory_space<hbm>>
    %dma_wait3A_1375 = arith.constant 0 : i32
    %dma_wait3A_1376 = tpu.memref_slice %arg6[%add3A_49, %dma_wait3A_1375] : memref<428552x64xf32, #tpu.memory_space<hbm>> -> memref<744x64xf32, #tpu.memory_space<hbm>>
    tpu.wait_dma2 semaphore(%arg12 : memref<!tpu.dma_semaphore, #tpu.memory_space<semaphore_mem>>) src(%arg7 : memref<744x64xf32, #tpu.memory_space<vmem>>) dst(%dma_wait3A_1376 : memref<744x64xf32, #tpu.memory_space<hbm>>)
    %dma_wait3A_1377 = arith.constant 0 : i32
    %dma_wait3A_1378 = tpu.memref_slice %arg6[%add3A_55, %dma_wait3A_1377] : memref<428552x64xf32, #tpu.memory_space<hbm>> -> memref<744x64xf32, #tpu.memory_space<hbm>>
    %dma_wait3A_1379 = arith.constant 0 : i32
    %dma_wait3A_1380 = tpu.memref_slice %arg6[%add3A_55, %dma_wait3A_1379] : memref<428552x64xf32, #tpu.memory_space<hbm>> -> memref<744x64xf32, #tpu.memory_space<hbm>>
    tpu.wait_dma2 semaphore(%arg12 : memref<!tpu.dma_semaphore, #tpu.memory_space<semaphore_mem>>) src(%arg7 : memref<744x64xf32, #tpu.memory_space<vmem>>) dst(%dma_wait3A_1380 : memref<744x64xf32, #tpu.memory_space<hbm>>)
    %dma_wait3A_1381 = arith.constant 0 : i32
    %dma_wait3A_1382 = tpu.memref_slice %arg6[%add3A_61, %dma_wait3A_1381] : memref<428552x64xf32, #tpu.memory_space<hbm>> -> memref<744x64xf32, #tpu.memory_space<hbm>>
    %dma_wait3A_1383 = arith.constant 0 : i32
    %dma_wait3A_1384 = tpu.memref_slice %arg6[%add3A_61, %dma_wait3A_1383] : memref<428552x64xf32, #tpu.memory_space<hbm>> -> memref<744x64xf32, #tpu.memory_space<hbm>>
    tpu.wait_dma2 semaphore(%arg12 : memref<!tpu.dma_semaphore, #tpu.memory_space<semaphore_mem>>) src(%arg7 : memref<744x64xf32, #tpu.memory_space<vmem>>) dst(%dma_wait3A_1384 : memref<744x64xf32, #tpu.memory_space<hbm>>)
    %dma_wait3A_1385 = arith.constant 0 : i32
    %dma_wait3A_1386 = tpu.memref_slice %arg6[%add3A_67, %dma_wait3A_1385] : memref<428552x64xf32, #tpu.memory_space<hbm>> -> memref<744x64xf32, #tpu.memory_space<hbm>>
    %dma_wait3A_1387 = arith.constant 0 : i32
    %dma_wait3A_1388 = tpu.memref_slice %arg6[%add3A_67, %dma_wait3A_1387] : memref<428552x64xf32, #tpu.memory_space<hbm>> -> memref<744x64xf32, #tpu.memory_space<hbm>>
    tpu.wait_dma2 semaphore(%arg12 : memref<!tpu.dma_semaphore, #tpu.memory_space<semaphore_mem>>) src(%arg7 : memref<744x64xf32, #tpu.memory_space<vmem>>) dst(%dma_wait3A_1388 : memref<744x64xf32, #tpu.memory_space<hbm>>)
    %dma_wait3A_1389 = arith.constant 0 : i32
    %dma_wait3A_1390 = tpu.memref_slice %arg6[%add3A_73, %dma_wait3A_1389] : memref<428552x64xf32, #tpu.memory_space<hbm>> -> memref<744x64xf32, #tpu.memory_space<hbm>>
    %dma_wait3A_1391 = arith.constant 0 : i32
    %dma_wait3A_1392 = tpu.memref_slice %arg6[%add3A_73, %dma_wait3A_1391] : memref<428552x64xf32, #tpu.memory_space<hbm>> -> memref<744x64xf32, #tpu.memory_space<hbm>>
    tpu.wait_dma2 semaphore(%arg12 : memref<!tpu.dma_semaphore, #tpu.memory_space<semaphore_mem>>) src(%arg7 : memref<744x64xf32, #tpu.memory_space<vmem>>) dst(%dma_wait3A_1392 : memref<744x64xf32, #tpu.memory_space<hbm>>)
    %dma_wait3A_1393 = arith.constant 0 : i32
    %dma_wait3A_1394 = tpu.memref_slice %arg6[%add3A_79, %dma_wait3A_1393] : memref<428552x64xf32, #tpu.memory_space<hbm>> -> memref<744x64xf32, #tpu.memory_space<hbm>>
    %dma_wait3A_1395 = arith.constant 0 : i32
    %dma_wait3A_1396 = tpu.memref_slice %arg6[%add3A_79, %dma_wait3A_1395] : memref<428552x64xf32, #tpu.memory_space<hbm>> -> memref<744x64xf32, #tpu.memory_space<hbm>>
    tpu.wait_dma2 semaphore(%arg12 : memref<!tpu.dma_semaphore, #tpu.memory_space<semaphore_mem>>) src(%arg7 : memref<744x64xf32, #tpu.memory_space<vmem>>) dst(%dma_wait3A_1396 : memref<744x64xf32, #tpu.memory_space<hbm>>)
    %dma_wait3A_1397 = arith.constant 0 : i32
    %dma_wait3A_1398 = tpu.memref_slice %arg6[%add3A_85, %dma_wait3A_1397] : memref<428552x64xf32, #tpu.memory_space<hbm>> -> memref<744x64xf32, #tpu.memory_space<hbm>>
    %dma_wait3A_1399 = arith.constant 0 : i32
    %dma_wait3A_1400 = tpu.memref_slice %arg6[%add3A_85, %dma_wait3A_1399] : memref<428552x64xf32, #tpu.memory_space<hbm>> -> memref<744x64xf32, #tpu.memory_space<hbm>>
    tpu.wait_dma2 semaphore(%arg12 : memref<!tpu.dma_semaphore, #tpu.memory_space<semaphore_mem>>) src(%arg7 : memref<744x64xf32, #tpu.memory_space<vmem>>) dst(%dma_wait3A_1400 : memref<744x64xf32, #tpu.memory_space<hbm>>)
    %dma_wait3A_1401 = arith.constant 0 : i32
    %dma_wait3A_1402 = tpu.memref_slice %arg6[%add3A_91, %dma_wait3A_1401] : memref<428552x64xf32, #tpu.memory_space<hbm>> -> memref<744x64xf32, #tpu.memory_space<hbm>>
    %dma_wait3A_1403 = arith.constant 0 : i32
    %dma_wait3A_1404 = tpu.memref_slice %arg6[%add3A_91, %dma_wait3A_1403] : memref<428552x64xf32, #tpu.memory_space<hbm>> -> memref<744x64xf32, #tpu.memory_space<hbm>>
    tpu.wait_dma2 semaphore(%arg12 : memref<!tpu.dma_semaphore, #tpu.memory_space<semaphore_mem>>) src(%arg7 : memref<744x64xf32, #tpu.memory_space<vmem>>) dst(%dma_wait3A_1404 : memref<744x64xf32, #tpu.memory_space<hbm>>)
    %dma_wait3A_1405 = arith.constant 0 : i32
    %dma_wait3A_1406 = tpu.memref_slice %arg6[%add3A_97, %dma_wait3A_1405] : memref<428552x64xf32, #tpu.memory_space<hbm>> -> memref<744x64xf32, #tpu.memory_space<hbm>>
    %dma_wait3A_1407 = arith.constant 0 : i32
    %dma_wait3A_1408 = tpu.memref_slice %arg6[%add3A_97, %dma_wait3A_1407] : memref<428552x64xf32, #tpu.memory_space<hbm>> -> memref<744x64xf32, #tpu.memory_space<hbm>>
    tpu.wait_dma2 semaphore(%arg12 : memref<!tpu.dma_semaphore, #tpu.memory_space<semaphore_mem>>) src(%arg7 : memref<744x64xf32, #tpu.memory_space<vmem>>) dst(%dma_wait3A_1408 : memref<744x64xf32, #tpu.memory_space<hbm>>)
    %dma_wait3A_1409 = arith.constant 0 : i32
    %dma_wait3A_1410 = tpu.memref_slice %arg6[%add3A_103, %dma_wait3A_1409] : memref<428552x64xf32, #tpu.memory_space<hbm>> -> memref<744x64xf32, #tpu.memory_space<hbm>>
    %dma_wait3A_1411 = arith.constant 0 : i32
    %dma_wait3A_1412 = tpu.memref_slice %arg6[%add3A_103, %dma_wait3A_1411] : memref<428552x64xf32, #tpu.memory_space<hbm>> -> memref<744x64xf32, #tpu.memory_space<hbm>>
    tpu.wait_dma2 semaphore(%arg12 : memref<!tpu.dma_semaphore, #tpu.memory_space<semaphore_mem>>) src(%arg7 : memref<744x64xf32, #tpu.memory_space<vmem>>) dst(%dma_wait3A_1412 : memref<744x64xf32, #tpu.memory_space<hbm>>)
    %dma_wait3A_1413 = arith.constant 0 : i32
    %dma_wait3A_1414 = tpu.memref_slice %arg6[%add3A_109, %dma_wait3A_1413] : memref<428552x64xf32, #tpu.memory_space<hbm>> -> memref<744x64xf32, #tpu.memory_space<hbm>>
    %dma_wait3A_1415 = arith.constant 0 : i32
    %dma_wait3A_1416 = tpu.memref_slice %arg6[%add3A_109, %dma_wait3A_1415] : memref<428552x64xf32, #tpu.memory_space<hbm>> -> memref<744x64xf32, #tpu.memory_space<hbm>>
    tpu.wait_dma2 semaphore(%arg12 : memref<!tpu.dma_semaphore, #tpu.memory_space<semaphore_mem>>) src(%arg7 : memref<744x64xf32, #tpu.memory_space<vmem>>) dst(%dma_wait3A_1416 : memref<744x64xf32, #tpu.memory_space<hbm>>)
    %dma_wait3A_1417 = arith.constant 0 : i32
    %dma_wait3A_1418 = tpu.memref_slice %arg6[%add3A_115, %dma_wait3A_1417] : memref<428552x64xf32, #tpu.memory_space<hbm>> -> memref<744x64xf32, #tpu.memory_space<hbm>>
    %dma_wait3A_1419 = arith.constant 0 : i32
    %dma_wait3A_1420 = tpu.memref_slice %arg6[%add3A_115, %dma_wait3A_1419] : memref<428552x64xf32, #tpu.memory_space<hbm>> -> memref<744x64xf32, #tpu.memory_space<hbm>>
    tpu.wait_dma2 semaphore(%arg12 : memref<!tpu.dma_semaphore, #tpu.memory_space<semaphore_mem>>) src(%arg7 : memref<744x64xf32, #tpu.memory_space<vmem>>) dst(%dma_wait3A_1420 : memref<744x64xf32, #tpu.memory_space<hbm>>)
    %dma_wait3A_1421 = arith.constant 0 : i32
    %dma_wait3A_1422 = tpu.memref_slice %arg6[%add3A_121, %dma_wait3A_1421] : memref<428552x64xf32, #tpu.memory_space<hbm>> -> memref<744x64xf32, #tpu.memory_space<hbm>>
    %dma_wait3A_1423 = arith.constant 0 : i32
    %dma_wait3A_1424 = tpu.memref_slice %arg6[%add3A_121, %dma_wait3A_1423] : memref<428552x64xf32, #tpu.memory_space<hbm>> -> memref<744x64xf32, #tpu.memory_space<hbm>>
    tpu.wait_dma2 semaphore(%arg12 : memref<!tpu.dma_semaphore, #tpu.memory_space<semaphore_mem>>) src(%arg7 : memref<744x64xf32, #tpu.memory_space<vmem>>) dst(%dma_wait3A_1424 : memref<744x64xf32, #tpu.memory_space<hbm>>)
    %barrier3A = arith.constant 0 : index
    tpu.barrier barrier_id(%barrier3A)
    %dma_start3A_1425 = arith.constant 0 : i32
    %dma_start3A_1426 = arith.constant 0 : i32
    %dma_start3A_1427 = tpu.memref_slice %arg8[%dma_start3A_1425, %dma_start3A_1426] : memref<8x128xi32, #tpu.memory_space<vmem>> -> memref<1x128xi32, #tpu.memory_space<vmem>>
    %dma_start3A_1428 = tpu.memref_squeeze %dma_start3A_1427 : memref<1x128xi32, #tpu.memory_space<vmem>> -> memref<128xi32, #tpu.memory_space<vmem>>
    %dma_start3A_1429 = arith.constant 0 : i32
    %dma_start3A_1430 = arith.constant 0 : i32
    %dma_start3A_1431 = tpu.memref_slice %arg2[%dma_start3A_1429, %dma_start3A_1430] : memref<16000x64xf32, #tpu.memory_space<hbm>> -> memref<16000x64xf32, #tpu.memory_space<hbm>>
    tpu.enqueue_indirect_dma source(%dma_start3A_1431 : memref<16000x64xf32, #tpu.memory_space<hbm>>) target(%arg10 : memref<128x64xf32, #tpu.memory_space<vmem>>) offsets(%dma_start3A_1428 : memref<128xi32, #tpu.memory_space<vmem>>) semaphore(%arg13 : memref<!tpu.dma_semaphore, #tpu.memory_space<semaphore_mem>>)
    %dma_start3A_1432 = arith.constant 1 : i32
    %dma_start3A_1433 = arith.constant 0 : i32
    %dma_start3A_1434 = tpu.memref_slice %arg8[%dma_start3A_1432, %dma_start3A_1433] : memref<8x128xi32, #tpu.memory_space<vmem>> -> memref<1x128xi32, #tpu.memory_space<vmem>>
    %dma_start3A_1435 = tpu.memref_squeeze %dma_start3A_1434 : memref<1x128xi32, #tpu.memory_space<vmem>> -> memref<128xi32, #tpu.memory_space<vmem>>
    %dma_start3A_1436 = arith.constant 0 : i32
    %dma_start3A_1437 = arith.constant 0 : i32
    %dma_start3A_1438 = tpu.memref_slice %arg2[%dma_start3A_1436, %dma_start3A_1437] : memref<16000x64xf32, #tpu.memory_space<hbm>> -> memref<16000x64xf32, #tpu.memory_space<hbm>>
    tpu.enqueue_indirect_dma source(%dma_start3A_1438 : memref<16000x64xf32, #tpu.memory_space<hbm>>) target(%arg11 : memref<128x64xf32, #tpu.memory_space<vmem>>) offsets(%dma_start3A_1435 : memref<128xi32, #tpu.memory_space<vmem>>) semaphore(%arg13 : memref<!tpu.dma_semaphore, #tpu.memory_space<semaphore_mem>>)
    %dma_wait3A_1439 = arith.constant 0 : i32
    %dma_wait3A_1440 = arith.constant 0 : i32
    %dma_wait3A_1441 = tpu.memref_slice %arg8[%dma_wait3A_1439, %dma_wait3A_1440] : memref<8x128xi32, #tpu.memory_space<vmem>> -> memref<1x128xi32, #tpu.memory_space<vmem>>
    %dma_wait3A_1442 = tpu.memref_squeeze %dma_wait3A_1441 : memref<1x128xi32, #tpu.memory_space<vmem>> -> memref<128xi32, #tpu.memory_space<vmem>>
    %dma_wait3A_1443 = arith.constant 0 : i32
    %dma_wait3A_1444 = arith.constant 0 : i32
    %dma_wait3A_1445 = tpu.memref_slice %arg2[%dma_wait3A_1443, %dma_wait3A_1444] : memref<16000x64xf32, #tpu.memory_space<hbm>> -> memref<16000x64xf32, #tpu.memory_space<hbm>>
    tpu.wait_indirect_dma semaphore(%arg13 : memref<!tpu.dma_semaphore, #tpu.memory_space<semaphore_mem>>) src(%dma_wait3A_1445 : memref<16000x64xf32, #tpu.memory_space<hbm>>) dst(%arg10 : memref<128x64xf32, #tpu.memory_space<vmem>>)
    %dma_start3A_1446 = arith.constant 0 : i32
    %dma_start3A_1447 = arith.constant 0 : i32
    %dma_start3A_1448 = tpu.memref_slice %arg9[%dma_start3A_1446, %dma_start3A_1447] : memref<8x128xi32, #tpu.memory_space<vmem>> -> memref<1x128xi32, #tpu.memory_space<vmem>>
    %dma_start3A_1449 = tpu.memref_squeeze %dma_start3A_1448 : memref<1x128xi32, #tpu.memory_space<vmem>> -> memref<128xi32, #tpu.memory_space<vmem>>
    %dma_start3A_1450 = arith.constant 0 : i32
    %dma_start3A_1451 = arith.constant 0 : i32
    %dma_start3A_1452 = tpu.memref_slice %arg6[%dma_start3A_1450, %dma_start3A_1451] : memref<428552x64xf32, #tpu.memory_space<hbm>> -> memref<428552x64xf32, #tpu.memory_space<hbm>>
    tpu.enqueue_indirect_dma source(%arg10 : memref<128x64xf32, #tpu.memory_space<vmem>>) target(%dma_start3A_1452 : memref<428552x64xf32, #tpu.memory_space<hbm>>) offsets(%dma_start3A_1449 : memref<128xi32, #tpu.memory_space<vmem>>) semaphore(%arg14 : memref<!tpu.dma_semaphore, #tpu.memory_space<semaphore_mem>>)
    %dma_wait3A_1453 = arith.constant 0 : i32
    %dma_wait3A_1454 = arith.constant 0 : i32
    %dma_wait3A_1455 = tpu.memref_slice %arg9[%dma_wait3A_1453, %dma_wait3A_1454] : memref<8x128xi32, #tpu.memory_space<vmem>> -> memref<1x128xi32, #tpu.memory_space<vmem>>
    %dma_wait3A_1456 = tpu.memref_squeeze %dma_wait3A_1455 : memref<1x128xi32, #tpu.memory_space<vmem>> -> memref<128xi32, #tpu.memory_space<vmem>>
    %dma_wait3A_1457 = arith.constant 0 : i32
    %dma_wait3A_1458 = arith.constant 0 : i32
    %dma_wait3A_1459 = tpu.memref_slice %arg6[%dma_wait3A_1457, %dma_wait3A_1458] : memref<428552x64xf32, #tpu.memory_space<hbm>> -> memref<428552x64xf32, #tpu.memory_space<hbm>>
    tpu.wait_indirect_dma semaphore(%arg14 : memref<!tpu.dma_semaphore, #tpu.memory_space<semaphore_mem>>) src(%arg10 : memref<128x64xf32, #tpu.memory_space<vmem>>) dst(%dma_wait3A_1459 : memref<428552x64xf32, #tpu.memory_space<hbm>>)
    %dma_start3A_1460 = arith.constant 2 : i32
    %dma_start3A_1461 = arith.constant 0 : i32
    %dma_start3A_1462 = tpu.memref_slice %arg8[%dma_start3A_1460, %dma_start3A_1461] : memref<8x128xi32, #tpu.memory_space<vmem>> -> memref<1x128xi32, #tpu.memory_space<vmem>>
    %dma_start3A_1463 = tpu.memref_squeeze %dma_start3A_1462 : memref<1x128xi32, #tpu.memory_space<vmem>> -> memref<128xi32, #tpu.memory_space<vmem>>
    %dma_start3A_1464 = arith.constant 0 : i32
    %dma_start3A_1465 = arith.constant 0 : i32
    %dma_start3A_1466 = tpu.memref_slice %arg2[%dma_start3A_1464, %dma_start3A_1465] : memref<16000x64xf32, #tpu.memory_space<hbm>> -> memref<16000x64xf32, #tpu.memory_space<hbm>>
    tpu.enqueue_indirect_dma source(%dma_start3A_1466 : memref<16000x64xf32, #tpu.memory_space<hbm>>) target(%arg10 : memref<128x64xf32, #tpu.memory_space<vmem>>) offsets(%dma_start3A_1463 : memref<128xi32, #tpu.memory_space<vmem>>) semaphore(%arg13 : memref<!tpu.dma_semaphore, #tpu.memory_space<semaphore_mem>>)
    %dma_wait3A_1467 = arith.constant 1 : i32
    %dma_wait3A_1468 = arith.constant 0 : i32
    %dma_wait3A_1469 = tpu.memref_slice %arg8[%dma_wait3A_1467, %dma_wait3A_1468] : memref<8x128xi32, #tpu.memory_space<vmem>> -> memref<1x128xi32, #tpu.memory_space<vmem>>
    %dma_wait3A_1470 = tpu.memref_squeeze %dma_wait3A_1469 : memref<1x128xi32, #tpu.memory_space<vmem>> -> memref<128xi32, #tpu.memory_space<vmem>>
    %dma_wait3A_1471 = arith.constant 0 : i32
    %dma_wait3A_1472 = arith.constant 0 : i32
    %dma_wait3A_1473 = tpu.memref_slice %arg2[%dma_wait3A_1471, %dma_wait3A_1472] : memref<16000x64xf32, #tpu.memory_space<hbm>> -> memref<16000x64xf32, #tpu.memory_space<hbm>>
    tpu.wait_indirect_dma semaphore(%arg13 : memref<!tpu.dma_semaphore, #tpu.memory_space<semaphore_mem>>) src(%dma_wait3A_1473 : memref<16000x64xf32, #tpu.memory_space<hbm>>) dst(%arg11 : memref<128x64xf32, #tpu.memory_space<vmem>>)
    %dma_start3A_1474 = arith.constant 1 : i32
    %dma_start3A_1475 = arith.constant 0 : i32
    %dma_start3A_1476 = tpu.memref_slice %arg9[%dma_start3A_1474, %dma_start3A_1475] : memref<8x128xi32, #tpu.memory_space<vmem>> -> memref<1x128xi32, #tpu.memory_space<vmem>>
    %dma_start3A_1477 = tpu.memref_squeeze %dma_start3A_1476 : memref<1x128xi32, #tpu.memory_space<vmem>> -> memref<128xi32, #tpu.memory_space<vmem>>
    %dma_start3A_1478 = arith.constant 0 : i32
    %dma_start3A_1479 = arith.constant 0 : i32
    %dma_start3A_1480 = tpu.memref_slice %arg6[%dma_start3A_1478, %dma_start3A_1479] : memref<428552x64xf32, #tpu.memory_space<hbm>> -> memref<428552x64xf32, #tpu.memory_space<hbm>>
    tpu.enqueue_indirect_dma source(%arg11 : memref<128x64xf32, #tpu.memory_space<vmem>>) target(%dma_start3A_1480 : memref<428552x64xf32, #tpu.memory_space<hbm>>) offsets(%dma_start3A_1477 : memref<128xi32, #tpu.memory_space<vmem>>) semaphore(%arg14 : memref<!tpu.dma_semaphore, #tpu.memory_space<semaphore_mem>>)
    %dma_wait3A_1481 = arith.constant 1 : i32
    %dma_wait3A_1482 = arith.constant 0 : i32
    %dma_wait3A_1483 = tpu.memref_slice %arg9[%dma_wait3A_1481, %dma_wait3A_1482] : memref<8x128xi32, #tpu.memory_space<vmem>> -> memref<1x128xi32, #tpu.memory_space<vmem>>
    %dma_wait3A_1484 = tpu.memref_squeeze %dma_wait3A_1483 : memref<1x128xi32, #tpu.memory_space<vmem>> -> memref<128xi32, #tpu.memory_space<vmem>>
    %dma_wait3A_1485 = arith.constant 0 : i32
    %dma_wait3A_1486 = arith.constant 0 : i32
    %dma_wait3A_1487 = tpu.memref_slice %arg6[%dma_wait3A_1485, %dma_wait3A_1486] : memref<428552x64xf32, #tpu.memory_space<hbm>> -> memref<428552x64xf32, #tpu.memory_space<hbm>>
    tpu.wait_indirect_dma semaphore(%arg14 : memref<!tpu.dma_semaphore, #tpu.memory_space<semaphore_mem>>) src(%arg11 : memref<128x64xf32, #tpu.memory_space<vmem>>) dst(%dma_wait3A_1487 : memref<428552x64xf32, #tpu.memory_space<hbm>>)
    %dma_start3A_1488 = arith.constant 3 : i32
    %dma_start3A_1489 = arith.constant 0 : i32
    %dma_start3A_1490 = tpu.memref_slice %arg8[%dma_start3A_1488, %dma_start3A_1489] : memref<8x128xi32, #tpu.memory_space<vmem>> -> memref<1x128xi32, #tpu.memory_space<vmem>>
    %dma_start3A_1491 = tpu.memref_squeeze %dma_start3A_1490 : memref<1x128xi32, #tpu.memory_space<vmem>> -> memref<128xi32, #tpu.memory_space<vmem>>
    %dma_start3A_1492 = arith.constant 0 : i32
    %dma_start3A_1493 = arith.constant 0 : i32
    %dma_start3A_1494 = tpu.memref_slice %arg2[%dma_start3A_1492, %dma_start3A_1493] : memref<16000x64xf32, #tpu.memory_space<hbm>> -> memref<16000x64xf32, #tpu.memory_space<hbm>>
    tpu.enqueue_indirect_dma source(%dma_start3A_1494 : memref<16000x64xf32, #tpu.memory_space<hbm>>) target(%arg11 : memref<128x64xf32, #tpu.memory_space<vmem>>) offsets(%dma_start3A_1491 : memref<128xi32, #tpu.memory_space<vmem>>) semaphore(%arg13 : memref<!tpu.dma_semaphore, #tpu.memory_space<semaphore_mem>>)
    %dma_wait3A_1495 = arith.constant 2 : i32
    %dma_wait3A_1496 = arith.constant 0 : i32
    %dma_wait3A_1497 = tpu.memref_slice %arg8[%dma_wait3A_1495, %dma_wait3A_1496] : memref<8x128xi32, #tpu.memory_space<vmem>> -> memref<1x128xi32, #tpu.memory_space<vmem>>
    %dma_wait3A_1498 = tpu.memref_squeeze %dma_wait3A_1497 : memref<1x128xi32, #tpu.memory_space<vmem>> -> memref<128xi32, #tpu.memory_space<vmem>>
    %dma_wait3A_1499 = arith.constant 0 : i32
    %dma_wait3A_1500 = arith.constant 0 : i32
    %dma_wait3A_1501 = tpu.memref_slice %arg2[%dma_wait3A_1499, %dma_wait3A_1500] : memref<16000x64xf32, #tpu.memory_space<hbm>> -> memref<16000x64xf32, #tpu.memory_space<hbm>>
    tpu.wait_indirect_dma semaphore(%arg13 : memref<!tpu.dma_semaphore, #tpu.memory_space<semaphore_mem>>) src(%dma_wait3A_1501 : memref<16000x64xf32, #tpu.memory_space<hbm>>) dst(%arg10 : memref<128x64xf32, #tpu.memory_space<vmem>>)
    %dma_start3A_1502 = arith.constant 2 : i32
    %dma_start3A_1503 = arith.constant 0 : i32
    %dma_start3A_1504 = tpu.memref_slice %arg9[%dma_start3A_1502, %dma_start3A_1503] : memref<8x128xi32, #tpu.memory_space<vmem>> -> memref<1x128xi32, #tpu.memory_space<vmem>>
    %dma_start3A_1505 = tpu.memref_squeeze %dma_start3A_1504 : memref<1x128xi32, #tpu.memory_space<vmem>> -> memref<128xi32, #tpu.memory_space<vmem>>
    %dma_start3A_1506 = arith.constant 0 : i32
    %dma_start3A_1507 = arith.constant 0 : i32
    %dma_start3A_1508 = tpu.memref_slice %arg6[%dma_start3A_1506, %dma_start3A_1507] : memref<428552x64xf32, #tpu.memory_space<hbm>> -> memref<428552x64xf32, #tpu.memory_space<hbm>>
    tpu.enqueue_indirect_dma source(%arg10 : memref<128x64xf32, #tpu.memory_space<vmem>>) target(%dma_start3A_1508 : memref<428552x64xf32, #tpu.memory_space<hbm>>) offsets(%dma_start3A_1505 : memref<128xi32, #tpu.memory_space<vmem>>) semaphore(%arg14 : memref<!tpu.dma_semaphore, #tpu.memory_space<semaphore_mem>>)
    %dma_wait3A_1509 = arith.constant 2 : i32
    %dma_wait3A_1510 = arith.constant 0 : i32
    %dma_wait3A_1511 = tpu.memref_slice %arg9[%dma_wait3A_1509, %dma_wait3A_1510] : memref<8x128xi32, #tpu.memory_space<vmem>> -> memref<1x128xi32, #tpu.memory_space<vmem>>
    %dma_wait3A_1512 = tpu.memref_squeeze %dma_wait3A_1511 : memref<1x128xi32, #tpu.memory_space<vmem>> -> memref<128xi32, #tpu.memory_space<vmem>>
    %dma_wait3A_1513 = arith.constant 0 : i32
    %dma_wait3A_1514 = arith.constant 0 : i32
    %dma_wait3A_1515 = tpu.memref_slice %arg6[%dma_wait3A_1513, %dma_wait3A_1514] : memref<428552x64xf32, #tpu.memory_space<hbm>> -> memref<428552x64xf32, #tpu.memory_space<hbm>>
    tpu.wait_indirect_dma semaphore(%arg14 : memref<!tpu.dma_semaphore, #tpu.memory_space<semaphore_mem>>) src(%arg10 : memref<128x64xf32, #tpu.memory_space<vmem>>) dst(%dma_wait3A_1515 : memref<428552x64xf32, #tpu.memory_space<hbm>>)
    %dma_start3A_1516 = arith.constant 4 : i32
    %dma_start3A_1517 = arith.constant 0 : i32
    %dma_start3A_1518 = tpu.memref_slice %arg8[%dma_start3A_1516, %dma_start3A_1517] : memref<8x128xi32, #tpu.memory_space<vmem>> -> memref<1x128xi32, #tpu.memory_space<vmem>>
    %dma_start3A_1519 = tpu.memref_squeeze %dma_start3A_1518 : memref<1x128xi32, #tpu.memory_space<vmem>> -> memref<128xi32, #tpu.memory_space<vmem>>
    %dma_start3A_1520 = arith.constant 0 : i32
    %dma_start3A_1521 = arith.constant 0 : i32
    %dma_start3A_1522 = tpu.memref_slice %arg2[%dma_start3A_1520, %dma_start3A_1521] : memref<16000x64xf32, #tpu.memory_space<hbm>> -> memref<16000x64xf32, #tpu.memory_space<hbm>>
    tpu.enqueue_indirect_dma source(%dma_start3A_1522 : memref<16000x64xf32, #tpu.memory_space<hbm>>) target(%arg10 : memref<128x64xf32, #tpu.memory_space<vmem>>) offsets(%dma_start3A_1519 : memref<128xi32, #tpu.memory_space<vmem>>) semaphore(%arg13 : memref<!tpu.dma_semaphore, #tpu.memory_space<semaphore_mem>>)
    %dma_wait3A_1523 = arith.constant 3 : i32
    %dma_wait3A_1524 = arith.constant 0 : i32
    %dma_wait3A_1525 = tpu.memref_slice %arg8[%dma_wait3A_1523, %dma_wait3A_1524] : memref<8x128xi32, #tpu.memory_space<vmem>> -> memref<1x128xi32, #tpu.memory_space<vmem>>
    %dma_wait3A_1526 = tpu.memref_squeeze %dma_wait3A_1525 : memref<1x128xi32, #tpu.memory_space<vmem>> -> memref<128xi32, #tpu.memory_space<vmem>>
    %dma_wait3A_1527 = arith.constant 0 : i32
    %dma_wait3A_1528 = arith.constant 0 : i32
    %dma_wait3A_1529 = tpu.memref_slice %arg2[%dma_wait3A_1527, %dma_wait3A_1528] : memref<16000x64xf32, #tpu.memory_space<hbm>> -> memref<16000x64xf32, #tpu.memory_space<hbm>>
    tpu.wait_indirect_dma semaphore(%arg13 : memref<!tpu.dma_semaphore, #tpu.memory_space<semaphore_mem>>) src(%dma_wait3A_1529 : memref<16000x64xf32, #tpu.memory_space<hbm>>) dst(%arg11 : memref<128x64xf32, #tpu.memory_space<vmem>>)
    %dma_start3A_1530 = arith.constant 3 : i32
    %dma_start3A_1531 = arith.constant 0 : i32
    %dma_start3A_1532 = tpu.memref_slice %arg9[%dma_start3A_1530, %dma_start3A_1531] : memref<8x128xi32, #tpu.memory_space<vmem>> -> memref<1x128xi32, #tpu.memory_space<vmem>>
    %dma_start3A_1533 = tpu.memref_squeeze %dma_start3A_1532 : memref<1x128xi32, #tpu.memory_space<vmem>> -> memref<128xi32, #tpu.memory_space<vmem>>
    %dma_start3A_1534 = arith.constant 0 : i32
    %dma_start3A_1535 = arith.constant 0 : i32
    %dma_start3A_1536 = tpu.memref_slice %arg6[%dma_start3A_1534, %dma_start3A_1535] : memref<428552x64xf32, #tpu.memory_space<hbm>> -> memref<428552x64xf32, #tpu.memory_space<hbm>>
    tpu.enqueue_indirect_dma source(%arg11 : memref<128x64xf32, #tpu.memory_space<vmem>>) target(%dma_start3A_1536 : memref<428552x64xf32, #tpu.memory_space<hbm>>) offsets(%dma_start3A_1533 : memref<128xi32, #tpu.memory_space<vmem>>) semaphore(%arg14 : memref<!tpu.dma_semaphore, #tpu.memory_space<semaphore_mem>>)
    %dma_wait3A_1537 = arith.constant 3 : i32
    %dma_wait3A_1538 = arith.constant 0 : i32
    %dma_wait3A_1539 = tpu.memref_slice %arg9[%dma_wait3A_1537, %dma_wait3A_1538] : memref<8x128xi32, #tpu.memory_space<vmem>> -> memref<1x128xi32, #tpu.memory_space<vmem>>
    %dma_wait3A_1540 = tpu.memref_squeeze %dma_wait3A_1539 : memref<1x128xi32, #tpu.memory_space<vmem>> -> memref<128xi32, #tpu.memory_space<vmem>>
    %dma_wait3A_1541 = arith.constant 0 : i32
    %dma_wait3A_1542 = arith.constant 0 : i32
    %dma_wait3A_1543 = tpu.memref_slice %arg6[%dma_wait3A_1541, %dma_wait3A_1542] : memref<428552x64xf32, #tpu.memory_space<hbm>> -> memref<428552x64xf32, #tpu.memory_space<hbm>>
    tpu.wait_indirect_dma semaphore(%arg14 : memref<!tpu.dma_semaphore, #tpu.memory_space<semaphore_mem>>) src(%arg11 : memref<128x64xf32, #tpu.memory_space<vmem>>) dst(%dma_wait3A_1543 : memref<428552x64xf32, #tpu.memory_space<hbm>>)
    %dma_start3A_1544 = arith.constant 5 : i32
    %dma_start3A_1545 = arith.constant 0 : i32
    %dma_start3A_1546 = tpu.memref_slice %arg8[%dma_start3A_1544, %dma_start3A_1545] : memref<8x128xi32, #tpu.memory_space<vmem>> -> memref<1x128xi32, #tpu.memory_space<vmem>>
    %dma_start3A_1547 = tpu.memref_squeeze %dma_start3A_1546 : memref<1x128xi32, #tpu.memory_space<vmem>> -> memref<128xi32, #tpu.memory_space<vmem>>
    %dma_start3A_1548 = arith.constant 0 : i32
    %dma_start3A_1549 = arith.constant 0 : i32
    %dma_start3A_1550 = tpu.memref_slice %arg2[%dma_start3A_1548, %dma_start3A_1549] : memref<16000x64xf32, #tpu.memory_space<hbm>> -> memref<16000x64xf32, #tpu.memory_space<hbm>>
    tpu.enqueue_indirect_dma source(%dma_start3A_1550 : memref<16000x64xf32, #tpu.memory_space<hbm>>) target(%arg11 : memref<128x64xf32, #tpu.memory_space<vmem>>) offsets(%dma_start3A_1547 : memref<128xi32, #tpu.memory_space<vmem>>) semaphore(%arg13 : memref<!tpu.dma_semaphore, #tpu.memory_space<semaphore_mem>>)
    %dma_wait3A_1551 = arith.constant 4 : i32
    %dma_wait3A_1552 = arith.constant 0 : i32
    %dma_wait3A_1553 = tpu.memref_slice %arg8[%dma_wait3A_1551, %dma_wait3A_1552] : memref<8x128xi32, #tpu.memory_space<vmem>> -> memref<1x128xi32, #tpu.memory_space<vmem>>
    %dma_wait3A_1554 = tpu.memref_squeeze %dma_wait3A_1553 : memref<1x128xi32, #tpu.memory_space<vmem>> -> memref<128xi32, #tpu.memory_space<vmem>>
    %dma_wait3A_1555 = arith.constant 0 : i32
    %dma_wait3A_1556 = arith.constant 0 : i32
    %dma_wait3A_1557 = tpu.memref_slice %arg2[%dma_wait3A_1555, %dma_wait3A_1556] : memref<16000x64xf32, #tpu.memory_space<hbm>> -> memref<16000x64xf32, #tpu.memory_space<hbm>>
    tpu.wait_indirect_dma semaphore(%arg13 : memref<!tpu.dma_semaphore, #tpu.memory_space<semaphore_mem>>) src(%dma_wait3A_1557 : memref<16000x64xf32, #tpu.memory_space<hbm>>) dst(%arg10 : memref<128x64xf32, #tpu.memory_space<vmem>>)
    %dma_start3A_1558 = arith.constant 4 : i32
    %dma_start3A_1559 = arith.constant 0 : i32
    %dma_start3A_1560 = tpu.memref_slice %arg9[%dma_start3A_1558, %dma_start3A_1559] : memref<8x128xi32, #tpu.memory_space<vmem>> -> memref<1x128xi32, #tpu.memory_space<vmem>>
    %dma_start3A_1561 = tpu.memref_squeeze %dma_start3A_1560 : memref<1x128xi32, #tpu.memory_space<vmem>> -> memref<128xi32, #tpu.memory_space<vmem>>
    %dma_start3A_1562 = arith.constant 0 : i32
    %dma_start3A_1563 = arith.constant 0 : i32
    %dma_start3A_1564 = tpu.memref_slice %arg6[%dma_start3A_1562, %dma_start3A_1563] : memref<428552x64xf32, #tpu.memory_space<hbm>> -> memref<428552x64xf32, #tpu.memory_space<hbm>>
    tpu.enqueue_indirect_dma source(%arg10 : memref<128x64xf32, #tpu.memory_space<vmem>>) target(%dma_start3A_1564 : memref<428552x64xf32, #tpu.memory_space<hbm>>) offsets(%dma_start3A_1561 : memref<128xi32, #tpu.memory_space<vmem>>) semaphore(%arg14 : memref<!tpu.dma_semaphore, #tpu.memory_space<semaphore_mem>>)
    %dma_wait3A_1565 = arith.constant 4 : i32
    %dma_wait3A_1566 = arith.constant 0 : i32
    %dma_wait3A_1567 = tpu.memref_slice %arg9[%dma_wait3A_1565, %dma_wait3A_1566] : memref<8x128xi32, #tpu.memory_space<vmem>> -> memref<1x128xi32, #tpu.memory_space<vmem>>
    %dma_wait3A_1568 = tpu.memref_squeeze %dma_wait3A_1567 : memref<1x128xi32, #tpu.memory_space<vmem>> -> memref<128xi32, #tpu.memory_space<vmem>>
    %dma_wait3A_1569 = arith.constant 0 : i32
    %dma_wait3A_1570 = arith.constant 0 : i32
    %dma_wait3A_1571 = tpu.memref_slice %arg6[%dma_wait3A_1569, %dma_wait3A_1570] : memref<428552x64xf32, #tpu.memory_space<hbm>> -> memref<428552x64xf32, #tpu.memory_space<hbm>>
    tpu.wait_indirect_dma semaphore(%arg14 : memref<!tpu.dma_semaphore, #tpu.memory_space<semaphore_mem>>) src(%arg10 : memref<128x64xf32, #tpu.memory_space<vmem>>) dst(%dma_wait3A_1571 : memref<428552x64xf32, #tpu.memory_space<hbm>>)
    %dma_start3A_1572 = arith.constant 6 : i32
    %dma_start3A_1573 = arith.constant 0 : i32
    %dma_start3A_1574 = tpu.memref_slice %arg8[%dma_start3A_1572, %dma_start3A_1573] : memref<8x128xi32, #tpu.memory_space<vmem>> -> memref<1x128xi32, #tpu.memory_space<vmem>>
    %dma_start3A_1575 = tpu.memref_squeeze %dma_start3A_1574 : memref<1x128xi32, #tpu.memory_space<vmem>> -> memref<128xi32, #tpu.memory_space<vmem>>
    %dma_start3A_1576 = arith.constant 0 : i32
    %dma_start3A_1577 = arith.constant 0 : i32
    %dma_start3A_1578 = tpu.memref_slice %arg2[%dma_start3A_1576, %dma_start3A_1577] : memref<16000x64xf32, #tpu.memory_space<hbm>> -> memref<16000x64xf32, #tpu.memory_space<hbm>>
    tpu.enqueue_indirect_dma source(%dma_start3A_1578 : memref<16000x64xf32, #tpu.memory_space<hbm>>) target(%arg10 : memref<128x64xf32, #tpu.memory_space<vmem>>) offsets(%dma_start3A_1575 : memref<128xi32, #tpu.memory_space<vmem>>) semaphore(%arg13 : memref<!tpu.dma_semaphore, #tpu.memory_space<semaphore_mem>>)
    %dma_wait3A_1579 = arith.constant 5 : i32
    %dma_wait3A_1580 = arith.constant 0 : i32
    %dma_wait3A_1581 = tpu.memref_slice %arg8[%dma_wait3A_1579, %dma_wait3A_1580] : memref<8x128xi32, #tpu.memory_space<vmem>> -> memref<1x128xi32, #tpu.memory_space<vmem>>
    %dma_wait3A_1582 = tpu.memref_squeeze %dma_wait3A_1581 : memref<1x128xi32, #tpu.memory_space<vmem>> -> memref<128xi32, #tpu.memory_space<vmem>>
    %dma_wait3A_1583 = arith.constant 0 : i32
    %dma_wait3A_1584 = arith.constant 0 : i32
    %dma_wait3A_1585 = tpu.memref_slice %arg2[%dma_wait3A_1583, %dma_wait3A_1584] : memref<16000x64xf32, #tpu.memory_space<hbm>> -> memref<16000x64xf32, #tpu.memory_space<hbm>>
    tpu.wait_indirect_dma semaphore(%arg13 : memref<!tpu.dma_semaphore, #tpu.memory_space<semaphore_mem>>) src(%dma_wait3A_1585 : memref<16000x64xf32, #tpu.memory_space<hbm>>) dst(%arg11 : memref<128x64xf32, #tpu.memory_space<vmem>>)
    %dma_start3A_1586 = arith.constant 5 : i32
    %dma_start3A_1587 = arith.constant 0 : i32
    %dma_start3A_1588 = tpu.memref_slice %arg9[%dma_start3A_1586, %dma_start3A_1587] : memref<8x128xi32, #tpu.memory_space<vmem>> -> memref<1x128xi32, #tpu.memory_space<vmem>>
    %dma_start3A_1589 = tpu.memref_squeeze %dma_start3A_1588 : memref<1x128xi32, #tpu.memory_space<vmem>> -> memref<128xi32, #tpu.memory_space<vmem>>
    %dma_start3A_1590 = arith.constant 0 : i32
    %dma_start3A_1591 = arith.constant 0 : i32
    %dma_start3A_1592 = tpu.memref_slice %arg6[%dma_start3A_1590, %dma_start3A_1591] : memref<428552x64xf32, #tpu.memory_space<hbm>> -> memref<428552x64xf32, #tpu.memory_space<hbm>>
    tpu.enqueue_indirect_dma source(%arg11 : memref<128x64xf32, #tpu.memory_space<vmem>>) target(%dma_start3A_1592 : memref<428552x64xf32, #tpu.memory_space<hbm>>) offsets(%dma_start3A_1589 : memref<128xi32, #tpu.memory_space<vmem>>) semaphore(%arg14 : memref<!tpu.dma_semaphore, #tpu.memory_space<semaphore_mem>>)
    %dma_wait3A_1593 = arith.constant 5 : i32
    %dma_wait3A_1594 = arith.constant 0 : i32
    %dma_wait3A_1595 = tpu.memref_slice %arg9[%dma_wait3A_1593, %dma_wait3A_1594] : memref<8x128xi32, #tpu.memory_space<vmem>> -> memref<1x128xi32, #tpu.memory_space<vmem>>
    %dma_wait3A_1596 = tpu.memref_squeeze %dma_wait3A_1595 : memref<1x128xi32, #tpu.memory_space<vmem>> -> memref<128xi32, #tpu.memory_space<vmem>>
    %dma_wait3A_1597 = arith.constant 0 : i32
    %dma_wait3A_1598 = arith.constant 0 : i32
    %dma_wait3A_1599 = tpu.memref_slice %arg6[%dma_wait3A_1597, %dma_wait3A_1598] : memref<428552x64xf32, #tpu.memory_space<hbm>> -> memref<428552x64xf32, #tpu.memory_space<hbm>>
    tpu.wait_indirect_dma semaphore(%arg14 : memref<!tpu.dma_semaphore, #tpu.memory_space<semaphore_mem>>) src(%arg11 : memref<128x64xf32, #tpu.memory_space<vmem>>) dst(%dma_wait3A_1599 : memref<428552x64xf32, #tpu.memory_space<hbm>>)
    %dma_start3A_1600 = arith.constant 7 : i32
    %dma_start3A_1601 = arith.constant 0 : i32
    %dma_start3A_1602 = tpu.memref_slice %arg8[%dma_start3A_1600, %dma_start3A_1601] : memref<8x128xi32, #tpu.memory_space<vmem>> -> memref<1x128xi32, #tpu.memory_space<vmem>>
    %dma_start3A_1603 = tpu.memref_squeeze %dma_start3A_1602 : memref<1x128xi32, #tpu.memory_space<vmem>> -> memref<128xi32, #tpu.memory_space<vmem>>
    %dma_start3A_1604 = arith.constant 0 : i32
    %dma_start3A_1605 = arith.constant 0 : i32
    %dma_start3A_1606 = tpu.memref_slice %arg2[%dma_start3A_1604, %dma_start3A_1605] : memref<16000x64xf32, #tpu.memory_space<hbm>> -> memref<16000x64xf32, #tpu.memory_space<hbm>>
    tpu.enqueue_indirect_dma source(%dma_start3A_1606 : memref<16000x64xf32, #tpu.memory_space<hbm>>) target(%arg11 : memref<128x64xf32, #tpu.memory_space<vmem>>) offsets(%dma_start3A_1603 : memref<128xi32, #tpu.memory_space<vmem>>) semaphore(%arg13 : memref<!tpu.dma_semaphore, #tpu.memory_space<semaphore_mem>>)
    %dma_wait3A_1607 = arith.constant 6 : i32
    %dma_wait3A_1608 = arith.constant 0 : i32
    %dma_wait3A_1609 = tpu.memref_slice %arg8[%dma_wait3A_1607, %dma_wait3A_1608] : memref<8x128xi32, #tpu.memory_space<vmem>> -> memref<1x128xi32, #tpu.memory_space<vmem>>
    %dma_wait3A_1610 = tpu.memref_squeeze %dma_wait3A_1609 : memref<1x128xi32, #tpu.memory_space<vmem>> -> memref<128xi32, #tpu.memory_space<vmem>>
    %dma_wait3A_1611 = arith.constant 0 : i32
    %dma_wait3A_1612 = arith.constant 0 : i32
    %dma_wait3A_1613 = tpu.memref_slice %arg2[%dma_wait3A_1611, %dma_wait3A_1612] : memref<16000x64xf32, #tpu.memory_space<hbm>> -> memref<16000x64xf32, #tpu.memory_space<hbm>>
    tpu.wait_indirect_dma semaphore(%arg13 : memref<!tpu.dma_semaphore, #tpu.memory_space<semaphore_mem>>) src(%dma_wait3A_1613 : memref<16000x64xf32, #tpu.memory_space<hbm>>) dst(%arg10 : memref<128x64xf32, #tpu.memory_space<vmem>>)
    %dma_start3A_1614 = arith.constant 6 : i32
    %dma_start3A_1615 = arith.constant 0 : i32
    %dma_start3A_1616 = tpu.memref_slice %arg9[%dma_start3A_1614, %dma_start3A_1615] : memref<8x128xi32, #tpu.memory_space<vmem>> -> memref<1x128xi32, #tpu.memory_space<vmem>>
    %dma_start3A_1617 = tpu.memref_squeeze %dma_start3A_1616 : memref<1x128xi32, #tpu.memory_space<vmem>> -> memref<128xi32, #tpu.memory_space<vmem>>
    %dma_start3A_1618 = arith.constant 0 : i32
    %dma_start3A_1619 = arith.constant 0 : i32
    %dma_start3A_1620 = tpu.memref_slice %arg6[%dma_start3A_1618, %dma_start3A_1619] : memref<428552x64xf32, #tpu.memory_space<hbm>> -> memref<428552x64xf32, #tpu.memory_space<hbm>>
    tpu.enqueue_indirect_dma source(%arg10 : memref<128x64xf32, #tpu.memory_space<vmem>>) target(%dma_start3A_1620 : memref<428552x64xf32, #tpu.memory_space<hbm>>) offsets(%dma_start3A_1617 : memref<128xi32, #tpu.memory_space<vmem>>) semaphore(%arg14 : memref<!tpu.dma_semaphore, #tpu.memory_space<semaphore_mem>>)
    %dma_wait3A_1621 = arith.constant 7 : i32
    %dma_wait3A_1622 = arith.constant 0 : i32
    %dma_wait3A_1623 = tpu.memref_slice %arg8[%dma_wait3A_1621, %dma_wait3A_1622] : memref<8x128xi32, #tpu.memory_space<vmem>> -> memref<1x128xi32, #tpu.memory_space<vmem>>
    %dma_wait3A_1624 = tpu.memref_squeeze %dma_wait3A_1623 : memref<1x128xi32, #tpu.memory_space<vmem>> -> memref<128xi32, #tpu.memory_space<vmem>>
    %dma_wait3A_1625 = arith.constant 0 : i32
    %dma_wait3A_1626 = arith.constant 0 : i32
    %dma_wait3A_1627 = tpu.memref_slice %arg2[%dma_wait3A_1625, %dma_wait3A_1626] : memref<16000x64xf32, #tpu.memory_space<hbm>> -> memref<16000x64xf32, #tpu.memory_space<hbm>>
    tpu.wait_indirect_dma semaphore(%arg13 : memref<!tpu.dma_semaphore, #tpu.memory_space<semaphore_mem>>) src(%dma_wait3A_1627 : memref<16000x64xf32, #tpu.memory_space<hbm>>) dst(%arg11 : memref<128x64xf32, #tpu.memory_space<vmem>>)
    %dma_start3A_1628 = arith.constant 7 : i32
    %dma_start3A_1629 = arith.constant 0 : i32
    %dma_start3A_1630 = tpu.memref_slice %arg9[%dma_start3A_1628, %dma_start3A_1629] : memref<8x128xi32, #tpu.memory_space<vmem>> -> memref<1x128xi32, #tpu.memory_space<vmem>>
    %dma_start3A_1631 = tpu.memref_squeeze %dma_start3A_1630 : memref<1x128xi32, #tpu.memory_space<vmem>> -> memref<128xi32, #tpu.memory_space<vmem>>
    %dma_start3A_1632 = arith.constant 0 : i32
    %dma_start3A_1633 = arith.constant 0 : i32
    %dma_start3A_1634 = tpu.memref_slice %arg6[%dma_start3A_1632, %dma_start3A_1633] : memref<428552x64xf32, #tpu.memory_space<hbm>> -> memref<428552x64xf32, #tpu.memory_space<hbm>>
    tpu.enqueue_indirect_dma source(%arg11 : memref<128x64xf32, #tpu.memory_space<vmem>>) target(%dma_start3A_1634 : memref<428552x64xf32, #tpu.memory_space<hbm>>) offsets(%dma_start3A_1631 : memref<128xi32, #tpu.memory_space<vmem>>) semaphore(%arg14 : memref<!tpu.dma_semaphore, #tpu.memory_space<semaphore_mem>>)
    %dma_wait3A_1635 = arith.constant 6 : i32
    %dma_wait3A_1636 = arith.constant 0 : i32
    %dma_wait3A_1637 = tpu.memref_slice %arg9[%dma_wait3A_1635, %dma_wait3A_1636] : memref<8x128xi32, #tpu.memory_space<vmem>> -> memref<1x128xi32, #tpu.memory_space<vmem>>
    %dma_wait3A_1638 = tpu.memref_squeeze %dma_wait3A_1637 : memref<1x128xi32, #tpu.memory_space<vmem>> -> memref<128xi32, #tpu.memory_space<vmem>>
    %dma_wait3A_1639 = arith.constant 0 : i32
    %dma_wait3A_1640 = arith.constant 0 : i32
    %dma_wait3A_1641 = tpu.memref_slice %arg6[%dma_wait3A_1639, %dma_wait3A_1640] : memref<428552x64xf32, #tpu.memory_space<hbm>> -> memref<428552x64xf32, #tpu.memory_space<hbm>>
    tpu.wait_indirect_dma semaphore(%arg14 : memref<!tpu.dma_semaphore, #tpu.memory_space<semaphore_mem>>) src(%arg10 : memref<128x64xf32, #tpu.memory_space<vmem>>) dst(%dma_wait3A_1641 : memref<428552x64xf32, #tpu.memory_space<hbm>>)
    %dma_wait3A_1642 = arith.constant 7 : i32
    %dma_wait3A_1643 = arith.constant 0 : i32
    %dma_wait3A_1644 = tpu.memref_slice %arg9[%dma_wait3A_1642, %dma_wait3A_1643] : memref<8x128xi32, #tpu.memory_space<vmem>> -> memref<1x128xi32, #tpu.memory_space<vmem>>
    %dma_wait3A_1645 = tpu.memref_squeeze %dma_wait3A_1644 : memref<1x128xi32, #tpu.memory_space<vmem>> -> memref<128xi32, #tpu.memory_space<vmem>>
    %dma_wait3A_1646 = arith.constant 0 : i32
    %dma_wait3A_1647 = arith.constant 0 : i32
    %dma_wait3A_1648 = tpu.memref_slice %arg6[%dma_wait3A_1646, %dma_wait3A_1647] : memref<428552x64xf32, #tpu.memory_space<hbm>> -> memref<428552x64xf32, #tpu.memory_space<hbm>>
    tpu.wait_indirect_dma semaphore(%arg14 : memref<!tpu.dma_semaphore, #tpu.memory_space<semaphore_mem>>) src(%arg11 : memref<128x64xf32, #tpu.memory_space<vmem>>) dst(%dma_wait3A_1648 : memref<428552x64xf32, #tpu.memory_space<hbm>>)
    return
  }
}

module attributes {stable_mosaic.version = 14 : i64} {
  func.func @_a1_body(%arg0: i32, %arg1: memref<320x32x4xf32, #tpu.memory_space<vmem>>, %arg2: memref<320x4xi32, #tpu.memory_space<vmem>>, %arg3: memref<320x1xf32, #tpu.memory_space<vmem>>, %arg4: memref<4x128xf32, #tpu.memory_space<vmem>>, %arg5: memref<3x128xf32, #tpu.memory_space<vmem>>, %arg6: memref<3x128xf32, #tpu.memory_space<vmem>>, %arg7: memref<3x128xf32, #tpu.memory_space<vmem>>, %arg8: memref<320x128xf32, #tpu.memory_space<vmem>>, %arg9: memref<8x128xf32, #tpu.memory_space<vmem>>) attributes {dimension_semantics = [#tpu.dimension_semantics<arbitrary>], iteration_bounds = array<i64: 50>, scalar_prefetch = 0 : i64, scratch_operands = 0 : i64, tpu.core_type = #tpu.core_type<tc>, window_params = [{transform_indices = @transform_0, window_bounds = array<i64: 320, 32, 4>}, {transform_indices = @transform_1, window_bounds = array<i64: 320, 4>}, {transform_indices = @transform_2, window_bounds = array<i64: 320, 1>}, {pipeline_mode = #tpu.pipeline_mode<synchronous>, transform_indices = @transform_3, window_bounds = array<i64: 4, 128>}, {pipeline_mode = #tpu.pipeline_mode<synchronous>, transform_indices = @transform_4, window_bounds = array<i64: 3, 128>}, {pipeline_mode = #tpu.pipeline_mode<synchronous>, transform_indices = @transform_5, window_bounds = array<i64: 3, 128>}, {pipeline_mode = #tpu.pipeline_mode<synchronous>, transform_indices = @transform_6, window_bounds = array<i64: 3, 128>}, {transform_indices = @transform_7, window_bounds = array<i64: 320, 128>}, {pipeline_mode = #tpu.pipeline_mode<synchronous>, transform_indices = @transform_8, window_bounds = array<i64: 8, 128>}]} {
    %get3A = arith.constant 0 : index
    %get3A_0 = arith.constant 0 : index
    %get3A_1 = arith.constant 0 : index
    %get3A_2 = vector.load %arg1[%get3A, %get3A_0, %get3A_1] : memref<320x32x4xf32, #tpu.memory_space<vmem>>, vector<320x32x4xf32>
    %reshape3A = vector.shape_cast %get3A_2 : vector<320x32x4xf32> to vector<10240x4xf32>
    %get3A_3 = arith.constant 0 : index
    %get3A_4 = arith.constant 0 : index
    %get3A_5 = vector.load %arg4[%get3A_3, %get3A_4] : memref<4x128xf32, #tpu.memory_space<vmem>>, vector<4x128xf32>
    %dot_general3A = arith.constant dense<0.000000e+00> : vector<10240x128xf32>
    %dot_general3A_6 = tpu.matmul %reshape3A, %get3A_5, %dot_general3A {dimension_numbers = #tpu.dot_dimension_numbers<[1], [0], [0], [1], [0, 0, 1, 1], [], []>, transpose_lhs_hint = false} : vector<10240x4xf32>, vector<4x128xf32>, vector<10240x128xf32> -> vector<10240x128xf32>
    %slice3A = vector.extract_strided_slice %reshape3A {offsets = [0, 0], sizes = [10240, 3], strides = [1, 1]} : vector<10240x4xf32> to vector<10240x3xf32>
    %get3A_7 = arith.constant 0 : index
    %get3A_8 = arith.constant 0 : index
    %get3A_9 = vector.load %arg5[%get3A_7, %get3A_8] : memref<3x128xf32, #tpu.memory_space<vmem>>, vector<3x128xf32>
    %dot_general3A_10 = arith.constant dense<0.000000e+00> : vector<10240x128xf32>
    %dot_general3A_11 = tpu.matmul %slice3A, %get3A_9, %dot_general3A_10 {dimension_numbers = #tpu.dot_dimension_numbers<[1], [0], [0], [1], [0, 0, 1, 1], [], []>, transpose_lhs_hint = false} : vector<10240x3xf32>, vector<3x128xf32>, vector<10240x128xf32> -> vector<10240x128xf32>
    %add3A = arith.addf %dot_general3A_6, %dot_general3A_11 : vector<10240x128xf32>
    %get3A_12 = arith.constant 0 : index
    %get3A_13 = arith.constant 0 : index
    %get3A_14 = vector.load %arg3[%get3A_12, %get3A_13] : memref<320x1xf32, #tpu.memory_space<vmem>>, vector<320x1xf32>
    %slice3A_15 = vector.extract_strided_slice %get3A_2 {offsets = [0, 0, 0], sizes = [320, 32, 3], strides = [1, 1, 1]} : vector<320x32x4xf32> to vector<320x32x3xf32>
    %reduce_sum3A = arith.constant dense<0.000000e+00> : vector<320x3xf32>
    %reduce_sum3A_16 = vector.multi_reduction <add>, %slice3A_15, %reduce_sum3A [1] : vector<320x32x3xf32> to vector<320x3xf32>
    %div3A = vector.broadcast %get3A_14 : vector<320x1xf32> to vector<320x3xf32>
    %div3A_17 = arith.divf %reduce_sum3A_16, %div3A : vector<320x3xf32>
    %get3A_18 = arith.constant 0 : index
    %get3A_19 = arith.constant 0 : index
    %get3A_20 = vector.load %arg2[%get3A_18, %get3A_19] : memref<320x4xi32, #tpu.memory_space<vmem>>, vector<320x4xi32>
    %convert_element_type3A = arith.sitofp %get3A_20 : vector<320x4xi32> to vector<320x4xf32>
    %slice3A_21 = vector.extract_strided_slice %convert_element_type3A {offsets = [0, 3], sizes = [320, 1], strides = [1, 1]} : vector<320x4xf32> to vector<320x1xf32>
    %mul3A = arith.constant 1.600000e-01 : f32
    %mul3A_22 = vector.broadcast %mul3A : f32 to vector<320x1xf32>
    %mul3A_23 = arith.mulf %slice3A_21, %mul3A_22 : vector<320x1xf32>
    %add3A_24 = arith.constant 8.000000e-02 : f32
    %add3A_25 = vector.broadcast %add3A_24 : f32 to vector<320x1xf32>
    %add3A_26 = arith.addf %mul3A_23, %add3A_25 : vector<320x1xf32>
    %slice3A_27 = vector.extract_strided_slice %convert_element_type3A {offsets = [0, 2], sizes = [320, 1], strides = [1, 1]} : vector<320x4xf32> to vector<320x1xf32>
    %mul3A_28 = arith.constant 1.600000e-01 : f32
    %mul3A_29 = vector.broadcast %mul3A_28 : f32 to vector<320x1xf32>
    %mul3A_30 = arith.mulf %slice3A_27, %mul3A_29 : vector<320x1xf32>
    %add3A_31 = arith.constant -3.960000e+01 : f32
    %add3A_32 = vector.broadcast %add3A_31 : f32 to vector<320x1xf32>
    %add3A_33 = arith.addf %mul3A_30, %add3A_32 : vector<320x1xf32>
    %slice3A_34 = vector.extract_strided_slice %convert_element_type3A {offsets = [0, 1], sizes = [320, 1], strides = [1, 1]} : vector<320x4xf32> to vector<320x1xf32>
    %mul3A_35 = arith.constant 4.000000e+00 : f32
    %mul3A_36 = vector.broadcast %mul3A_35 : f32 to vector<320x1xf32>
    %mul3A_37 = arith.mulf %slice3A_34, %mul3A_36 : vector<320x1xf32>
    %add3A_38 = arith.constant -1.000000e+00 : f32
    %add3A_39 = vector.broadcast %add3A_38 : f32 to vector<320x1xf32>
    %add3A_40 = arith.addf %mul3A_37, %add3A_39 : vector<320x1xf32>
    %slice3A_41 = vector.extract_strided_slice %div3A_17 {offsets = [0, 0], sizes = [320, 1], strides = [1, 1]} : vector<320x3xf32> to vector<320x1xf32>
    %get3A_42 = arith.constant 0 : index
    %get3A_43 = arith.constant 0 : index
    %get3A_44 = vector.load %arg6[%get3A_42, %get3A_43] : memref<3x128xf32, #tpu.memory_space<vmem>>, vector<1x128xf32>
    %mul3A_45 = vector.broadcast %slice3A_41 : vector<320x1xf32> to vector<320x128xf32>
    %mul3A_46 = vector.broadcast %get3A_44 : vector<1x128xf32> to vector<320x128xf32>
    %mul3A_47 = arith.mulf %mul3A_45, %mul3A_46 : vector<320x128xf32>
    %slice3A_48 = vector.extract_strided_slice %div3A_17 {offsets = [0, 1], sizes = [320, 1], strides = [1, 1]} : vector<320x3xf32> to vector<320x1xf32>
    %get3A_49 = arith.constant 1 : index
    %get3A_50 = arith.constant 0 : index
    %get3A_51 = vector.load %arg6[%get3A_49, %get3A_50] : memref<3x128xf32, #tpu.memory_space<vmem>>, vector<1x128xf32>
    %mul3A_52 = vector.broadcast %slice3A_48 : vector<320x1xf32> to vector<320x128xf32>
    %mul3A_53 = vector.broadcast %get3A_51 : vector<1x128xf32> to vector<320x128xf32>
    %mul3A_54 = arith.mulf %mul3A_52, %mul3A_53 : vector<320x128xf32>
    %add3A_55 = arith.addf %mul3A_47, %mul3A_54 : vector<320x128xf32>
    %slice3A_56 = vector.extract_strided_slice %div3A_17 {offsets = [0, 2], sizes = [320, 1], strides = [1, 1]} : vector<320x3xf32> to vector<320x1xf32>
    %get3A_57 = arith.constant 2 : index
    %get3A_58 = arith.constant 0 : index
    %get3A_59 = vector.load %arg6[%get3A_57, %get3A_58] : memref<3x128xf32, #tpu.memory_space<vmem>>, vector<1x128xf32>
    %mul3A_60 = vector.broadcast %slice3A_56 : vector<320x1xf32> to vector<320x128xf32>
    %mul3A_61 = vector.broadcast %get3A_59 : vector<1x128xf32> to vector<320x128xf32>
    %mul3A_62 = arith.mulf %mul3A_60, %mul3A_61 : vector<320x128xf32>
    %add3A_63 = arith.addf %add3A_55, %mul3A_62 : vector<320x128xf32>
    %get3A_64 = arith.constant 0 : index
    %get3A_65 = arith.constant 0 : index
    %get3A_66 = vector.load %arg7[%get3A_64, %get3A_65] : memref<3x128xf32, #tpu.memory_space<vmem>>, vector<1x128xf32>
    %mul3A_67 = vector.broadcast %add3A_26 : vector<320x1xf32> to vector<320x128xf32>
    %mul3A_68 = vector.broadcast %get3A_66 : vector<1x128xf32> to vector<320x128xf32>
    %mul3A_69 = arith.mulf %mul3A_67, %mul3A_68 : vector<320x128xf32>
    %add3A_70 = arith.addf %add3A_63, %mul3A_69 : vector<320x128xf32>
    %get3A_71 = arith.constant 1 : index
    %get3A_72 = arith.constant 0 : index
    %get3A_73 = vector.load %arg7[%get3A_71, %get3A_72] : memref<3x128xf32, #tpu.memory_space<vmem>>, vector<1x128xf32>
    %mul3A_74 = vector.broadcast %add3A_33 : vector<320x1xf32> to vector<320x128xf32>
    %mul3A_75 = vector.broadcast %get3A_73 : vector<1x128xf32> to vector<320x128xf32>
    %mul3A_76 = arith.mulf %mul3A_74, %mul3A_75 : vector<320x128xf32>
    %add3A_77 = arith.addf %add3A_70, %mul3A_76 : vector<320x128xf32>
    %get3A_78 = arith.constant 2 : index
    %get3A_79 = arith.constant 0 : index
    %get3A_80 = vector.load %arg7[%get3A_78, %get3A_79] : memref<3x128xf32, #tpu.memory_space<vmem>>, vector<1x128xf32>
    %mul3A_81 = vector.broadcast %add3A_40 : vector<320x1xf32> to vector<320x128xf32>
    %mul3A_82 = vector.broadcast %get3A_80 : vector<1x128xf32> to vector<320x128xf32>
    %mul3A_83 = arith.mulf %mul3A_81, %mul3A_82 : vector<320x128xf32>
    %add3A_84 = arith.addf %add3A_77, %mul3A_83 : vector<320x128xf32>
    %reshape3A_85 = vector.shape_cast %add3A : vector<10240x128xf32> to vector<320x32x128xf32>
    %broadcast_in_dim3A = vector.shape_cast %add3A_84 : vector<320x128xf32> to vector<320x1x128xf32>
    %sub3A = vector.broadcast %broadcast_in_dim3A : vector<320x1x128xf32> to vector<320x32x128xf32>
    %sub3A_86 = arith.subf %reshape3A_85, %sub3A : vector<320x32x128xf32>
    %iota3A = tpu.iota {dimensions = array<i32: 1>} : vector<320x32xi32>
    %convert_element_type3A_87 = arith.sitofp %iota3A : vector<320x32xi32> to vector<320x32xf32>
    %lt3A = vector.broadcast %get3A_14 : vector<320x1xf32> to vector<320x32xf32>
    %lt3A_88 = arith.cmpf olt, %convert_element_type3A_87, %lt3A : vector<320x32xf32>
    %convert_element_type3A_89 = arith.extui %lt3A_88 : vector<320x32xi1> to vector<320x32xi32>
    %convert_element_type3A_90 = arith.sitofp %convert_element_type3A_89 : vector<320x32xi32> to vector<320x32xf32>
    %broadcast_in_dim3A_91 = vector.shape_cast %convert_element_type3A_90 : vector<320x32xf32> to vector<320x32x1xf32>
    %mul3A_92 = vector.broadcast %broadcast_in_dim3A_91 : vector<320x32x1xf32> to vector<320x32x128xf32>
    %mul3A_93 = arith.mulf %sub3A_86, %mul3A_92 : vector<320x32x128xf32>
    %reduce_max3A = arith.constant dense<0xFF800000> : vector<320x128xf32>
    %reduce_max3A_94 = vector.multi_reduction <maximumf>, %mul3A_93, %reduce_max3A [1] : vector<320x32x128xf32> to vector<320x128xf32>
    %swap3A = arith.constant 0 : index
    %swap3A_95 = arith.constant 0 : index
    %swap3A_96 = vector.load %arg8[%swap3A, %swap3A_95] : memref<320x128xf32, #tpu.memory_space<vmem>>, vector<320x128xf32>
    tpu.vector_store %arg8[%swap3A, %swap3A_95], %reduce_max3A_94 {strides = array<i32>} : memref<320x128xf32, #tpu.memory_space<vmem>>, vector<320x128xf32>,
    %eq3A = arith.constant 0 : i32
    %eq3A_97 = arith.cmpi eq, %arg0, %eq3A : i32
    %convert_element_type3A_98 = arith.extui %eq3A_97 : i1 to i32
    %cond3A = arith.constant 0 : i32
    %cond3A_99 = arith.cmpi ne, %convert_element_type3A_98, %cond3A : i32
    scf.if %cond3A_99 {
      %broadcast_in_dim3A_121 = arith.constant 0.000000e+00 : f32
      %broadcast_in_dim3A_122 = vector.broadcast %broadcast_in_dim3A_121 : f32 to vector<8x128xf32>
      %swap3A_123 = arith.constant 0 : index
      %swap3A_124 = arith.constant 0 : index
      %swap3A_125 = vector.load %arg9[%swap3A_123, %swap3A_124] : memref<8x128xf32, #tpu.memory_space<vmem>>, vector<8x128xf32>
      tpu.vector_store %arg9[%swap3A_123, %swap3A_124], %broadcast_in_dim3A_122 {strides = array<i32>} : memref<8x128xf32, #tpu.memory_space<vmem>>, vector<8x128xf32>,
    } else {
    }
    %reduce_sum3A_100 = arith.constant dense<0.000000e+00> : vector<128xf32>
    %reduce_sum3A_101 = vector.multi_reduction <add>, %mul3A_93, %reduce_sum3A_100 [0, 1] : vector<320x32x128xf32> to vector<128xf32>
    %mul3A_102 = arith.mulf %mul3A_93, %mul3A_93 : vector<320x32x128xf32>
    %reduce_sum3A_103 = arith.constant dense<0.000000e+00> : vector<128xf32>
    %reduce_sum3A_104 = vector.multi_reduction <add>, %mul3A_102, %reduce_sum3A_103 [0, 1] : vector<320x32x128xf32> to vector<128xf32>
    %get3A_105 = arith.constant 0 : index
    %get3A_106 = arith.constant 0 : index
    %get3A_107 = vector.load %arg9[%get3A_105, %get3A_106] : memref<8x128xf32, #tpu.memory_space<vmem>>, vector<1x128xf32>
    %broadcast_in_dim3A_108 = vector.shape_cast %reduce_sum3A_101 : vector<128xf32> to vector<1x128xf32>
    %add3A_109 = arith.addf %get3A_107, %broadcast_in_dim3A_108 : vector<1x128xf32>
    %swap3A_110 = arith.constant 0 : index
    %swap3A_111 = arith.constant 0 : index
    %swap3A_112 = vector.load %arg9[%swap3A_110, %swap3A_111] : memref<8x128xf32, #tpu.memory_space<vmem>>, vector<1x128xf32>
    tpu.vector_store %arg9[%swap3A_110, %swap3A_111], %add3A_109 {strides = array<i32>} : memref<8x128xf32, #tpu.memory_space<vmem>>, vector<1x128xf32>,
    %get3A_113 = arith.constant 1 : index
    %get3A_114 = arith.constant 0 : index
    %get3A_115 = vector.load %arg9[%get3A_113, %get3A_114] : memref<8x128xf32, #tpu.memory_space<vmem>>, vector<1x128xf32>
    %broadcast_in_dim3A_116 = vector.shape_cast %reduce_sum3A_104 : vector<128xf32> to vector<1x128xf32>
    %add3A_117 = arith.addf %get3A_115, %broadcast_in_dim3A_116 : vector<1x128xf32>
    %swap3A_118 = arith.constant 1 : index
    %swap3A_119 = arith.constant 0 : index
    %swap3A_120 = vector.load %arg9[%swap3A_118, %swap3A_119] : memref<8x128xf32, #tpu.memory_space<vmem>>, vector<1x128xf32>
    tpu.vector_store %arg9[%swap3A_118, %swap3A_119], %add3A_117 {strides = array<i32>} : memref<8x128xf32, #tpu.memory_space<vmem>>, vector<1x128xf32>,
    return
  }
  func.func @transform_0(%arg0: i32) -> (i32, i32, i32) {
    %c0_i32 = arith.constant 0 : i32
    %c0_i32_0 = arith.constant 0 : i32
    %c0_i32_1 = arith.constant 0 : i32
    return %arg0, %c0_i32, %c0_i32_0 : i32, i32, i32
  }
  func.func @transform_1(%arg0: i32) -> (i32, i32) {
    %c0_i32 = arith.constant 0 : i32
    %c0_i32_0 = arith.constant 0 : i32
    return %arg0, %c0_i32 : i32, i32
  }
  func.func @transform_2(%arg0: i32) -> (i32, i32) {
    %c0_i32 = arith.constant 0 : i32
    %c0_i32_0 = arith.constant 0 : i32
    return %arg0, %c0_i32 : i32, i32
  }
  func.func @transform_3(%arg0: i32) -> (i32, i32) {
    %c0_i32 = arith.constant 0 : i32
    %c0_i32_0 = arith.constant 0 : i32
    %c0_i32_1 = arith.constant 0 : i32
    return %c0_i32, %c0_i32_0 : i32, i32
  }
  func.func @transform_4(%arg0: i32) -> (i32, i32) {
    %c0_i32 = arith.constant 0 : i32
    %c0_i32_0 = arith.constant 0 : i32
    %c0_i32_1 = arith.constant 0 : i32
    return %c0_i32, %c0_i32_0 : i32, i32
  }
  func.func @transform_5(%arg0: i32) -> (i32, i32) {
    %c0_i32 = arith.constant 0 : i32
    %c0_i32_0 = arith.constant 0 : i32
    %c0_i32_1 = arith.constant 0 : i32
    return %c0_i32, %c0_i32_0 : i32, i32
  }
  func.func @transform_6(%arg0: i32) -> (i32, i32) {
    %c0_i32 = arith.constant 0 : i32
    %c0_i32_0 = arith.constant 0 : i32
    %c0_i32_1 = arith.constant 0 : i32
    return %c0_i32, %c0_i32_0 : i32, i32
  }
  func.func @transform_7(%arg0: i32) -> (i32, i32) {
    %c0_i32 = arith.constant 0 : i32
    %c0_i32_0 = arith.constant 0 : i32
    return %arg0, %c0_i32 : i32, i32
  }
  func.func @transform_8(%arg0: i32) -> (i32, i32) {
    %c0_i32 = arith.constant 0 : i32
    %c0_i32_0 = arith.constant 0 : i32
    %c0_i32_1 = arith.constant 0 : i32
    return %c0_i32, %c0_i32_0 : i32, i32
  }
}

module attributes {stable_mosaic.version = 14 : i64} {
  func.func @_a2_body(%arg0: i32, %arg1: memref<4000x128xf32, #tpu.memory_space<vmem>>, %arg2: memref<1x64xf32, #tpu.memory_space<vmem>>, %arg3: memref<1x64xf32, #tpu.memory_space<vmem>>, %arg4: memref<4000x64xf32, #tpu.memory_space<vmem>>) attributes {dimension_semantics = [#tpu.dimension_semantics<arbitrary>], iteration_bounds = array<i64: 4>, scalar_prefetch = 0 : i64, scratch_operands = 0 : i64, tpu.core_type = #tpu.core_type<tc>, window_params = [{transform_indices = @transform_0, window_bounds = array<i64: 4000, 128>}, {pipeline_mode = #tpu.pipeline_mode<synchronous>, transform_indices = @transform_1, window_bounds = array<i64: 1, 64>}, {pipeline_mode = #tpu.pipeline_mode<synchronous>, transform_indices = @transform_2, window_bounds = array<i64: 1, 64>}, {transform_indices = @transform_3, window_bounds = array<i64: 4000, 64>}]} {
    %get3A = arith.constant 0 : index
    %get3A_0 = arith.constant 0 : index
    %get3A_1 = vector.load %arg1[%get3A, %get3A_0] : memref<4000x128xf32, #tpu.memory_space<vmem>>, vector<4000x64xf32>
    %get3A_2 = arith.constant 0 : index
    %get3A_3 = arith.constant 0 : index
    %get3A_4 = vector.load %arg2[%get3A_2, %get3A_3] : memref<1x64xf32, #tpu.memory_space<vmem>>, vector<1x64xf32>
    %mul3A = vector.broadcast %get3A_4 : vector<1x64xf32> to vector<4000x64xf32>
    %mul3A_5 = arith.mulf %get3A_1, %mul3A : vector<4000x64xf32>
    %get3A_6 = arith.constant 0 : index
    %get3A_7 = arith.constant 0 : index
    %get3A_8 = vector.load %arg3[%get3A_6, %get3A_7] : memref<1x64xf32, #tpu.memory_space<vmem>>, vector<1x64xf32>
    %add3A = vector.broadcast %get3A_8 : vector<1x64xf32> to vector<4000x64xf32>
    %add3A_9 = arith.addf %mul3A_5, %add3A : vector<4000x64xf32>
    %max3A = arith.constant 0.000000e+00 : f32
    %max3A_10 = vector.broadcast %max3A : f32 to vector<4000x64xf32>
    %max3A_11 = arith.maximumf %add3A_9, %max3A_10 : vector<4000x64xf32>
    %swap3A = arith.constant 0 : index
    %swap3A_12 = arith.constant 0 : index
    %swap3A_13 = vector.load %arg4[%swap3A, %swap3A_12] : memref<4000x64xf32, #tpu.memory_space<vmem>>, vector<4000x64xf32>
    tpu.vector_store %arg4[%swap3A, %swap3A_12], %max3A_11 {strides = array<i32>} : memref<4000x64xf32, #tpu.memory_space<vmem>>, vector<4000x64xf32>,
    return
  }
  func.func @transform_0(%arg0: i32) -> (i32, i32) {
    %c0_i32 = arith.constant 0 : i32
    %c0_i32_0 = arith.constant 0 : i32
    return %arg0, %c0_i32 : i32, i32
  }
  func.func @transform_1(%arg0: i32) -> (i32, i32) {
    %c0_i32 = arith.constant 0 : i32
    %c0_i32_0 = arith.constant 0 : i32
    %c0_i32_1 = arith.constant 0 : i32
    return %c0_i32, %c0_i32_0 : i32, i32
  }
  func.func @transform_2(%arg0: i32) -> (i32, i32) {
    %c0_i32 = arith.constant 0 : i32
    %c0_i32_0 = arith.constant 0 : i32
    %c0_i32_1 = arith.constant 0 : i32
    return %c0_i32, %c0_i32_0 : i32, i32
  }
  func.func @transform_3(%arg0: i32) -> (i32, i32) {
    %c0_i32 = arith.constant 0 : i32
    %c0_i32_0 = arith.constant 0 : i32
    return %arg0, %c0_i32 : i32, i32
  }
}

module attributes {stable_mosaic.version = 14 : i64} {
  func.func @_tr_body(%arg0: i32, %arg1: i32, %arg2: memref<3456x64xf32, #tpu.memory_space<vmem>>, %arg3: memref<1x64x3456xf32, #tpu.memory_space<vmem>>) attributes {dimension_semantics = [#tpu.dimension_semantics<arbitrary>, #tpu.dimension_semantics<arbitrary>], iteration_bounds = array<i64: 2, 62>, scalar_prefetch = 0 : i64, scratch_operands = 0 : i64, tpu.core_type = #tpu.core_type<tc>, window_params = [{transform_indices = @transform_0, window_bounds = array<i64: 3456, 64>}, {transform_indices = @transform_1, window_bounds = array<i64: 1, 64, 3456>}]} {
    %get3A = arith.constant 0 : index
    %get3A_0 = arith.constant 0 : index
    %get3A_1 = vector.load %arg2[%get3A, %get3A_0] : memref<3456x64xf32, #tpu.memory_space<vmem>>, vector<3456x64xf32>
    %transpose3A = tpu.transpose %get3A_1, [1, 0] : vector<3456x64xf32> -> vector<64x3456xf32>
    %broadcast_in_dim3A = vector.shape_cast %transpose3A : vector<64x3456xf32> to vector<1x64x3456xf32>
    %swap3A = arith.constant 0 : index
    %swap3A_2 = arith.constant 0 : index
    %swap3A_3 = arith.constant 0 : index
    %swap3A_4 = vector.load %arg3[%swap3A, %swap3A_2, %swap3A_3] : memref<1x64x3456xf32, #tpu.memory_space<vmem>>, vector<1x64x3456xf32>
    tpu.vector_store %arg3[%swap3A, %swap3A_2, %swap3A_3], %broadcast_in_dim3A {strides = array<i32>} : memref<1x64x3456xf32, #tpu.memory_space<vmem>>, vector<1x64x3456xf32>,
    return
  }
  func.func @transform_0(%arg0: i32, %arg1: i32) -> (i32, i32) {
    %mul3A = arith.constant 62 : i32
    %mul3A_0 = arith.muli %arg0, %mul3A : i32
    %add3A = arith.addi %mul3A_0, %arg1 : i32
    %c0_i32 = arith.constant 0 : i32
    %c0_i32_1 = arith.constant 0 : i32
    return %add3A, %c0_i32 : i32, i32
  }
  func.func @transform_1(%arg0: i32, %arg1: i32) -> (i32, i32, i32) {
    %c0_i32 = arith.constant 0 : i32
    %c0_i32_0 = arith.constant 0 : i32
    return %arg0, %c0_i32, %arg1 : i32, i32, i32
  }
}

</mosaic_0001>

<sc_bundles>
// kernel: kernel.6.cloned.1.call-start
scs
__scs_entry_jumppad:
0x0: {  	(pc) =	sbr.rel $0x88, $3  }
0x1: {  	(tag) =	ssettag $0x0;
	lr =	simm.s32 $0x1  }
0x2: {  	[smem:$0x3F9B] =	sst lr;
	_ =	strace $0xD0000000  }
0x3: {  	_ = 	snop  }
0x4: {  	_ = 	snop  }
0x5: {  	_ = 	snop  }
0x6: {  	_ = 	snop  }
0x7: {  	_ = 	snop  }
__scs_overlays_trampoline_lowered:
0x8: {  	[smem:$0x3FAA] =	sst s0  }
0x9: {  	[smem:$0x3FAB] =	sst s1  }
0xa: {  	[smem:$0x3FAC] =	sst s2  }
0xb: {  	[smem:$0x3FAD] =	sst s3  }
0xc: {  	[smem:$0x3FAE] =	sst s4  }
0xd: {  	[smem:$0x3FAF] =	sst s5  }
0xe: {  	[smem:$0x3FB0] =	sst s6  }
0xf: {  	[smem:$0x3FB1] =	sst s7  }
0x10: {  	[smem:$0x3FB2] =	sst s8  }
0x11: {  	[smem:$0x3FB3] =	sst s9;
	s0 =	simm.s32 @!p0 $0x0  }
0x12: {  	s1 =	sld [smem:$0x3F99];
	s0 =	simm.s32 @p0 $0x1  }
0x13: {  	[smem:$0x3FB4] =	sst s0;
	s0 =	simm.s32 @!p1 $0x0  }
0x14: {  	s2 =	sld [smem:$0x3F98];
	s0 =	simm.s32 @p1 $0x1  }
0x15: {  	[smem:$0x3FB5] =	sst s0;
	s0 =	simm.s32 @!p2 $0x0  }
0x16: {  	s3 =	sld [smem:$0x3FDB];
	s0 =	simm.s32 @p2 $0x1  }
0x17: {  	s4 =	simm.s32 $0x1BF5;
	[smem:$0x3FB7] =	sst s0  }
0x18: {  	s0 =	sld [smem:$0x3F9A];
	_ =	swait.ge [sflag:s4], $0x0  }
0x19: {  	s7 =	sld [smem:$0x3F9B]  }
0x1a: {  	s8 =	sadd.s32 $0xFFFFE003, lr  }
0x1b: {  	s9 =	sadd.s32 $0xFFFFFEF7, lr;
	s5 =	simm.s32 $0xFFFFFFFF;
	p2 =	slt.u32 s8, $0xFFFFF086  }
0x1c: {  	p1 =	slt.u32 s9, $0xF7A;
	s5 =	simm.s32 @!p2 $0x0  }
0x1d: {  	s5 =	simm.s32 @p1 $0x1;
	p0 =	seq.s32 s7, s2  }
0x1e: {  	s7 =	smul.u32 @!p0 $0xF7A, s2;
	p2 =	seq.s32 @!p0 s5, $0x0  }
0x1f: {  	s9 =	smul.u32 $0xF7A, s1;
	s8 =	simm.s32 @!p0 $0x1BF5;
	p2 =	por !p2, p0  }
0x20: {  	[sflag:s8] =	ssyncset.s32 @!p0 $0xFFFFF086;
	s6 =	sadd.s32 @!p0 s3, s7;
	s7 =	simm.s32 @!p0 $0x108  }
0x21: {  	s3 =	sadd.s32 s3, s9;
	s6 =	sadd.s32 @!p0 $0x88, s6;
	s7 =	simm.s32 @p2 $0x1082  }
0x22: {  	[simem:s7], [sflag:s8] =	dma.local @!p0 [hbm:s6], $0xF7A  }
0x23: {  	s9 =	sor.u32 $0xD0000000, s2;
	s6 =	simm.s32 $0x108;
	_ =	swait.ge @!p0 [sflag:s8], $0x0  }
0x24: {  	s3 =	sadd.s32 $0x88, s3;
	s6 =	simm.s32 @!p1 $0x1082;
	[sflag:s4] =	ssyncset.s32 $0xFFFFF086  }
0x25: {  	[simem:s6], [sflag:s4] =	dma.local [hbm:s3], $0xF7A  }
0x26: {  	[smem:$0x3F9B] =	sst s1;
	(tag) =	ssettag s2;
	_ =	strace s9  }
0x27: {  	s1 =	sld [smem:$0x3FAB]  }
0x28: {  	s2 =	sld [smem:$0x3FAC]  }
0x29: {  	s4 =	sld [smem:$0x3FAE]  }
0x2a: {  	p0 =	seq.s32 s5, $0x0;
	s5 =	sld [smem:$0x3FAF]  }
0x2b: {  	s6 =	sld [smem:$0x3FB0]  }
0x2c: {  	s7 =	sld [smem:$0x3FB1]  }
0x2d: {  	s3 =	simm.s32 $0x108;
	s8 =	sld [smem:$0x3FB2]  }
0x2e: {  	s3 =	simm.s32 @!p0 $0x1082;
	s9 =	sld [smem:$0x3FB3]  }
0x2f: {  	lr =	sadd.s32 s0, s3;
	s0 =	sld [smem:$0x3FAA]  }
0x30: {  	s3 =	sld [smem:$0x3FAD]  }
0x31: {  	[smem:$0x3FB6] =	sst s10  }
0x32: {  	s10 =	sld [smem:$0x3FB4];
	_ =	sdelay $0x3  }
0x33: {  	p0 =	seq.s32 s10, $0x1;
	s10 =	sld [smem:$0x3FB6];
	_ =	sdelay $0x3  }
0x34: {  	[smem:$0x3FB6] =	sst s10  }
0x35: {  	s10 =	sld [smem:$0x3FB5];
	_ =	sdelay $0x3  }
0x36: {  	p1 =	seq.s32 s10, $0x1;
	s10 =	sld [smem:$0x3FB6];
	_ =	sdelay $0x3  }
0x37: {  	[smem:$0x3FB6] =	sst s10  }
0x38: {  	s10 =	sld [smem:$0x3FB7]  }
0x39: {  	_ = 	snop;
	(pc) =	sbr.ind lr, $3  }
0x3a: {  	_ = 	snop  }
0x3b: {  	_ = 	snop  }
0x3c: {  	p2 =	seq.s32 s10, $0x1;
	s10 =	sld [smem:$0x3FB6]  }
0x3d: {  	_ =	shalt  }
0x3e: {  	_ =	shalt  }
0x3f: {  	_ =	shalt  }
0x40: {  	_ =	shalt  }
0x41: {  	_ =	shalt  }
0x42: {  	_ =	shalt  }
0x43: {  	_ =	shalt  }
0x44: {  	_ =	shalt  }
0x45: {  	_ =	shalt  }
0x46: {  	_ =	shalt  }
0x47: {  	_ =	shalt  }
0x48: {  	_ =	shalt  }
0x49: {  	_ =	shalt  }
0x4a: {  	_ =	shalt  }
0x4b: {  	_ =	shalt  }
0x4c: {  	_ =	shalt  }
0x4d: {  	_ =	shalt  }
0x4e: {  	_ =	shalt  }
0x4f: {  	_ =	shalt  }
0x50: {  	_ =	shalt  }
0x51: {  	_ =	shalt  }
0x52: {  	_ =	shalt  }
0x53: {  	_ =	shalt  }
0x54: {  	_ =	shalt  }
0x55: {  	_ =	shalt  }
0x56: {  	_ =	shalt  }
0x57: {  	_ =	shalt  }
0x58: {  	_ =	shalt  }
0x59: {  	_ =	shalt  }
0x5a: {  	_ =	shalt  }
0x5b: {  	_ =	shalt  }
0x5c: {  	_ =	shalt  }
0x5d: {  	_ =	shalt  }
0x5e: {  	_ =	shalt  }
0x5f: {  	_ =	shalt  }
0x60: {  	_ =	shalt  }
0x61: {  	_ =	shalt  }
0x62: {  	_ =	shalt  }
0x63: {  	_ =	shalt  }
0x64: {  	_ =	shalt  }
0x65: {  	_ =	shalt  }
0x66: {  	_ =	shalt  }
0x67: {  	_ =	shalt  }
0x68: {  	_ =	shalt  }
0x69: {  	_ =	shalt  }
0x6a: {  	_ =	shalt  }
0x6b: {  	_ =	shalt  }
0x6c: {  	_ =	shalt  }
0x6d: {  	_ =	shalt  }
0x6e: {  	_ =	shalt  }
0x6f: {  	_ =	shalt  }
0x70: {  	_ =	shalt  }
0x71: {  	_ =	shalt  }
0x72: {  	_ =	shalt  }
0x73: {  	_ =	shalt  }
0x74: {  	_ =	shalt  }
0x75: {  	_ =	shalt  }
0x76: {  	_ =	shalt  }
0x77: {  	_ =	shalt  }
0x78: {  	_ =	shalt  }
0x79: {  	_ =	shalt  }
0x7a: {  	_ =	shalt  }
0x7b: {  	_ =	shalt  }
0x7c: {  	_ =	shalt  }
0x7d: {  	_ =	shalt  }
0x7e: {  	_ =	shalt  }
0x7f: {  	_ =	shalt  }
0x80: {  	_ =	shalt  }
0x81: {  	_ =	shalt  }
0x82: {  	_ =	shalt  }
0x83: {  	_ =	shalt  }
0x84: {  	_ =	shalt  }
0x85: {  	_ =	shalt  }
0x86: {  	_ =	shalt  }
0x87: {  	_ =	shalt  }
.Lfunc_end0:
.L_simem_size_0:
called_computation.1_lowered:
.L_overlay_start_0:
0x88: {  	s2 =	sld [smem:$0x3FD9]  }
0x89: {  	s3 =	sld [smem:$0x3FFE];
	_ =	sdelay $0x1  }
0x8a: {  	s1 =	srdreg.scid  }
0x8b: {  	s0 =	sand.u32 $0x1, s1  }
0x8c: {  	s17 =	sshll.u32 s0, $0xA;
	s2 =	sadd.s32 s3, s2  }
0x8d: {  	s2 =	sadd.s32 s2, s17  }
0x8e: {  	[smem:$0x3FC2] =	sst s2  }
0x8f: {  	_ = 	snop  }
0x90: {  	s2 =	sld [smem:$0x3FD0];
	(tm) =	ssettm $0x1  }
0x91: {  	s18 =	sld [smem:$0x3FFB];
	_ =	sdelay $0x3  }
0x92: {  	_ =	strace s18  }
0x93: {  	s3 =	sld [smem:$0x3FFC];
	_ =	sdelay $0x3  }
0x94: {  	_ =	strace s3  }
0x95: {  	s3 =	sld [smem:$0x3FFD];
	_ =	sdelay $0x3  }
0x96: {  	_ =	strace s3  }
0x97: {  	_ =	strace $0x8FFFFFFF  }
0x98: {  	s19 =	sld [smem:$0x3FDB];
	_ =	sdelay $0x1  }
0x99: {  	s4 =	simm.s32 $_scs_section_size  }
0x9a: {  	s5 =	simm.s32 $_size__tile_overlayer_lowered;
	s6 =	simm.s32 $_tile_overlayer_lowered  }
0x9b: {  	s22 =	simm.s32 $0x1BFF;
	s21 =	sshll.u32 s6, $0x1;
	s3 =	sadd.s32 s4, s19  }
0x9c: {  	s7 =	simm.s32 $0x0;
	s20 =	sshll.u32 s5, $0x1;
	s5 =	sadd.s32 s21, s3  }
0x9d: {  	[timem:s7], [sflag:s22] =	dma.local [hbm:s5], s20  }
0x9e: {  	_ =	swait.ge [sflag:s22], s20  }
0x9f: {  	s4 =	ssub.s32 $0x0, s20;
	[sflag:s22] =	ssyncset.done $0x0  }
0xa0: {  	[sflag:s22] =	ssyncadd.s32 s4;
	_ =	sdelay $0x1  }
0xa1: {  	s23 =	simm.s32 $0x1B8B  }
0xa2: {  	_ =	swait.ge [sflag:s23], $0x1  }
0xa3: {  	[sflag:s23] =	ssyncset.done $0x0  }
0xa4: {  	s25 =	simm.s32 $0x1B8E;
	s24 =	sld [smem:$0x3FFE];
	[sflag:s23] =	ssyncadd.s32 $0xFFFFFFFF  }
0xa5: {  	s26 =	simm.s32 $execute0_lowered;
	[smem:$0x3FD2] =	sst s25  }
0xa6: {  	s5 =	sshll.u32 s26, $0x1;
	_ =	strace $0x80000046;
	[dreg:$0x1] =	wrdreg $0xFFFFFFFF  }
0xa7: {  	s28 =	simm.s32 $_size_execute0_lowered;
	s3 =	sadd.s32 s3, s5;
	[dreg:$0x0] =	wrdreg $0x0  }
0xa8: {  	s5 =	sshll.u32 s28, $0x1;
	[dreg:$0x2] =	wrdreg s3  }
0xa9: {  	[dreg:$0x3] =	wrdreg s5  }
0xaa: {  	[dreg:$0x4] =	wrdreg $0xC0  }
0xab: {  	_ =	task [dreg:s7], $0x5FFFF  }
0xac: {  	[dreg:$0x1] =	wrdreg $0xFFFFFFFF  }
0xad: {  	[dreg:$0x0] =	wrdreg $0x60  }
0xae: {  	[dreg:$0x2] =	wrdreg s24  }
0xaf: {  	[dreg:$0x3] =	wrdreg s2  }
0xb0: {  	[dreg:$0x4] =	wrdreg $0x9  }
0xb1: {  	_ =	task.clear_ibuf [dreg:s7], $0x5FFFF;
	_ =	strace $0x90000046  }
0xb2: {  	s29 =	simm.s32 $0x9;
	_ =	strace $0x80000048  }
0xb3: {  	_ =	swait.ge [sflag:s29], $0x1  }
0xb4: {  	[sflag:s29] =	ssyncadd.s32 $0xFFFFFFFF  }
0xb5: {  	_ =	strace $0x90000048  }
0xb6: {  	_ =	sfence  }
0xb7: {  	s30 =	sld [smem:$0x0];
	_ =	sdelay $0x2  }
0xb8: {  	s31 =	sshll.u32 s1, $0xD;
	s1 =	sshrl.u32 s1, $0x2  }
0xb9: {  	s3 =	sand.u32 $0x4000, s31;
	s1 =	sadd.s32 s1, s30  }
0xba: {  	s0 =	sor.u32 s3, s0;
	s1 =	sshll.u32 s1, $0x11  }
0xbb: {  	s0 =	sor.u32 s1, s0  }
0xbc: {  	s0 =	sadd.s32 $0x8F2B, s0  }
0xbd: {  	[sflag:s0] =	ssyncadd.remote.s32 $0x1  }
0xbe: {  	_ =	sfence.sel $0xFFFF  }
0xbf: {  	[dreg:$0x0] =	wrdreg $0xFFFFFFFF;
	(pc) =	sbr.abs _section_cstart, $3  }
0xc0: {  	[dreg:$0x1] =	wrdreg $0xFFFFFFFF  }
0xc1: {  	_ =	task.clear_ibuf [dreg:s7], $0x2FFFF;
	_ =	strace $0x9FFFFFFF  }
0xc2: {  	(tm) =	ssettm $0x7FFFFFFF  }
0xc3: {  	_ =	shalt  }
tec
execute0_lowered:
.L_overlay_start_1:
0x0: {  	(tag) =	ssettag $0x1  }
0x1: {  	s5 =	rddreg [dreg:$0x0]  }
0x2: {  	s0 =	srdreg.scid;
	s2 =	stileid.u32  }
0x3: {  	s1 =	rddreg [dreg:$0x1];
	s6 =	sand.u32 $0x1, s0;
	s4 =	smul.u32 $0x3450, s2  }
0x4: {  	s3 =	simm.s32 $0x0;
	s9 =	simm.s32 $0xBA00;
	s0 =	smul.u32 $0x34500, s6  }
0x5: {  	[smem:$0x7FF] =	sst s3;
	s7 =	sshll.u32 s2, $0x7;
	s8 =	sadd.s32 $0x20E00, s5  }
0x6: {  	_ =	strace $0x80000047;
	s7 =	sadd.s32 s7, s5;
	s4 =	sadd.s32 s4, s0  }
0x7: {  	[dreg:$0x3] =	wrdreg s8;
	s10 =	sadd.s32 $0x800, s7;
	s4 =	sshll.u32 s4, $0x3  }
0x8: {  	s7 =	sadd.s32 $0x1000, s7;
	[dreg:$0x4] =	wrdreg s10;
	s4 =	sadd.s32 s1, s4  }
0x9: {  	s28 =	simm.s32 $0xBD00;
	[dreg:$0x5] =	wrdreg s7;
	s11 =	sadd.s32 $0x1740, s4  }
0xa: {  	s29 =	simm.s32 $0xC080;
	s12 =	sadd.s32 $0x2E80, s4;
	[dreg:$0x6] =	wrdreg s11  }
0xb: {  	s31 =	simm.s32 $0xC100;
	s13 =	sadd.s32 $0x45C0, s4;
	[dreg:$0x7] =	wrdreg s12  }
0xc: {  	s6 =	ssub.s32 $0x2, s6;
	s14 =	sadd.s32 $0x5D00, s4;
	[dreg:$0x8] =	wrdreg s13  }
0xd: {  	s5 =	sadd.s32 $0x1A00, s5;
	s15 =	sadd.s32 $0x7440, s4;
	[dreg:$0x9] =	wrdreg s14  }
0xe: {  	s25 =	sshrl.u32 s6, $0x1;
	s16 =	sadd.s32 $0x8B80, s4;
	[dreg:$0xa] =	wrdreg s15  }
0xf: {  	s8 =	ssub.s32 s6, s25;
	s17 =	sadd.s32 $0xA2C0, s4;
	[dreg:$0xb] =	wrdreg s16  }
0x10: {  	s30 =	sadd.s32 $0x34500, s0;
	s18 =	sadd.s32 $0xBA00, s4;
	[dreg:$0xc] =	wrdreg s17  }
0x11: {  	s10 =	simm.s32 $0xBE00;
	s19 =	sadd.s32 $0xD140, s4;
	[dreg:$0xd] =	wrdreg s18  }
0x12: {  	s25 =	simm.s32 $0xBC80;
	s20 =	sadd.s32 $0xE880, s4;
	[dreg:$0xe] =	wrdreg s19  }
0x13: {  	v0 =	vmov s0;
	s0 =	simm.s32 $0xC180;
	s21 =	sadd.s32 $0xFFC0, s4;
	[dreg:$0xf] =	wrdreg s20  }
0x14: {  	s8 =	smax.u32 s8, $0x1;
	s22 =	sadd.s32 $0x11700, s4;
	[dreg:$0x10] =	wrdreg s21  }
0x15: {  	v1 =	vmov s30;
	s30 =	simm.s32 $0xBD80;
	s23 =	sadd.s32 $0x12E40, s4;
	[dreg:$0x11] =	wrdreg s22  }
0x16: {  	s24 =	sadd.s32 $0x14580, s4;
	s26 =	sadd.s32 $0x15CC0, s4;
	[dreg:$0x12] =	wrdreg s23  }
0x17: {  	s6 =	sadd.s32 $0x17400, s4;
	s7 =	sadd.s32 $0x18B40, s4;
	[dreg:$0x13] =	wrdreg s24  }
0x18: {  	[dreg:$0x14] =	wrdreg s26;
	s11 =	simm.s32 $0x4;
	s12 =	simm.s32 $0x2  }
0x19: {  	s13 =	simm.s32 $0x3;
	s14 =	simm.s32 $0x1;
	s15 =	simm.s32 $0x80  }
0x1a: {  	s16 =	simm.s32 $0xC200;
	s18 =	simm.s32 $0xE200;
	s19 =	simm.s32 $0xBB00  }
0x1b: {  	s20 =	simm.s32 $0xBE80;
	s21 =	simm.s32 $0xBB80;
	s22 =	simm.s32 $0xBF00  }
0x1c: {  	s23 =	simm.s32 $0xBC00;
	s24 =	simm.s32 $0xBF80;
	s26 =	simm.s32 $0xC000  }
.LBB2_1:
0x1d: {  	s2 =	rddreg [dreg:$0x4]  }
0x1e: {  	[tilespmem:s9], [sflag:$0x2] =	stream.linear.gather [hbm4b:s2+s3], $0x400, $0x38;
	[tilespmem:$0x10200] =	vst v63  }
0x1f: {  	s17 =	rddreg [dreg:$0x5]  }
0x20: {  	[tilespmem:s10], [sflag:$0x3] =	stream.linear.gather [hbm4b:s17+s3], $0x400, $0x38;
	[tilespmem:$0x10200] =	vst v63  }
0x21: {  	s2 =	rddreg [dreg:$0x3]  }
0x22: {  	[tilespmem:s3], [sflag:$0x4] =	stream.linear.gather [hbm4b:s2+s3], $0xBA00, $0x38;
	[tilespmem:$0x10200] =	vst v63  }
0x23: {  	_ =	swait.ge [sflag:s11], $0xBA00  }
0x24: {  	[sflag:s11] =	ssyncset.done $0x0  }
0x25: {  	[sflag:s11] =	ssyncadd.s32 $0xFFFF4600  }
0x26: {  	[hbm4b:s4+s3] =	stream.linear.scatter [tilespmem:s3], [sflag:$0x1], $0xBA00, $0x38;
	[tilespmem:$0x10200] =	vst v63  }
0x27: {  	s2 =	rddreg [dreg:$0x6]  }
0x28: {  	[hbm4b:s2+s3] =	stream.linear.scatter [tilespmem:s3], [sflag:$0x1], $0xBA00, $0x38;
	[tilespmem:$0x10200] =	vst v63  }
0x29: {  	s17 =	rddreg [dreg:$0x7]  }
0x2a: {  	[hbm4b:s17+s3] =	stream.linear.scatter [tilespmem:s3], [sflag:$0x1], $0xBA00, $0x38;
	[tilespmem:$0x10200] =	vst v63  }
0x2b: {  	s2 =	rddreg [dreg:$0x8]  }
0x2c: {  	[hbm4b:s2+s3] =	stream.linear.scatter [tilespmem:s3], [sflag:$0x1], $0xBA00, $0x38;
	[tilespmem:$0x10200] =	vst v63  }
0x2d: {  	s17 =	rddreg [dreg:$0x9]  }
0x2e: {  	[hbm4b:s17+s3] =	stream.linear.scatter [tilespmem:s3], [sflag:$0x1], $0xBA00, $0x38;
	[tilespmem:$0x10200] =	vst v63  }
0x2f: {  	s2 =	rddreg [dreg:$0xa]  }
0x30: {  	[hbm4b:s2+s3] =	stream.linear.scatter [tilespmem:s3], [sflag:$0x1], $0xBA00, $0x38;
	[tilespmem:$0x10200] =	vst v63  }
0x31: {  	s17 =	rddreg [dreg:$0xb]  }
0x32: {  	[hbm4b:s17+s3] =	stream.linear.scatter [tilespmem:s3], [sflag:$0x1], $0xBA00, $0x38;
	[tilespmem:$0x10200] =	vst v63  }
0x33: {  	s2 =	rddreg [dreg:$0xc]  }
0x34: {  	[hbm4b:s2+s3] =	stream.linear.scatter [tilespmem:s3], [sflag:$0x1], $0xBA00, $0x38;
	[tilespmem:$0x10200] =	vst v63  }
0x35: {  	s17 =	rddreg [dreg:$0xd]  }
0x36: {  	[hbm4b:s17+s3] =	stream.linear.scatter [tilespmem:s3], [sflag:$0x1], $0xBA00, $0x38;
	[tilespmem:$0x10200] =	vst v63  }
0x37: {  	s2 =	rddreg [dreg:$0xe]  }
0x38: {  	[hbm4b:s2+s3] =	stream.linear.scatter [tilespmem:s3], [sflag:$0x1], $0xBA00, $0x38;
	[tilespmem:$0x10200] =	vst v63  }
0x39: {  	s17 =	rddreg [dreg:$0xf]  }
0x3a: {  	[hbm4b:s17+s3] =	stream.linear.scatter [tilespmem:s3], [sflag:$0x1], $0xBA00, $0x38;
	[tilespmem:$0x10200] =	vst v63  }
0x3b: {  	s2 =	rddreg [dreg:$0x10]  }
0x3c: {  	[hbm4b:s2+s3] =	stream.linear.scatter [tilespmem:s3], [sflag:$0x1], $0xBA00, $0x38;
	[tilespmem:$0x10200] =	vst v63  }
0x3d: {  	s17 =	rddreg [dreg:$0x11]  }
0x3e: {  	[hbm4b:s17+s3] =	stream.linear.scatter [tilespmem:s3], [sflag:$0x1], $0xBA00, $0x38;
	[tilespmem:$0x10200] =	vst v63  }
0x3f: {  	s2 =	rddreg [dreg:$0x12]  }
0x40: {  	[hbm4b:s2+s3] =	stream.linear.scatter [tilespmem:s3], [sflag:$0x1], $0xBA00, $0x38;
	[tilespmem:$0x10200] =	vst v63  }
0x41: {  	s17 =	rddreg [dreg:$0x13]  }
0x42: {  	[hbm4b:s17+s3] =	stream.linear.scatter [tilespmem:s3], [sflag:$0x1], $0xBA00, $0x38;
	[tilespmem:$0x10200] =	vst v63  }
0x43: {  	s2 =	rddreg [dreg:$0x14]  }
0x44: {  	[hbm4b:s2+s3] =	stream.linear.scatter [tilespmem:s3], [sflag:$0x1], $0xBA00, $0x38;
	[tilespmem:$0x10200] =	vst v63  }
0x45: {  	_ = 	snop  }
0x46: {  	[hbm4b:s6+s3] =	stream.linear.scatter [tilespmem:s3], [sflag:$0x1], $0xBA00, $0x38;
	[tilespmem:$0x10200] =	vst v63  }
0x47: {  	_ = 	snop  }
0x48: {  	[hbm4b:s7+s3] =	stream.linear.scatter [tilespmem:s3], [sflag:$0x1], $0xBA00, $0x38;
	[tilespmem:$0x10200] =	vst v63  }
0x49: {  	_ =	swait.ge [sflag:s12], $0x400  }
0x4a: {  	[sflag:s12] =	ssyncset.done $0x0  }
0x4b: {  	[sflag:s12] =	ssyncadd.s32 $0xFFFFFC00  }
0x4c: {  	_ =	swait.ge [sflag:s13], $0x400  }
0x4d: {  	[sflag:s13] =	ssyncset.done $0x0  }
0x4e: {  	[sflag:s13] =	ssyncadd.s32 $0xFFFFFC00  }
0x4f: {  	v2 =	vld [tilespmem:$0xBE00]  }
0x50: {  	v3 =	vld [tilespmem:$0xBE10]  }
0x51: {  	v4 =	vld [tilespmem:$0xBE20]  }
0x52: {  	v5 =	vld [tilespmem:$0xBE30]  }
0x53: {  	v6 =	vld [tilespmem:$0xBE40]  }
0x54: {  	v7 =	vld [tilespmem:$0xBE50]  }
0x55: {  	v8 =	vld [tilespmem:$0xBE60]  }
0x56: {  	v9 =	vld [tilespmem:$0xBE70];
	vm0 =	vge.s32 v2, v0  }
0x57: {  	v10 =	vld [tilespmem:$0xBE80];
	vm1 =	vlt.s32 v2, v1;
	vm6 =	vge.s32 v3, v0;
	vm2 =	vlt.s32 v3, v1  }
0x58: {  	v11 =	vld [tilespmem:$0xBE90];
	vm8 =	vge.s32 v4, v0;
	vm9 =	vlt.s32 v4, v1;
	vm10 =	vge.s32 v5, v0  }
0x59: {  	vm11 =	vlt.s32 v5, v1;
	vm12 =	vge.s32 v6, v0;
	vm3 =	vlt.s32 v6, v1  }
0x5a: {  	vm14 =	vge.s32 v7, v0;
	vm15 =	vlt.s32 v7, v1;
	vm4 =	vge.s32 v8, v0  }
0x5b: {  	v12 =	vld [tilespmem:$0xBEA0];
	vm5 =	vlt.s32 v8, v1;
	vm0 =	vmand vm0, vm1;
	vm7 =	vmand vm6, vm2  }
0x5c: {  	v13 =	vld [tilespmem:$0xBEB0];
	vm1 =	vmand vm10, vm11;
	vm13 =	vmand vm12, vm3;
	vm6 =	vge.s32 v9, v0  }
0x5d: {  	vm10 =	vlt.s32 v10, v1;
	vm11 =	vge.s32 v11, v0;
	vm12 =	vlt.s32 v11, v1  }
0x5e: {  	v14 =	vld [tilespmem:$0xBEC0];
	v2 =	vnsel vm0, $0x68A00, v2;
	v3 =	vnsel vm7, $0x68A00, v3;
	vm0 =	vmand vm8, vm9  }
0x5f: {  	v16 =	vld [tilespmem:$0xBEE0];
	v5 =	vnsel vm1, $0x68A00, v5;
	v6 =	vnsel vm13, $0x68A00, v6;
	vm1 =	vmand vm4, vm5  }
0x60: {  	vm7 =	vlt.s32 v9, v1;
	vm9 =	vge.s32 v10, v0;
	vm13 =	vge.s32 v12, v0  }
0x61: {  	v15 =	vld [tilespmem:$0xBED0];
	vm4 =	vge.s32 v13, v0;
	vm5 =	vlt.s32 v13, v1;
	v4 =	vnsel vm0, $0x68A00, v4  }
0x62: {  	v17 =	vld [tilespmem:$0xBEF0];
	vm0 =	vmand vm14, vm15;
	v8 =	vnsel vm1, $0x68A00, v8;
	vm8 =	vmand vm6, vm7  }
0x63: {  	v18 =	vld [tilespmem:$0xBF00];
	vm1 =	vmand vm11, vm12;
	vm14 =	vlt.s32 v12, v1;
	vm6 =	vge.s32 v14, v0  }
0x64: {  	v19 =	vld [tilespmem:$0xBF10];
	vm7 =	vlt.s32 v14, v1;
	vm11 =	vge.s32 v16, v0;
	vm12 =	vlt.s32 v16, v1  }
0x65: {  	v21 =	vld [tilespmem:$0xBF30];
	v7 =	vnsel vm0, $0x68A00, v7;
	v9 =	vnsel vm8, $0x68A00, v9;
	vm0 =	vmand vm9, vm10  }
0x66: {  	v22 =	vld [tilespmem:$0xBF40];
	v11 =	vnsel vm1, $0x68A00, v11;
	vm15 =	vmand vm13, vm14;
	vm1 =	vmand vm6, vm7  }
0x67: {  	v23 =	vld [tilespmem:$0xBF50];
	vm8 =	vge.s32 v15, v0;
	vm9 =	vlt.s32 v15, v1;
	vm13 =	vge.s32 v17, v0  }
0x68: {  	vm14 =	vlt.s32 v17, v1;
	vm6 =	vlt.s32 v18, v1;
	v10 =	vnsel vm0, $0x68A00, v10  }
0x69: {  	v20 =	vld [tilespmem:$0xBF20];
	v12 =	vnsel vm15, $0x68A00, v12;
	vm0 =	vmand vm4, vm5;
	v14 =	vnsel vm1, $0x68A00, v14  }
0x6a: {  	vm10 =	vmand vm8, vm9;
	vm1 =	vmand vm13, vm14;
	vm15 =	vge.s32 v18, v0  }
0x6b: {  	vm8 =	vge.s32 v19, v0;
	vm9 =	vlt.s32 v19, v1;
	vm13 =	vlt.s32 v21, v1  }
0x6c: {  	v46 =	vld [tilespmem:$0xBF70];
	vm4 =	vlt.s32 v22, v1;
	vm5 =	vge.s32 v23, v0;
	v13 =	vnsel vm0, $0x68A00, v13  }
0x6d: {  	v48 =	vld [tilespmem:$0xBF80];
	v15 =	vnsel vm10, $0x68A00, v15;
	vm0 =	vmand vm11, vm12;
	v17 =	vnsel vm1, $0x68A00, v17  }
0x6e: {  	[tilespmem:$0xBE00] =	vst v2;
	vm7 =	vmand vm15, vm6;
	vm10 =	vge.s32 v20, v0;
	vm11 =	vlt.s32 v20, v1  }
0x6f: {  	v2 =	vld [tilespmem:$0xBF60];
	[tilespmem:$0xBE10] =	vst v3;
	vm12 =	vge.s32 v21, v0;
	vm15 =	vge.s32 v22, v0;
	vm6 =	vlt.s32 v23, v1  }
0x70: {  	v49 =	vld [tilespmem:$0xBF90];
	[tilespmem:$0xBE30] =	vst v5;
	v16 =	vnsel vm0, $0x68A00, v16;
	v18 =	vnsel vm7, $0x68A00, v18;
	vm0 =	vmand vm8, vm9  }
0x71: {  	v58 =	vld [tilespmem:$0xBFE0];
	[tilespmem:$0xBE40] =	vst v6;
	vm1 =	vmand vm10, vm11;
	vm14 =	vmand vm12, vm13;
	vm10 =	vge.s32 v46, v0  }
0x72: {  	v52 =	vld [tilespmem:$0xBFA0];
	[tilespmem:$0xBE20] =	vst v4;
	vm11 =	vlt.s32 v46, v1;
	vm12 =	vge.s32 v48, v0;
	vm13 =	vlt.s32 v48, v1  }
0x73: {  	v53 =	vld [tilespmem:$0xBFB0];
	[tilespmem:$0xBE60] =	vst v8;
	v3 =	vnsel vm0, $0x68A00, v19;
	v45 =	vnsel vm1, $0x68A00, v20;
	v47 =	vnsel vm14, $0x68A00, v21  }
0x74: {  	v54 =	vld [tilespmem:$0xBFC0];
	[tilespmem:$0xBE50] =	vst v7;
	vm0 =	vmand vm15, vm4;
	vm1 =	vmand vm5, vm6;
	vm7 =	vge.s32 v2, v0  }
0x75: {  	v57 =	vld [tilespmem:$0xBFD0];
	[tilespmem:$0xBE70] =	vst v9;
	vm8 =	vlt.s32 v2, v1;
	vm14 =	vge.s32 v49, v0;
	vm15 =	vlt.s32 v49, v1  }
0x76: {  	[tilespmem:$0xBE90] =	vst v11;
	vm4 =	vge.s32 v58, v0;
	vm5 =	vlt.s32 v58, v1;
	v50 =	vnsel vm0, $0x68A00, v22  }
0x77: {  	[tilespmem:$0xBE80] =	vst v10;
	v51 =	vnsel vm1, $0x68A00, v23;
	vm9 =	vmand vm7, vm8;
	vm0 =	vmand vm10, vm11  }
0x78: {  	v59 =	vld [tilespmem:$0xBFF0];
	[tilespmem:$0xBEA0] =	vst v12;
	vm1 =	vmand vm12, vm13;
	vm6 =	vmand vm14, vm15;
	vm7 =	vge.s32 v52, v0  }
0x79: {  	v62 =	vld [tilespmem:$0xC010];
	[tilespmem:$0xBEC0] =	vst v14;
	vm8 =	vlt.s32 v52, v1;
	vm10 =	vlt.s32 v53, v1;
	vm11 =	vge.s32 v54, v0  }
0x7a: {  	v61 =	vld [tilespmem:$0xC000];
	[tilespmem:$0xBEB0] =	vst v13;
	vm12 =	vlt.s32 v54, v1;
	vm14 =	vge.s32 v57, v0;
	vm15 =	vlt.s32 v57, v1  }
0x7b: {  	v63 =	vld [tilespmem:$0xC020];
	[tilespmem:$0xBED0] =	vst v15;
	v2 =	vnsel vm9, $0x68A00, v2;
	v55 =	vnsel vm0, $0x68A00, v46;
	v56 =	vnsel vm1, $0x68A00, v48  }
0x7c: {  	v24 =	vld [tilespmem:$0xC040];
	[tilespmem:$0xBEF0] =	vst v17;
	v6 =	vnsel vm6, $0x68A00, v49;
	vm0 =	vmand vm7, vm8;
	vm9 =	vge.s32 v53, v0  }
0x7d: {  	[tilespmem:$0xBEE0] =	vst v16;
	vm13 =	vmand vm11, vm12;
	vm6 =	vge.s32 v59, v0;
	vm7 =	vlt.s32 v59, v1  }
0x7e: {  	[tilespmem:$0xBF00] =	vst v18;
	vm11 =	vge.s32 v62, v0;
	vm12 =	vlt.s32 v62, v1;
	vm1 =	vmand vm9, vm10  }
0x7f: {  	v25 =	vld [tilespmem:$0xC050];
	[tilespmem:$0xBF10] =	vst v3;
	v60 =	vnsel vm0, $0x68A00, v52;
	v10 =	vnsel vm13, $0x68A00, v54;
	vm0 =	vmand vm14, vm15  }
0x80: {  	v29 =	vld [tilespmem:$0xC070];
	[tilespmem:$0xBF20] =	vst v45;
	vm8 =	vmand vm6, vm7;
	vm9 =	vge.s32 v61, v0;
	vm10 =	vlt.s32 v61, v1  }
0x81: {  	v27 =	vld [tilespmem:$0xC060];
	[tilespmem:$0xBF30] =	vst v47;
	vm13 =	vge.s32 v63, v0;
	vm14 =	vlt.s32 v63, v1;
	vm6 =	vge.s32 v24, v0  }
0x82: {  	v30 =	vld [tilespmem:$0xC080];
	[tilespmem:$0xBF40] =	vst v50;
	vm7 =	vlt.s32 v24, v1;
	v9 =	vnsel vm1, $0x68A00, v53;
	vm1 =	vmand vm4, vm5  }
0x83: {  	v33 =	vld [tilespmem:$0xC090];
	[tilespmem:$0xBF50] =	vst v51;
	v3 =	vnsel vm0, $0x68A00, v57;
	v23 =	vnsel vm8, $0x68A00, v59;
	vm0 =	vmand vm9, vm10  }
0x84: {  	v22 =	vld [tilespmem:$0xC030];
	[tilespmem:$0xBF60] =	vst v2;
	vm15 =	vmand vm13, vm14;
	vm8 =	vge.s32 v25, v0;
	vm9 =	vlt.s32 v25, v1  }
0x85: {  	v34 =	vld [tilespmem:$0xC0A0];
	[tilespmem:$0xBF70] =	vst v55;
	vm13 =	vge.s32 v29, v0;
	vm14 =	vlt.s32 v29, v1;
	v21 =	vnsel vm1, $0x68A00, v58  }
0x86: {  	v35 =	vld [tilespmem:$0xC0B0];
	[tilespmem:$0xBF80] =	vst v56;
	vm1 =	vmand vm11, vm12;
	v2 =	vnsel vm0, $0x68A00, v61;
	v28 =	vnsel vm15, $0x68A00, v63  }
0x87: {  	v37 =	vld [tilespmem:$0xC0C0];
	[tilespmem:$0xBF90] =	vst v6;
	vm10 =	vmand vm8, vm9;
	vm11 =	vge.s32 v27, v0;
	vm12 =	vlt.s32 v27, v1  }
0x88: {  	v39 =	vld [tilespmem:$0xC0D0];
	[tilespmem:$0xBFA0] =	vst v60;
	vm15 =	vge.s32 v30, v0;
	vm8 =	vge.s32 v33, v0;
	vm9 =	vlt.s32 v33, v1  }
0x89: {  	[tilespmem:$0xBFC0] =	vst v10;
	v26 =	vnsel vm1, $0x68A00, v62;
	vm4 =	vge.s32 v22, v0;
	vm5 =	vlt.s32 v22, v1  }
0x8a: {  	[tilespmem:$0xBFB0] =	vst v9;
	vm1 =	vmand vm6, vm7;
	v7 =	vnsel vm10, $0x68A00, v25;
	vm6 =	vlt.s32 v30, v1  }
0x8b: {  	[tilespmem:$0xBFD0] =	vst v3;
	vm10 =	vge.s32 v34, v0;
	vm0 =	vmand vm4, vm5;
	v32 =	vnsel vm1, $0x68A00, v24  }
0x8c: {  	v41 =	vld [tilespmem:$0xC0F0];
	[tilespmem:$0xBFF0] =	vst v23;
	vm1 =	vmand vm13, vm14;
	vm7 =	vmand vm15, vm6;
	vm13 =	vlt.s32 v35, v1  }
0x8d: {  	v43 =	vld [tilespmem:$0xC100];
	[tilespmem:$0xBFE0] =	vst v21;
	vm15 =	vge.s32 v37, v0;
	vm4 =	vlt.s32 v37, v1;
	vm5 =	vge.s32 v39, v0  }
0x8e: {  	[tilespmem:$0xC000] =	vst v2;
	vm6 =	vlt.s32 v39, v1;
	v31 =	vnsel vm0, $0x68A00, v22;
	vm0 =	vmand vm11, vm12  }
0x8f: {  	v44 =	vld [tilespmem:$0xC110];
	[tilespmem:$0xC020] =	vst v28;
	v36 =	vnsel vm1, $0x68A00, v29;
	v38 =	vnsel vm7, $0x68A00, v30;
	vm11 =	vlt.s32 v34, v1  }
0x90: {  	v53 =	vld [tilespmem:$0xC160];
	[tilespmem:$0xC010] =	vst v26;
	vm12 =	vge.s32 v35, v0;
	v3 =	vnsel vm0, $0x68A00, v27;
	vm0 =	vmand vm8, vm9  }
0x91: {  	v2 =	vld [tilespmem:$0xC0E0];
	[tilespmem:$0xC050] =	vst v7;
	vm1 =	vmand vm10, vm11;
	vm14 =	vmand vm12, vm13;
	vm10 =	vge.s32 v41, v0  }
0x92: {  	v47 =	vld [tilespmem:$0xC130];
	[tilespmem:$0xC040] =	vst v32;
	vm11 =	vlt.s32 v41, v1;
	vm12 =	vge.s32 v43, v0;
	vm13 =	vlt.s32 v43, v1  }
0x93: {  	v48 =	vld [tilespmem:$0xC140];
	[tilespmem:$0xC030] =	vst v31;
	v40 =	vnsel vm0, $0x68A00, v33;
	v9 =	vnsel vm1, $0x68A00, v34;
	v42 =	vnsel vm14, $0x68A00, v35  }
0x94: {  	v51 =	vld [tilespmem:$0xC150];
	[tilespmem:$0xC070] =	vst v36;
	vm0 =	vmand vm15, vm4;
	vm1 =	vmand vm5, vm6;
	vm14 =	vge.s32 v44, v0  }
0x95: {  	[tilespmem:$0xC080] =	vst v38;
	vm15 =	vlt.s32 v44, v1;
	vm4 =	vge.s32 v53, v0;
	vm5 =	vlt.s32 v53, v1  }
0x96: {  	v46 =	vld [tilespmem:$0xC120];
	[tilespmem:$0xC060] =	vst v3;
	vm7 =	vge.s32 v2, v0;
	vm8 =	vlt.s32 v2, v1;
	v3 =	vnsel vm0, $0x68A00, v37  }
0x97: {  	v55 =	vld [tilespmem:$0xC190];
	v45 =	vnsel vm1, $0x68A00, v39;
	vm0 =	vmand vm10, vm11;
	[tilespmem:$0xC090] =	vst v40;
	vm1 =	vmand vm12, vm13  }
0x98: {  	[tilespmem:$0xC0A0] =	vst v9;
	vm6 =	vmand vm14, vm15;
	vm10 =	vlt.s32 v47, v1;
	vm11 =	vge.s32 v48, v0  }
0x99: {  	v56 =	vld [tilespmem:$0xC1A0];
	[tilespmem:$0xC0B0] =	vst v42;
	vm12 =	vlt.s32 v48, v1;
	vm14 =	vge.s32 v51, v0;
	vm15 =	vlt.s32 v51, v1  }
0x9a: {  	v54 =	vld [tilespmem:$0xC180];
	vm9 =	vmand vm7, vm8;
	v49 =	vnsel vm0, $0x68A00, v41;
	v50 =	vnsel vm1, $0x68A00, v43;
	[tilespmem:$0xC0C0] =	vst v3  }
0x9b: {  	v52 =	vnsel vm6, $0x68A00, v44;
	vm7 =	vge.s32 v46, v0;
	vm8 =	vlt.s32 v46, v1;
	[tilespmem:$0xC0D0] =	vst v45  }
0x9c: {  	v60 =	vld [tilespmem:$0xC1D0];
	vm13 =	vmand vm11, vm12;
	vm11 =	vge.s32 v55, v0;
	vm12 =	vlt.s32 v55, v1;
	[tilespmem:$0xC0F0] =	vst v49  }
0x9d: {  	v58 =	vld [tilespmem:$0xC1B0];
	v2 =	vnsel vm9, $0x68A00, v2;
	vm0 =	vmand vm7, vm8;
	vm9 =	vge.s32 v47, v0;
	[tilespmem:$0xC100] =	vst v50  }
0x9e: {  	v63 =	vld [tilespmem:$0xC1F0];
	v5 =	vnsel vm13, $0x68A00, v48;
	[tilespmem:$0xC110] =	vst v52;
	vm13 =	vge.s32 v56, v0;
	vm1 =	vmand vm9, vm10  }
0x9f: {  	[tilespmem:$0xC0E0] =	vst v2;
	v2 =	vnsel vm0, $0x68A00, v46;
	vm0 =	vmand vm14, vm15;
	vm9 =	vge.s32 v54, v0  }
0xa0: {  	v3 =	vld [tilespmem:$0xC170];
	vm10 =	vlt.s32 v54, v1;
	[tilespmem:$0xC140] =	vst v5;
	vm14 =	vlt.s32 v56, v1;
	v4 =	vnsel vm1, $0x68A00, v47  }
0xa1: {  	v62 =	vld [tilespmem:$0xC1E0];
	vm1 =	vmand vm4, vm5;
	[tilespmem:$0xC120] =	vst v2;
	v2 =	vnsel vm0, $0x68A00, v51;
	vm0 =	vmand vm9, vm10  }
0xa2: {  	v59 =	vld [tilespmem:$0xC1C0];
	vm15 =	vmand vm13, vm14;
	vm4 =	vge.s32 v58, v0;
	vm5 =	vlt.s32 v58, v1;
	[tilespmem:$0xC130] =	vst v4  }
0xa3: {  	vm9 =	vlt.s32 v60, v1;
	vm13 =	vge.s32 v63, v0;
	v57 =	vnsel vm1, $0x68A00, v53;
	[tilespmem:$0xC150] =	vst v2  }
0xa4: {  	vm1 =	vmand vm11, vm12;
	v2 =	vnsel vm0, $0x68A00, v54;
	vm0 =	vmand vm4, vm5;
	[tilespmem:$0xC160] =	vst v57  }
0xa5: {  	vm6 =	vge.s32 v3, v0;
	vm7 =	vlt.s32 v3, v1;
	v61 =	vnsel vm1, $0x68A00, v55;
	[tilespmem:$0xC180] =	vst v2  }
0xa6: {  	vm11 =	vge.s32 v62, v0;
	v2 =	vnsel vm0, $0x68A00, v58;
	vm8 =	vmand vm6, vm7;
	[tilespmem:$0xC190] =	vst v61  }
0xa7: {  	vm6 =	vge.s32 v59, v0;
	vm7 =	vlt.s32 v59, v1;
	[tilespmem:$0xC1B0] =	vst v2;
	v3 =	vnsel vm8, $0x68A00, v3  }
0xa8: {  	vm1 =	vmand vm6, vm7;
	vm8 =	vge.s32 v60, v0;
	[tilespmem:$0xC170] =	vst v3;
	v3 =	vnsel vm15, $0x68A00, v56  }
0xa9: {  	vm12 =	vlt.s32 v62, v1;
	vm10 =	vmand vm8, vm9;
	[tilespmem:$0xC1A0] =	vst v3;
	v3 =	vnsel vm1, $0x68A00, v59  }
0xaa: {  	vm14 =	vlt.s32 v63, v1;
	vm0 =	vmand vm11, vm12;
	v2 =	vnsel vm10, $0x68A00, v60;
	[tilespmem:$0xC1C0] =	vst v3  }
0xab: {  	vm15 =	vmand vm13, vm14;
	v3 =	vnsel vm0, $0x68A00, v62;
	[tilespmem:$0xC1D0] =	vst v2  }
0xac: {  	v2 =	vnsel vm15, $0x68A00, v63;
	[tilespmem:$0xC1E0] =	vst v3  }
0xad: {  	[tilespmem:$0xC1F0] =	vst v2  }
0xae: {  	_ =	swait.ge [sflag:s14], $0xBA00  }
0xaf: {  	[sflag:s14] =	ssyncset.done $0x0  }
0xb0: {  	[sflag:s14] =	ssyncadd.s32 $0xFFFF4600  }
0xb1: {  	_ =	swait.ge [sflag:s14], $0xBA00  }
0xb2: {  	[sflag:s14] =	ssyncset.done $0x0  }
0xb3: {  	[sflag:s14] =	ssyncadd.s32 $0xFFFF4600  }
0xb4: {  	_ =	swait.ge [sflag:s14], $0xBA00  }
0xb5: {  	[sflag:s14] =	ssyncset.done $0x0  }
0xb6: {  	[sflag:s14] =	ssyncadd.s32 $0xFFFF4600  }
0xb7: {  	_ =	swait.ge [sflag:s14], $0xBA00  }
0xb8: {  	[sflag:s14] =	ssyncset.done $0x0  }
0xb9: {  	[sflag:s14] =	ssyncadd.s32 $0xFFFF4600  }
0xba: {  	_ =	swait.ge [sflag:s14], $0xBA00  }
0xbb: {  	[sflag:s14] =	ssyncset.done $0x0  }
0xbc: {  	[sflag:s14] =	ssyncadd.s32 $0xFFFF4600  }
0xbd: {  	_ =	swait.ge [sflag:s14], $0xBA00  }
0xbe: {  	[sflag:s14] =	ssyncset.done $0x0  }
0xbf: {  	[sflag:s14] =	ssyncadd.s32 $0xFFFF4600  }
0xc0: {  	_ =	swait.ge [sflag:s14], $0xBA00  }
0xc1: {  	[sflag:s14] =	ssyncset.done $0x0  }
0xc2: {  	[sflag:s14] =	ssyncadd.s32 $0xFFFF4600  }
0xc3: {  	_ =	swait.ge [sflag:s14], $0xBA00  }
0xc4: {  	[sflag:s14] =	ssyncset.done $0x0  }
0xc5: {  	[sflag:s14] =	ssyncadd.s32 $0xFFFF4600  }
0xc6: {  	_ =	swait.ge [sflag:s14], $0xBA00  }
0xc7: {  	[sflag:s14] =	ssyncset.done $0x0  }
0xc8: {  	[sflag:s14] =	ssyncadd.s32 $0xFFFF4600  }
0xc9: {  	_ =	swait.ge [sflag:s14], $0xBA00  }
0xca: {  	[sflag:s14] =	ssyncset.done $0x0  }
0xcb: {  	[sflag:s14] =	ssyncadd.s32 $0xFFFF4600  }
0xcc: {  	_ =	swait.ge [sflag:s14], $0xBA00  }
0xcd: {  	[sflag:s14] =	ssyncset.done $0x0  }
0xce: {  	[sflag:s14] =	ssyncadd.s32 $0xFFFF4600  }
0xcf: {  	_ =	swait.ge [sflag:s14], $0xBA00  }
0xd0: {  	[sflag:s14] =	ssyncset.done $0x0  }
0xd1: {  	[sflag:s14] =	ssyncadd.s32 $0xFFFF4600  }
0xd2: {  	_ =	swait.ge [sflag:s14], $0xBA00  }
0xd3: {  	[sflag:s14] =	ssyncset.done $0x0  }
0xd4: {  	[sflag:s14] =	ssyncadd.s32 $0xFFFF4600  }
0xd5: {  	_ =	swait.ge [sflag:s14], $0xBA00  }
0xd6: {  	[sflag:s14] =	ssyncset.done $0x0  }
0xd7: {  	[sflag:s14] =	ssyncadd.s32 $0xFFFF4600  }
0xd8: {  	_ =	swait.ge [sflag:s14], $0xBA00  }
0xd9: {  	[sflag:s14] =	ssyncset.done $0x0  }
0xda: {  	[sflag:s14] =	ssyncadd.s32 $0xFFFF4600  }
0xdb: {  	_ =	swait.ge [sflag:s14], $0xBA00  }
0xdc: {  	[sflag:s14] =	ssyncset.done $0x0  }
0xdd: {  	[sflag:s14] =	ssyncadd.s32 $0xFFFF4600  }
0xde: {  	_ =	swait.ge [sflag:s14], $0xBA00  }
0xdf: {  	[sflag:s14] =	ssyncset.done $0x0  }
0xe0: {  	[sflag:s14] =	ssyncadd.s32 $0xFFFF4600  }
0xe1: {  	_ =	swait.ge [sflag:s14], $0xBA00  }
0xe2: {  	[sflag:s14] =	ssyncset.done $0x0  }
0xe3: {  	[sflag:s14] =	ssyncadd.s32 $0xFFFF4600  }
0xe4: {  	[bflag:$0x0] =	sbarrier.arrive $0xFFFF  }
0xe5: {  	[tilespmem:s16], [sflag:$0x2] =	stream.indirect.gather [hbm4b:s5+s15], $0x40, s9, s15, $0xb8;
	[tilespmem:$0x10200] =	vst v63  }
0xe6: {  	s17 =	simm.s32 $0xBA80  }
0xe7: {  	[tilespmem:s18], [sflag:$0x2] =	stream.indirect.gather [hbm4b:s5+s15], $0x40, s17, s15, $0xb8;
	[tilespmem:$0x10200] =	vst v63  }
0xe8: {  	_ =	swait.ge [sflag:s12], $0x2000  }
0xe9: {  	[sflag:s12] =	ssyncset.done $0x0  }
0xea: {  	[sflag:s12] =	ssyncadd.s32 $0xFFFFE000  }
0xeb: {  	[hbm4b:s1+s15] =	stream.indirect.scatter [tilespmem:s16], [sflag:$0x3], $0x40, s10, s15, $0xb8;
	[tilespmem:$0x10200] =	vst v63  }
0xec: {  	_ =	swait.ge [sflag:s13], $0x2000  }
0xed: {  	[sflag:s13] =	ssyncset.done $0x0  }
0xee: {  	[sflag:s13] =	ssyncadd.s32 $0xFFFFE000  }
0xef: {  	[tilespmem:s16], [sflag:$0x2] =	stream.indirect.gather [hbm4b:s5+s15], $0x40, s19, s15, $0xb8;
	[tilespmem:$0x10200] =	vst v63  }
0xf0: {  	_ =	swait.ge [sflag:s12], $0x2000  }
0xf1: {  	[sflag:s12] =	ssyncset.done $0x0  }
0xf2: {  	[sflag:s12] =	ssyncadd.s32 $0xFFFFE000  }
0xf3: {  	[hbm4b:s1+s15] =	stream.indirect.scatter [tilespmem:s18], [sflag:$0x3], $0x40, s20, s15, $0xb8;
	[tilespmem:$0x10200] =	vst v63  }
0xf4: {  	_ =	swait.ge [sflag:s13], $0x2000  }
0xf5: {  	[sflag:s13] =	ssyncset.done $0x0  }
0xf6: {  	[sflag:s13] =	ssyncadd.s32 $0xFFFFE000  }
0xf7: {  	[tilespmem:s18], [sflag:$0x2] =	stream.indirect.gather [hbm4b:s5+s15], $0x40, s21, s15, $0xb8;
	[tilespmem:$0x10200] =	vst v63  }
0xf8: {  	_ =	swait.ge [sflag:s12], $0x2000  }
0xf9: {  	[sflag:s12] =	ssyncset.done $0x0  }
0xfa: {  	[sflag:s12] =	ssyncadd.s32 $0xFFFFE000  }
0xfb: {  	[hbm4b:s1+s15] =	stream.indirect.scatter [tilespmem:s16], [sflag:$0x3], $0x40, s22, s15, $0xb8;
	[tilespmem:$0x10200] =	vst v63  }
0xfc: {  	_ =	swait.ge [sflag:s13], $0x2000  }
0xfd: {  	[sflag:s13] =	ssyncset.done $0x0  }
0xfe: {  	[sflag:s13] =	ssyncadd.s32 $0xFFFFE000  }
0xff: {  	[tilespmem:s16], [sflag:$0x2] =	stream.indirect.gather [hbm4b:s5+s15], $0x40, s23, s15, $0xb8;
	[tilespmem:$0x10200] =	vst v63  }
0x100: {  	_ =	swait.ge [sflag:s12], $0x2000  }
0x101: {  	[sflag:s12] =	ssyncset.done $0x0  }
0x102: {  	[sflag:s12] =	ssyncadd.s32 $0xFFFFE000  }
0x103: {  	[hbm4b:s1+s15] =	stream.indirect.scatter [tilespmem:s18], [sflag:$0x3], $0x40, s24, s15, $0xb8;
	[tilespmem:$0x10200] =	vst v63  }
0x104: {  	_ =	swait.ge [sflag:s13], $0x2000  }
0x105: {  	[sflag:s13] =	ssyncset.done $0x0  }
0x106: {  	[sflag:s13] =	ssyncadd.s32 $0xFFFFE000  }
0x107: {  	[tilespmem:s18], [sflag:$0x2] =	stream.indirect.gather [hbm4b:s5+s15], $0x40, s25, s15, $0xb8;
	[tilespmem:$0x10200] =	vst v63  }
0x108: {  	_ =	swait.ge [sflag:s12], $0x2000  }
0x109: {  	[sflag:s12] =	ssyncset.done $0x0  }
0x10a: {  	[sflag:s12] =	ssyncadd.s32 $0xFFFFE000  }
0x10b: {  	[hbm4b:s1+s15] =	stream.indirect.scatter [tilespmem:s16], [sflag:$0x3], $0x40, s26, s15, $0xb8;
	[tilespmem:$0x10200] =	vst v63  }
0x10c: {  	_ =	swait.ge [sflag:s13], $0x2000  }
0x10d: {  	[sflag:s13] =	ssyncset.done $0x0  }
0x10e: {  	[sflag:s13] =	ssyncadd.s32 $0xFFFFE000  }
0x10f: {  	[tilespmem:s16], [sflag:$0x2] =	stream.indirect.gather [hbm4b:s5+s15], $0x40, s28, s15, $0xb8;
	[tilespmem:$0x10200] =	vst v63  }
0x110: {  	_ =	swait.ge [sflag:s12], $0x2000  }
0x111: {  	[sflag:s12] =	ssyncset.done $0x0  }
0x112: {  	[sflag:s12] =	ssyncadd.s32 $0xFFFFE000  }
0x113: {  	[hbm4b:s1+s15] =	stream.indirect.scatter [tilespmem:s18], [sflag:$0x3], $0x40, s29, s15, $0xb8;
	[tilespmem:$0x10200] =	vst v63  }
0x114: {  	_ =	swait.ge [sflag:s13], $0x2000  }
0x115: {  	[sflag:s13] =	ssyncset.done $0x0  }
0x116: {  	[sflag:s13] =	ssyncadd.s32 $0xFFFFE000  }
0x117: {  	[tilespmem:s18], [sflag:$0x2] =	stream.indirect.gather [hbm4b:s5+s15], $0x40, s30, s15, $0xb8;
	[tilespmem:$0x10200] =	vst v63  }
0x118: {  	_ =	swait.ge [sflag:s12], $0x2000  }
0x119: {  	[sflag:s12] =	ssyncset.done $0x0  }
0x11a: {  	[sflag:s12] =	ssyncadd.s32 $0xFFFFE000  }
0x11b: {  	[hbm4b:s1+s15] =	stream.indirect.scatter [tilespmem:s16], [sflag:$0x3], $0x40, s31, s15, $0xb8;
	[tilespmem:$0x10200] =	vst v63  }
0x11c: {  	_ =	swait.ge [sflag:s12], $0x2000  }
0x11d: {  	[sflag:s12] =	ssyncset.done $0x0  }
0x11e: {  	[sflag:s12] =	ssyncadd.s32 $0xFFFFE000  }
0x11f: {  	[hbm4b:s1+s15] =	stream.indirect.scatter [tilespmem:s18], [sflag:$0x3], $0x40, s0, s15, $0xb8;
	[tilespmem:$0x10200] =	vst v63  }
0x120: {  	p0 =	sne.s32 s8, $0x1;
	_ =	swait.ge [sflag:s13], $0x2000  }
.Ltmp0:
0x121: {  	[sflag:s13] =	ssyncset.done $0x0;
	(pc) =	sbr.rel @p0 .LBB2_1-.Ltmp0, $4  }
0x122: {  	[sflag:s13] =	ssyncadd.s32 $0xFFFFE000  }
0x123: {  	_ =	swait.ge [sflag:s13], $0x2000  }
0x124: {  	[sflag:s13] =	ssyncset.done $0x0  }
0x125: {  	s8 =	sadd.s32 $0xFFFFFFFF, s8;
	[sflag:s13] =	ssyncadd.s32 $0xFFFFE000  }
0x126: {  	_ =	sfence.sel $0x180000  }
0x127: {  	[bflag:$0x0] =	sbarrier.arrive $0xFFFF  }
0x128: {  	_ =	strace $0x90000047  }
0x129: {  	s0 =	stileid.u32;
	[bflag:$0x2] =	sbarrier.arrive $0xFFFF  }
0x12a: {  	p0 =	sne.s32 s0, $0x0;
	s0 =	rddreg [dreg:$0x2]  }
0x12b: {  	s0 =	sadd.s32 @!p0 $0x100000, s0  }
0x12c: {  	[sflag:s0] =	ssyncadd.tile.s32 @!p0 $0x1;
	_ =	shalt  }
.Lfunc_end2:
_tile_overlayer_lowered:
.L_overlay_start_2:
0x12d: {  	(tag) =	ssettag $0x2  }
0x12e: {  	s0 =	rddreg [dreg:$0x0];
	s2 =	stileid.u32  }
0x12f: {  	s1 =	rddreg [dreg:$0x1];
	p0 =	sne.s32 s2, $0x0  }
0x130: {  	s3 =	rddreg [dreg:$0x2];
	[bflag:$0x3] =	sbarrier.arrive $0xFFFF;
	s2 =	simm.s32 @!p0 $0x1C04  }
0x131: {  	[timem:s3], [sflag:s2] =	dma.local @!p0 [hbm:s0], s1  }
0x132: {  	s0 =	simm.s32 @!p0 $0x4  }
0x133: {  	_ =	swait.ge @!p0 [sflag:s0], s1  }
0x134: {  	s1 =	ssub.s32 @!p0 $0x0, s1;
	[sflag:s0] =	ssyncset.done @!p0 $0x0  }
0x135: {  	[sflag:s0] =	ssyncadd.s32 @!p0 s1  }
0x136: {  	[bflag:$0x3] =	sbarrier.arrive $0xFFFF  }
0x137: {  	_ =	shalt  }

// kernel: sparse-core-data-format-call.cloned.1.call-start
scs
called_computation_lowered:
.L_overlay_start_0:
0x0: {  	s2 =	sld [smem:$0x3FD9]  }
0x1: {  	s3 =	sld [smem:$0x3FFE];
	_ =	sdelay $0x1  }
0x2: {  	s1 =	srdreg.scid  }
0x3: {  	s0 =	sand.u32 $0x1, s1  }
0x4: {  	s18 =	sshll.u32 s0, $0xA;
	s2 =	sadd.s32 s3, s2  }
0x5: {  	s2 =	sadd.s32 s2, s18  }
0x6: {  	[smem:$0x3FC2] =	sst s2  }
0x7: {  	_ = 	snop  }
0x8: {  	s2 =	sld [smem:$0x3FD0];
	(tm) =	ssettm $0x1  }
0x9: {  	s19 =	sld [smem:$0x3FFB];
	_ =	sdelay $0x3  }
0xa: {  	_ =	strace s19  }
0xb: {  	s3 =	sld [smem:$0x3FFC];
	_ =	sdelay $0x3  }
0xc: {  	_ =	strace s3  }
0xd: {  	s3 =	sld [smem:$0x3FFD];
	_ =	sdelay $0x3  }
0xe: {  	_ =	strace s3  }
0xf: {  	_ =	strace $0x8FFFFFFF  }
0x10: {  	s20 =	sld [smem:$0x3FDB];
	_ =	sdelay $0x1  }
0x11: {  	s4 =	simm.s32 $_scs_section_size  }
0x12: {  	s5 =	simm.s32 $_size__tile_overlayer_lowered;
	s6 =	simm.s32 $_tile_overlayer_lowered  }
0x13: {  	s23 =	simm.s32 $0x1BFF;
	s22 =	sshll.u32 s6, $0x1;
	s3 =	sadd.s32 s4, s20  }
0x14: {  	s7 =	simm.s32 $0x0;
	s21 =	sshll.u32 s5, $0x1;
	s5 =	sadd.s32 s22, s3  }
0x15: {  	[timem:s7], [sflag:s23] =	dma.local [hbm:s5], s21  }
0x16: {  	_ =	swait.ge [sflag:s23], s21  }
0x17: {  	s4 =	ssub.s32 $0x0, s21;
	[sflag:s23] =	ssyncset.done $0x0  }
0x18: {  	[sflag:s23] =	ssyncadd.s32 s4;
	_ =	sdelay $0x1  }
0x19: {  	s24 =	simm.s32 $0x1B8B  }
0x1a: {  	_ =	swait.ge [sflag:s24], $0x1  }
0x1b: {  	[sflag:s24] =	ssyncset.done $0x0  }
0x1c: {  	s26 =	simm.s32 $0x1B8E;
	s25 =	sld [smem:$0x3FFE];
	[sflag:s24] =	ssyncadd.s32 $0xFFFFFFFF  }
0x1d: {  	s27 =	simm.s32 $execute0_lowered;
	[smem:$0x3FD2] =	sst s26  }
0x1e: {  	s5 =	sshll.u32 s27, $0x1;
	_ =	strace $0x80000049;
	[dreg:$0x1] =	wrdreg $0xFFFFFFFF  }
0x1f: {  	s28 =	simm.s32 $_size_execute0_lowered;
	s3 =	sadd.s32 s3, s5;
	[dreg:$0x0] =	wrdreg $0x0  }
0x20: {  	s5 =	sshll.u32 s28, $0x1;
	[dreg:$0x2] =	wrdreg s3  }
0x21: {  	[dreg:$0x3] =	wrdreg s5  }
0x22: {  	[dreg:$0x4] =	wrdreg $0xC0  }
0x23: {  	_ =	task [dreg:s7], $0x5FFFF  }
0x24: {  	[dreg:$0x1] =	wrdreg $0xFFFFFFFF  }
0x25: {  	[dreg:$0x0] =	wrdreg $0x60  }
0x26: {  	[dreg:$0x2] =	wrdreg s25  }
0x27: {  	[dreg:$0x3] =	wrdreg s2  }
0x28: {  	[dreg:$0x4] =	wrdreg $0x9  }
0x29: {  	_ =	task.clear_ibuf [dreg:s7], $0x5FFFF;
	_ =	strace $0x90000049  }
0x2a: {  	s29 =	simm.s32 $0x9;
	_ =	strace $0x8000004B  }
0x2b: {  	_ =	swait.ge [sflag:s29], $0x1  }
0x2c: {  	[sflag:s29] =	ssyncadd.s32 $0xFFFFFFFF  }
0x2d: {  	_ =	strace $0x9000004B  }
0x2e: {  	_ =	sfence  }
0x2f: {  	s30 =	sld [smem:$0x0];
	_ =	sdelay $0x2  }
0x30: {  	s31 =	sshll.u32 s1, $0xD;
	s1 =	sshrl.u32 s1, $0x2  }
0x31: {  	s3 =	sand.u32 $0x4000, s31;
	s1 =	sadd.s32 s1, s30  }
0x32: {  	s0 =	sor.u32 s3, s0;
	s1 =	sshll.u32 s1, $0x11  }
0x33: {  	s0 =	sor.u32 s1, s0  }
0x34: {  	s0 =	sadd.s32 $0x8F2B, s0  }
0x35: {  	[sflag:s0] =	ssyncadd.remote.s32 $0x1  }
0x36: {  	_ =	sfence.sel $0xFFFF  }
0x37: {  	[dreg:$0x0] =	wrdreg $0xFFFFFFFF;
	(pc) =	sbr.abs _section_cstart, $3  }
0x38: {  	[dreg:$0x1] =	wrdreg $0xFFFFFFFF  }
0x39: {  	_ =	task.clear_ibuf [dreg:s7], $0x2FFFF;
	_ =	strace $0x9FFFFFFF  }
0x3a: {  	(tm) =	ssettm $0x7FFFFFFF  }
0x3b: {  	_ =	shalt  }
tec
execute0_lowered:
.L_overlay_start_1:
0x0: {  	(tag) =	ssettag $0x1  }
0x1: {  	s0 =	rddreg [dreg:$0x0]  }
0x2: {  	s3 =	stileid.u32;
	_ =	strace $0x8000004A;
	s1 =	srdreg.scid  }
0x3: {  	s30 =	simm.s32 $0x1;
	s31 =	simm.s32 $0x2;
	s23 =	simm.s32 $0x0  }
0x4: {  	s12 =	simm.s32 $0x1000;
	s22 =	simm.s32 $0x0;
	s24 =	simm.s32 $0x0  }
0x5: {  	s25 =	simm.s32 $0x0;
	s13 =	simm.s32 $0x0;
	s14 =	simm.s32 $0x0  }
0x6: {  	s15 =	simm.s32 $0x0;
	s17 =	simm.s32 $0x0;
	s16 =	simm.s32 $0x0  }
0x7: {  	s18 =	simm.s32 $0x0;
	s21 =	simm.s32 $0x0;
	s8 =	sand.u32 $0x1, s3  }
0x8: {  	s0 =	sadd.s32 $0x800, s0;
	s28 =	sshll.u32 s1, $0x4;
	s29 =	ssub.s32 $0x2, s8  }
0x9: {  	[dreg:$0x4] =	wrdreg s0;
	s0 =	sand.u32 $0x10, s28;
	s2 =	sshrl.u32 s29, $0x1  }
.Ltmp0:
0xa: {  	s1 =	sand.u32 $0x1, s29;
	s0 =	sor.u32 s3, s0;
	(pc) =	sbr.rel .LBB1_1-.Ltmp0, $4  }
0xb: {  	[dreg:$0x3] =	wrdreg s8;
	s1 =	sadd.s32 s1, s2;
	s10 =	sshrl.u32 s0, $0x1  }
0xc: {  	[sflag:s30] =	ssyncpa.u1 $0x0;
	s9 =	sshll.u32 s1, $0x6;
	[dreg:$0x6] =	wrdreg s10  }
0xd: {  	[sflag:s31] =	ssyncpa.u1 $0x0;
	s11 =	sor.u32 $0x1, s9;
	[dreg:$0x5] =	wrdreg s9  }
0xe: {  	s20 =	smov.u32 s8;
	s19 =	smov.u32 s10;
	[dreg:$0x7] =	wrdreg s11  }
.LBB1_18:
0xf: {  	s13 =	rddreg [dreg:$0x8]  }
0x10: {  	s14 =	rddreg [dreg:$0x9]  }
0x11: {  	s4 =	rddreg [dreg:$0x16]  }
0x12: {  	s5 =	rddreg [dreg:$0x17]  }
0x13: {  	s23 =	rddreg [dreg:$0x15]  }
0x14: {  	s17 =	rddreg [dreg:$0xc]  }
0x15: {  	s15 =	rddreg [dreg:$0xa]  }
0x16: {  	s27 =	rddreg [dreg:$0x1]  }
0x17: {  	s30 =	rddreg [dreg:$0x18]  }
0x18: {  	s8 =	rddreg [dreg:$0x3]  }
0x19: {  	s9 =	rddreg [dreg:$0x5]  }
0x1a: {  	s10 =	rddreg [dreg:$0x6]  }
0x1b: {  	s11 =	rddreg [dreg:$0x7]  }
0x1c: {  	s16 =	rddreg [dreg:$0xb]  }
0x1d: {  	s18 =	rddreg [dreg:$0xd]  }
0x1e: {  	s19 =	rddreg [dreg:$0xe]  }
0x1f: {  	s12 =	simm.s32 $0x1000;
	s20 =	rddreg [dreg:$0xf]  }
0x20: {  	s0 =	sshll.u32 s13, $0x9;
	s1 =	sshll.u32 s14, $0x3;
	s2 =	sshll.u32 s13, $0x7  }
0x21: {  	p0 =	sgt.s32 s14, $0x180;
	s3 =	smov.u32 s14;
	s25 =	smul.u32 $0x1B0000, s17  }
0x22: {  	s24 =	sand.u32 $0x78, s14;
	s26 =	smul.u32 $0x6C00, s15;
	s28 =	sand.u32 $0x7, s14  }
0x23: {  	s0 =	sand.u32 $0xFFFFF000, s0;
	s1 =	sand.u32 $0xFFFFFC00, s1;
	s21 =	sand.u32 $0x200, s2  }
0x24: {  	s3 =	simm.s32 @!p0 $0x180;
	p0 =	sgt.s32 s13, $0x130;
	s2 =	sand.u32 $0x180, s2  }
0x25: {  	s29 =	sshll.u32 s28, $0x12;
	s0 =	sadd.s32 s1, s0;
	s1 =	smov.u32 s13  }
0x26: {  	s3 =	sadd.s32 s4, s3;
	s2 =	sor.u32 s24, s2;
	s31 =	sor.u32 $0x400, s29  }
0x27: {  	s24 =	rddreg [dreg:$0x13];
	s0 =	sor.u32 s21, s0;
	s1 =	simm.s32 @!p0 $0x130  }
0x28: {  	s4 =	sadd.s32 $0xFFFFFE80, s3;
	s3 =	ssub.s32 $0x200, s3;
	s0 =	sshrl.u32 s0, $0x9  }
0x29: {  	s2 =	sshrl.u32 s2, $0x3;
	s1 =	sadd.s32 s5, s1;
	s22 =	smulhi.u32 $0x97B426, s0  }
0x2a: {  	s21 =	rddreg [dreg:$0x10];
	p0 =	sgt.s32 s4, $0x7F;
	s5 =	sadd.s32 $0xFFFFFED0, s1  }
0x2b: {  	s3 =	simm.s32 @p0 $0x0;
	s1 =	ssub.s32 $0x1B0, s1;
	s4 =	smul.u32 $0x1B0, s22  }
0x2c: {  	p0 =	sgt.s32 s5, $0x7F;
	s3 =	smul.u32 s23, s3;
	s23 =	rddreg [dreg:$0x12]  }
0x2d: {  	s1 =	simm.s32 @p0 $0x0;
	s0 =	ssub.s32 s0, s4;
	s4 =	sadd.s32 s27, s25  }
0x2e: {  	s22 =	rddreg [dreg:$0x11];
	s1 =	smul.u32 s1, s3;
	s3 =	sadd.s32 s26, s4  }
0x2f: {  	s25 =	rddreg [dreg:$0x14];
	s0 =	sshll.u32 s0, $0x6;
	s2 =	sadd.s32 s2, s3  }
0x30: {  	s1 =	sand.u32 $0x3FFFFFFF, s1;
	s4 =	sor.u32 $0x8000, s30;
	s0 =	sadd.s32 s0, s2  }
0x31: {  	[hbm4b:s0+s31] =	stream.strided.scatter [tilespmem:s4], [sflag:$0x2], s1, s12, s31, $0x20;
	[tilespmem:$0x10100] =	vst v63  }
.LBB1_19:
0x32: {  	p0 =	slt.u32 s21, $0x2  }
0x33: {  	s1 =	smov.u32 s25;
	s3 =	smov.u32 s23;
	s5 =	smov.u32 s22  }
0x34: {  	p1 =	sgt.s32 @!p0 s25, $0x1;
	s0 =	sshra.s32 @!p0 s25, $0x1F;
	s2 =	sshra.s32 @!p0 s24, $0x1F  }
0x35: {  	p3 =	sgt.s32 @!p0 s22, $0x180;
	s4 =	sshra.s32 @!p0 s22, $0x1F;
	p1 =	por !p1, p0  }
0x36: {  	s0 =	sand.u32 @!p0 s0, s25;
	s2 =	sand.u32 @!p0 s2, s24;
	s4 =	sand.u32 @!p0 s4, s22  }
0x37: {  	s1 =	simm.s32 @p1 $0x1;
	s0 =	sxor.u32 @!p0 $0xFFFFFFFF, s0;
	p1 =	sgt.s32 @!p0 s24, $0x3F  }
0x38: {  	s0 =	sadd.s32 @!p0 s0, s1;
	p1 =	por !p1, p0;
	s1 =	smov.u32 s24  }
0x39: {  	s22 =	smov.u32 s14;
	p2 =	sgt.s32 @!p0 s0, $0x0;
	s1 =	simm.s32 @p1 $0x3F  }
0x3a: {  	s0 =	ssub.s32 @!p0 $0x1, s0;
	p1 =	por !p2, p0;
	s1 =	ssub.s32 @!p0 s1, s2  }
0x3b: {  	s25 =	smov.u32 s17;
	s0 =	simm.s32 @!p1 $0x0;
	s2 =	sadd.s32 @!p0 $0xFFFFFFC1, s1  }
0x3c: {  	p1 =	sgt.s32 @!p0 s23, $0x130;
	p2 =	sgt.s32 @!p0 s2, $0x0;
	s2 =	sshra.s32 @!p0 s23, $0x1F  }
0x3d: {  	s1 =	ssub.s32 @!p0 $0x40, s1;
	p1 =	por !p1, p0;
	s2 =	sand.u32 @!p0 s2, s23  }
0x3e: {  	s3 =	simm.s32 @p1 $0x130;
	p1 =	por !p3, p0;
	p2 =	por !p2, p0  }
0x3f: {  	s5 =	simm.s32 @p1 $0x180;
	s1 =	simm.s32 @!p2 $0x0;
	s2 =	ssub.s32 @!p0 s3, s2  }
0x40: {  	s3 =	ssub.s32 @!p0 s5, s4;
	s0 =	smul.u32 @!p0 s0, s1;
	s1 =	sadd.s32 @!p0 $0xFFFFFED0, s2  }
0x41: {  	s5 =	smov.u32 s18;
	s4 =	sadd.s32 @!p0 $0xFFFFFE80, s3;
	p1 =	sgt.s32 @!p0 s1, $0x7F  }
0x42: {  	s1 =	ssub.s32 @!p0 $0x1B0, s2;
	s2 =	ssub.s32 @!p0 $0x200, s3;
	p2 =	sgt.s32 @!p0 s4, $0x7F  }
0x43: {  	s3 =	sadd.s32 $0x80, s16;
	s4 =	sadd.s32 $0x80, s18;
	p2 =	por !p2, p0  }
0x44: {  	p1 =	por !p1, p0;
	s2 =	simm.s32 @!p2 $0x0;
	p2 =	sgt.s32 s3, $0x1AF  }
0x45: {  	s1 =	simm.s32 @!p1 $0x0;
	s0 =	smul.u32 @!p0 s2, s0;
	s5 =	smov.u32 @p2 s4  }
0x46: {  	s2 =	sadd.s32 $0x10, s19;
	s4 =	smov.u32 s19;
	p1 =	sgt.s32 s5, $0x1EF  }
0x47: {  	s3 =	simm.s32 @p2 $0x0;
	s0 =	smul.u32 @!p0 s1, s0;
	s4 =	smov.u32 @p1 s2  }
0x48: {  	s1 =	sadd.s32 $0x2, s20;
	s2 =	smov.u32 s20;
	p2 =	sgt.s32 s4, $0x3F  }
0x49: {  	s14 =	smov.u32 s18;
	s17 =	smov.u32 s20;
	s2 =	smov.u32 @p2 s1  }
0x4a: {  	s24 =	smov.u32 s15;
	s5 =	simm.s32 @p1 $0x0;
	p1 =	sgt.s32 s2, $0x1  }
0x4b: {  	s15 =	smov.u32 s19;
	s2 =	smov.u32 @p1 s8;
	p1 =	sne.s32 s21, s11  }
.Ltmp1:
0x4c: {  	s23 =	smov.u32 s13;
	s13 =	smov.u32 s16;
	(pc) =	sbr.rel @!p1 .LBB1_20-.Ltmp1, $4  }
0x4d: {  	s16 =	smov.u32 s3;
	s0 =	sand.u32 @!p0 $0x3FFFFFFF, s0;
	s1 =	simm.s32 @!p0 $0x2  }
0x4e: {  	s18 =	smov.u32 s5;
	s4 =	smov.u32 @p2 s10;
	_ =	swait.ge @!p0 [sflag:s1], s0  }
0x4f: {  	s0 =	ssub.s32 @!p0 $0x0, s0;
	s19 =	smov.u32 s4;
	[sflag:s1] =	ssyncset.done @!p0 $0x0  }
0x50: {  	s21 =	sadd.s32 $0x1, s21;
	[sflag:s1] =	ssyncadd.s32 @!p0 s0;
	s20 =	smov.u32 s2  }
.LBB1_1:
0x51: {  	p0 =	sge.u32 s21, s9  }
.Ltmp2:
0x52: {  	_ = 	snop;
	(pc) =	sbr.rel @p0 .LBB1_3-.Ltmp2, $1  }
0x53: {  	_ =	sdelay $0x3  }
0x54: {  	s0 =	sand.u32 $0x78, s16;
	s1 =	sshll.u32 s18, $0x9  }
0x55: {  	s2 =	sshll.u32 s16, $0x3;
	s3 =	sshll.u32 s18, $0x7;
	p0 =	sgt.s32 s20, $0x1  }
0x56: {  	s7 =	sshra.s32 s20, $0x1F;
	s4 =	smov.u32 s19;
	s5 =	sshra.s32 s19, $0x1F  }
0x57: {  	s27 =	sshra.s32 s18, $0x1F;
	s29 =	sshra.s32 s16, $0x1F;
	s30 =	sxor.u32 $0xFFFFFFFF, s21  }
0x58: {  	s1 =	sand.u32 $0xFFFFF000, s1;
	s2 =	sand.u32 $0xFFFFFC00, s2;
	s6 =	sand.u32 $0x200, s3  }
0x59: {  	s3 =	sand.u32 $0x180, s3;
	s5 =	sand.u32 s5, s19;
	s28 =	sand.u32 s27, s18  }
0x5a: {  	s1 =	sadd.s32 s1, s2;
	s0 =	sor.u32 s0, s3;
	s2 =	smov.u32 s20  }
0x5b: {  	s3 =	sand.u32 s7, s20;
	s1 =	sor.u32 s6, s1;
	s2 =	simm.s32 @!p0 $0x1  }
0x5c: {  	p0 =	sgt.s32 s19, $0x3F;
	s3 =	sxor.u32 $0xFFFFFFFF, s3;
	s0 =	sshrl.u32 s0, $0x3  }
0x5d: {  	s1 =	sshrl.u32 s1, $0x9;
	s4 =	simm.s32 @!p0 $0x3F;
	s2 =	sadd.s32 s3, s2  }
0x5e: {  	s6 =	smulhi.u32 $0x842109, s1;
	s26 =	ssub.s32 s4, s5;
	p0 =	sgt.s32 s2, $0x0  }
0x5f: {  	s2 =	ssub.s32 $0x1, s2;
	s5 =	sand.u32 s29, s16;
	s29 =	sand.u32 $0x7, s16  }
0x60: {  	s4 =	sadd.s32 $0xFFFFFFC1, s26;
	s2 =	simm.s32 @p0 $0x0;
	s3 =	ssub.s32 $0x40, s26  }
0x61: {  	s26 =	smul.u32 $0x7C00, s19;
	p0 =	sgt.s32 s4, $0x0;
	s4 =	smov.u32 s18  }
0x62: {  	s6 =	smul.u32 $0x1F0, s6;
	s3 =	simm.s32 @p0 $0x0;
	p0 =	sgt.s32 s18, $0x170  }
0x63: {  	s2 =	smul.u32 s2, s3;
	s4 =	simm.s32 @!p0 $0x170;
	p0 =	sgt.s32 s16, $0x180  }
0x64: {  	s1 =	ssub.s32 s1, s6;
	s3 =	ssub.s32 s4, s28;
	s4 =	smov.u32 s16  }
0x65: {  	s28 =	rddreg [dreg:$0x4];
	s7 =	sadd.s32 $0xFFFFFE90, s3;
	s4 =	simm.s32 @!p0 $0x180  }
0x66: {  	s3 =	ssub.s32 $0x1F0, s3;
	p0 =	sgt.s32 s7, $0x7F;
	s4 =	ssub.s32 s4, s5  }
0x67: {  	s7 =	smul.u32 $0x1F0000, s20;
	s3 =	simm.s32 @p0 $0x0;
	s31 =	sadd.s32 $0xFFFFFE80, s4  }
0x68: {  	s2 =	smul.u32 s3, s2;
	p0 =	sgt.s32 s31, $0x7F;
	s3 =	ssub.s32 $0x200, s4  }
0x69: {  	s1 =	sshll.u32 s1, $0x6;
	s4 =	sadd.s32 s28, s7;
	s3 =	simm.s32 @p0 $0x0  }
0x6a: {  	s5 =	sshll.u32 s30, $0xE;
	s4 =	sadd.s32 s26, s4;
	s2 =	smul.u32 s3, s2  }
0x6b: {  	s30 =	sshll.u32 s29, $0x12;
	s27 =	sand.u32 $0x4000, s5;
	s0 =	sadd.s32 s0, s4  }
0x6c: {  	s31 =	sor.u32 $0x400, s30;
	s0 =	sadd.s32 s1, s0;
	s2 =	sand.u32 $0x3FFFFFFF, s2  }
0x6d: {  	[tilespmem:s27], [sflag:$0x1] =	stream.strided.gather [hbm4b:s0+s31], s2, s12, s31, $0x38;
	[tilespmem:$0x10100] =	vst v63  }
.LBB1_3:
0x6e: {  	s0 =	sadd.s32 $0xFFFFFFFF, s21  }
0x6f: {  	p0 =	sge.u32 s0, s9  }
.Ltmp3:
0x70: {  	_ = 	snop;
	(pc) =	sbr.rel @p0 .LBB1_19-.Ltmp3, $1  }
0x71: {  	_ =	sdelay $0x3  }
0x72: {  	[dreg:$0x14] =	wrdreg s25  }
0x73: {  	[dreg:$0x13] =	wrdreg s24  }
0x74: {  	[dreg:$0x12] =	wrdreg s23  }
0x75: {  	[dreg:$0x11] =	wrdreg s22  }
0x76: {  	[dreg:$0xf] =	wrdreg s20  }
0x77: {  	[dreg:$0xe] =	wrdreg s19  }
0x78: {  	[dreg:$0xd] =	wrdreg s18  }
0x79: {  	[dreg:$0xb] =	wrdreg s16;
	p0 =	sgt.s32 s17, $0x1;
	s0 =	smov.u32 s17  }
0x7a: {  	s1 =	sshra.s32 s17, $0x1F;
	s2 =	smov.u32 s15;
	s3 =	sshra.s32 s15, $0x1F  }
0x7b: {  	s18 =	ssub.s32 $0x0, s14;
	s19 =	sshra.s32 s14, $0x1F;
	p1 =	sgt.s32 s14, $0x170  }
0x7c: {  	s4 =	smov.u32 s14;
	s23 =	ssub.s32 $0x0, s13;
	s24 =	sshra.s32 s13, $0x1F  }
0x7d: {  	s0 =	simm.s32 @!p0 $0x1;
	s1 =	sand.u32 s1, s17;
	p0 =	sgt.s32 s15, $0x3F  }
0x7e: {  	s16 =	sand.u32 s3, s15;
	s4 =	simm.s32 @!p1 $0x170;
	s1 =	sxor.u32 $0xFFFFFFFF, s1  }
0x7f: {  	s3 =	smov.u32 s13;
	s2 =	simm.s32 @!p0 $0x3F;
	s0 =	sadd.s32 s1, s0  }
0x80: {  	s1 =	ssub.s32 s2, s16;
	s2 =	sand.u32 s18, s19;
	p0 =	sgt.s32 s0, $0x0  }
0x81: {  	s0 =	ssub.s32 $0x1, s0;
	s5 =	sadd.s32 $0xFFFFFFC1, s1;
	s1 =	ssub.s32 $0x40, s1  }
0x82: {  	[dreg:$0x16] =	wrdreg s2;
	s2 =	sadd.s32 s2, s4;
	p1 =	sgt.s32 s5, $0x0  }
0x83: {  	s0 =	simm.s32 @p0 $0x0;
	s20 =	sadd.s32 $0xFFFFFE90, s2;
	s2 =	ssub.s32 $0x1F0, s2  }
0x84: {  	s1 =	simm.s32 @p1 $0x0;
	p0 =	sgt.s32 s20, $0x7F;
	p1 =	sgt.s32 s13, $0x180  }
0x85: {  	s22 =	smul.u32 s0, s1;
	s0 =	sand.u32 s23, s24;
	s3 =	simm.s32 @!p1 $0x180  }
0x86: {  	s2 =	simm.s32 @p0 $0x0;
	[dreg:$0x17] =	wrdreg s0;
	s0 =	sadd.s32 s0, s3  }
0x87: {  	[dreg:$0x8] =	wrdreg s13;
	s25 =	smul.u32 s2, s22;
	s26 =	sadd.s32 $0xFFFFFE80, s0  }
0x88: {  	s0 =	ssub.s32 $0x200, s0;
	s2 =	sadd.s32 $0x1, s17;
	p0 =	sgt.s32 s26, $0x7F  }
0x89: {  	s3 =	sadd.s32 $0x1, s15;
	s0 =	simm.s32 @p0 $0x0;
	p0 =	slt.s32 s2, $0x2  }
0x8a: {  	[dreg:$0xc] =	wrdreg s17;
	s2 =	simm.s32 @!p0 $0x2;
	p0 =	slt.s32 s3, $0x40  }
0x8b: {  	s1 =	sadd.s32 $0x80, s14;
	s2 =	ssub.s32 s2, s17;
	s3 =	simm.s32 @!p0 $0x40  }
0x8c: {  	p1 =	slt.s32 s1, $0x1F0;
	s3 =	ssub.s32 s3, s15;
	p0 =	slt.s32 s2, $0x1  }
0x8d: {  	[dreg:$0xa] =	wrdreg s15;
	s1 =	simm.s32 @!p1 $0x1F0;
	p1 =	slt.s32 @!p0 s3, $0x1  }
0x8e: {  	[dreg:$0x9] =	wrdreg s14;
	s29 =	ssub.s32 s1, s14;
	p1 =	por p0, p1  }
0x8f: {  	[dreg:$0x10] =	wrdreg s21;
	p2 =	slt.s32 @!p1 s29, $0x1  }
0x90: {  	[dreg:$0x15] =	wrdreg s22;
	s0 =	smul.u32 s0, s25;
	p1 =	por p1, p2  }
.Ltmp4:
0x91: {  	s28 =	simm.s32 $0x1;
	[dreg:$0x19] =	wrdreg s2;
	(pc) =	sbr.rel @p1 .LBB1_18-.Ltmp4, $4  }
0x92: {  	s27 =	sand.u32 $0x3FFFFFFF, s0;
	s0 =	sand.u32 $0x1, s21;
	[dreg:$0x1a] =	wrdreg s3  }
0x93: {  	s31 =	smul.u32 $0x4080, s0;
	_ =	swait.ge [sflag:s28], s27  }
0x94: {  	s30 =	ssub.s32 $0x0, s27;
	[sflag:s28] =	ssyncset.done $0x0  }
0x95: {  	[dreg:$0x18] =	wrdreg s31;
	[sflag:s28] =	ssyncadd.s32 s30  }
0x96: {  	s2 =	rddreg [dreg:$0x8]  }
0x97: {  	s1 =	sadd.s32 $0x80, s2  }
0x98: {  	p1 =	slt.s32 s1, $0x1B0  }
0x99: {  	s1 =	simm.s32 @!p1 $0x1B0  }
.Ltmp5:
0x9a: {  	s1 =	ssub.s32 s1, s2;
	(pc) =	sbr.rel .LBB1_6-.Ltmp5, $4  }
0x9b: {  	s0 =	sshll.u32 @!p0 s0, $0xE;
	s3 =	sadd.s32 $0xF, s1  }
0x9c: {  	s9 =	simm.s32 $0x0;
	s1 =	rddreg [dreg:$0x18];
	s30 =	sand.u32 $0xFFFFFFF0, s3  }
0x9d: {  	s31 =	sand.u32 @!p0 $0xFFFFFF00, s3;
	s28 =	sshll.u32 s3, $0x3;
	s1 =	sor.u32 @!p0 $0x8000, s1  }
0x9e: {  	p0 =	slt.s32 s3, $0x100;
	s2 =	sand.u32 $0xFFFFF800, s28;
	p1 =	sge.s32 s31, s30  }
.LBB1_17:
0x9f: {  	s9 =	sadd.s32 $0x1, s9;
	s3 =	rddreg [dreg:$0x19]  }
0xa0: {  	p2 =	sne.s32 s9, s3  }
.Ltmp6:
0xa1: {  	_ = 	snop;
	(pc) =	sbr.rel @!p2 .LBB1_18-.Ltmp6, $1  }
0xa2: {  	_ =	sdelay $0x3  }
.LBB1_6:
.Ltmp7:
0xa3: {  	(pc) =	sbr.rel .LBB1_7-.Ltmp7, $2  }
0xa4: {  	_ =	sdelay $0x2  }
0xa5: {  	s4 =	simm.s32 $0x0  }
.LBB1_16:
0xa6: {  	s4 =	sadd.s32 $0x1, s4;
	s3 =	rddreg [dreg:$0x1a]  }
0xa7: {  	p2 =	sne.s32 s4, s3  }
.Ltmp8:
0xa8: {  	_ = 	snop;
	(pc) =	sbr.rel @!p2 .LBB1_17-.Ltmp8, $1  }
0xa9: {  	_ =	sdelay $0x3  }
.LBB1_7:
.Ltmp9:
0xaa: {  	s3 =	sadd.s32 s9, s4;
	(pc) =	sbr.rel .LBB1_8-.Ltmp9, $3  }
0xab: {  	s5 =	sshll.u32 s3, $0x10;
	s3 =	smul.u32 $0x10200, s3;
	_ =	sdelay $0x1  }
0xac: {  	s7 =	simm.s32 $0x0;
	s5 =	sshra.s32 s5, $0x2;
	s3 =	sshra.s32 s3, $0x2  }
0xad: {  	s5 =	sadd.s32 s5, s0;
	s8 =	sadd.s32 s3, s1;
	s3 =	simm.s32 $0x400  }
.LBB1_15:
0xae: {  	s7 =	sadd.s32 $0x1, s7  }
0xaf: {  	p2 =	sne.s32 s7, s29  }
.Ltmp10:
0xb0: {  	_ = 	snop;
	(pc) =	sbr.rel @!p2 .LBB1_16-.Ltmp10, $2  }
0xb1: {  	_ =	sdelay $0x2  }
0xb2: {  	s3 =	sadd.s32 $0x80, s3  }
.LBB1_8:
.Ltmp11:
0xb3: {  	(pc) =	sbr.rel @p0 .LBB1_12-.Ltmp11, $2  }
0xb4: {  	_ =	sdelay $0x2  }
0xb5: {  	s6 =	sshll.u32 s7, $0x7;
	s26 =	sand.u32 $0x7F, s7  }
0xb6: {  	s11 =	sshll.u32 s7, $0x3;
	s15 =	sand.u32 $0x380, s6  }
0xb7: {  	s10 =	sshrl.u32 s11, $0x7;
	s13 =	sadd.s32 $0x800, s11;
	s16 =	sadd.s32 $0x1000, s11  }
0xb8: {  	s18 =	sadd.s32 s15, s5;
	s21 =	sadd.s32 $0x1800, s11;
	s28 =	sadd.s32 $0x2800, s11  }
0xb9: {  	s17 =	sadd.s32 $0x3000, s11;
	s11 =	sadd.s32 $0x3800, s11;
	s12 =	sand.u32 $0x78, s10  }
0xba: {  	s13 =	sshrl.u32 s13, $0x7;
	s20 =	sshrl.u32 s16, $0x7;
	s16 =	sshrl.u32 s21, $0x7  }
0xbb: {  	s21 =	sshrl.u32 s17, $0x7;
	s11 =	sshrl.u32 s11, $0x7;
	s17 =	sadd.s32 $0x30, s10  }
0xbc: {  	v0 =	vmov s18;
	s18 =	sand.u32 $0x3C00, s3;
	s14 =	smul.u32 $0x204, s12;
	s13 =	sand.u32 $0x78, s13  }
0xbd: {  	s15 =	sand.u32 $0x78, s20;
	s22 =	sand.u32 $0x78, s16;
	s13 =	smul.u32 $0x204, s13  }
0xbe: {  	s12 =	sxor.u32 $0x40, s12;
	s16 =	sshrl.u32 s28, $0x7;
	s15 =	smul.u32 $0x204, s15  }
0xbf: {  	s11 =	sand.u32 $0x78, s11;
	s12 =	smul.u32 $0x204, s12;
	s14 =	sshrl.u32 s14, $0x2  }
0xc0: {  	s11 =	smul.u32 $0x204, s11;
	s14 =	sadd.s32 s14, s8;
	s13 =	sshrl.u32 s13, $0x2  }
0xc1: {  	s25 =	sshrl.u32 s15, $0x2;
	s12 =	sshrl.u32 s12, $0x2;
	s13 =	sadd.s32 s13, s8  }
0xc2: {  	s23 =	sadd.s32 s26, s14;
	s14 =	sadd.s32 s25, s8;
	s24 =	sadd.s32 s26, s13  }
0xc3: {  	s13 =	smul.u32 $0x204, s22;
	s25 =	sadd.s32 s26, s14;
	s14 =	sand.u32 $0x78, s16  }
0xc4: {  	s15 =	sadd.s32 $0x10, s10;
	s11 =	sshrl.u32 s11, $0x2;
	s14 =	smul.u32 $0x204, s14  }
0xc5: {  	s12 =	sadd.s32 s12, s8;
	s11 =	sadd.s32 s11, s8;
	s13 =	sshrl.u32 s13, $0x2  }
0xc6: {  	s19 =	sadd.s32 s26, s12;
	s13 =	sadd.s32 s13, s8;
	s22 =	sshrl.u32 s14, $0x2  }
0xc7: {  	s12 =	sand.u32 $0x78, s21;
	s20 =	sadd.s32 s26, s13;
	s13 =	sadd.s32 s22, s8  }
0xc8: {  	s28 =	smul.u32 $0x204, s12;
	s12 =	sadd.s32 s26, s13;
	s13 =	sand.u32 $0x78, s15  }
0xc9: {  	s16 =	sadd.s32 $0x20, s10;
	s21 =	sadd.s32 s26, s11;
	s13 =	smul.u32 $0x204, s13  }
0xca: {  	s14 =	sshrl.u32 s28, $0x2;
	s22 =	sadd.s32 $0x50, s10;
	s15 =	sand.u32 $0x78, s16  }
0xcb: {  	s16 =	sand.u32 $0x78, s22;
	s15 =	smul.u32 $0x204, s15;
	s13 =	sshrl.u32 s13, $0x2  }
0xcc: {  	v1 =	vld.idx.msk [tilespmem:v0+s18+$0x0 ss:$0x1], $0xffff;
	s11 =	sadd.s32 s13, s8;
	s13 =	sand.u32 $0x78, s17;
	s17 =	sadd.s32 $0x60, s10  }
0xcd: {  	s27 =	smul.u32 $0x204, s16;
	s15 =	sshrl.u32 s15, $0x2;
	s28 =	sand.u32 $0x78, s17  }
0xce: {  	s15 =	sadd.s32 s15, s8;
	s17 =	smul.u32 $0x204, s28  }
0xcf: {  	s16 =	sadd.s32 s26, s11;
	s22 =	sadd.s32 s26, s15;
	s15 =	sshrl.u32 s27, $0x2  }
0xd0: {  	s11 =	sadd.s32 s15, s8;
	s28 =	sadd.s32 $0xFFFFFC00, s3;
	s17 =	sshrl.u32 s17, $0x2  }
0xd1: {  	[tilespmem:s23+$0x0 ss:$0x81] =	vst.msk $0xffff, v1;
	v1 =	vld.idx.msk [tilespmem:v0+s18+$0x20 ss:$0x1], $0xffff;
	s15 =	sadd.s32 s17, s8;
	s17 =	sadd.s32 s26, s11;
	s11 =	sand.u32 $0x3C00, s28  }
0xd2: {  	v2 =	vld.idx.msk [tilespmem:v0+s11+$0x70 ss:$0x1], $0xffff  }
0xd3: {  	v3 =	vld.idx.msk [tilespmem:v0+s11+$0x0 ss:$0x1], $0xffff  }
0xd4: {  	v4 =	vld.idx.msk [tilespmem:v0+s11+$0x10 ss:$0x1], $0xffff  }
0xd5: {  	v5 =	vld.idx.msk [tilespmem:v0+s11+$0x20 ss:$0x1], $0xffff  }
0xd6: {  	v6 =	vld.idx.msk [tilespmem:v0+s11+$0x30 ss:$0x1], $0xffff  }
0xd7: {  	s10 =	sadd.s32 $0x70, s10;
	v7 =	vld.idx.msk [tilespmem:v0+s11+$0x40 ss:$0x1], $0xffff;
	[tilespmem:s21+$0x0 ss:$0x81] =	vst.msk $0xffff, v2  }
0xd8: {  	s13 =	smul.u32 $0x204, s13;
	s10 =	sand.u32 $0x78, s10;
	v8 =	vld.idx.msk [tilespmem:v0+s11+$0x50 ss:$0x1], $0xffff;
	[tilespmem:s23+$0x0 ss:$0x81] =	vst.msk $0xffff, v3  }
0xd9: {  	p2 =	sgt.s32 s31, $0x100;
	s10 =	smul.u32 $0x204, s10;
	v9 =	vld.idx.msk [tilespmem:v0+s11+$0x60 ss:$0x1], $0xffff;
	[tilespmem:s24+$0x0 ss:$0x81] =	vst.msk $0xffff, v4  }
.Ltmp12:
0xda: {  	v4 =	vld.idx.msk [tilespmem:v0+s18+$0x10 ss:$0x1], $0xffff;
	[tilespmem:s25+$0x0 ss:$0x81] =	vst.msk $0xffff, v5;
	(pc) =	sbr.rel @!p2 .LBB1_11-.Ltmp12, $4  }
0xdb: {  	s14 =	sadd.s32 s14, s8;
	s13 =	sshrl.u32 s13, $0x2;
	[tilespmem:s20+$0x0 ss:$0x81] =	vst.msk $0xffff, v6;
	v2 =	vld.idx.msk [tilespmem:v0+s18+$0x30 ss:$0x1], $0xffff  }
0xdc: {  	s14 =	sadd.s32 s26, s14;
	s13 =	sadd.s32 s13, s8;
	s10 =	sshrl.u32 s10, $0x2;
	[tilespmem:s19+$0x0 ss:$0x81] =	vst.msk $0xffff, v7;
	v3 =	vld.idx.msk [tilespmem:v0+s18+$0x40 ss:$0x1], $0xffff  }
0xdd: {  	s13 =	sadd.s32 s26, s13;
	s27 =	sadd.s32 s10, s8;
	s10 =	sadd.s32 s26, s15;
	[tilespmem:s12+$0x0 ss:$0x81] =	vst.msk $0xffff, v8;
	v5 =	vld.idx.msk [tilespmem:v0+s18+$0x50 ss:$0x1], $0xffff  }
0xde: {  	s15 =	sadd.s32 s26, s27;
	s11 =	simm.s32 $0x100;
	s27 =	sadd.s32 $0x800, s3;
	[tilespmem:s14+$0x0 ss:$0x81] =	vst.msk $0xffff, v9;
	v6 =	vld.idx.msk [tilespmem:v0+s18+$0x60 ss:$0x1], $0xffff  }
.LBB1_10:
0xdf: {  	s28 =	sadd.s32 $0xFFFFFC00, s27;
	s11 =	sadd.s32 $0x100, s11;
	[tilespmem:s16+$0x0 ss:$0x81] =	vst.msk $0xffff, v4;
	v4 =	vld.idx.msk [tilespmem:v0+s18+$0x70 ss:$0x1], $0xffff;
	s18 =	sand.u32 $0x3C00, s27  }
0xe0: {  	s28 =	sand.u32 $0x3C00, s28;
	v7 =	vld.idx.msk [tilespmem:v0+s18+$0x0 ss:$0x1], $0xffff;
	p2 =	slt.s32 s11, s31;
	[tilespmem:s22+$0x0 ss:$0x81] =	vst.msk $0xffff, v1  }
0xe1: {  	v1 =	vld.idx.msk [tilespmem:v0+s28+$0x70 ss:$0x1], $0xffff;
	[tilespmem:s13+$0x0 ss:$0x81] =	vst.msk $0xffff, v2  }
0xe2: {  	v2 =	vld.idx.msk [tilespmem:v0+s28+$0x0 ss:$0x1], $0xffff;
	[tilespmem:s19+$0x0 ss:$0x81] =	vst.msk $0xffff, v3  }
0xe3: {  	v3 =	vld.idx.msk [tilespmem:v0+s28+$0x10 ss:$0x1], $0xffff;
	[tilespmem:s17+$0x0 ss:$0x81] =	vst.msk $0xffff, v5  }
0xe4: {  	v5 =	vld.idx.msk [tilespmem:v0+s28+$0x20 ss:$0x1], $0xffff;
	[tilespmem:s10+$0x0 ss:$0x81] =	vst.msk $0xffff, v6  }
0xe5: {  	v6 =	vld.idx.msk [tilespmem:v0+s28+$0x30 ss:$0x1], $0xffff;
	[tilespmem:s15+$0x0 ss:$0x81] =	vst.msk $0xffff, v4  }
0xe6: {  	v8 =	vld.idx.msk [tilespmem:v0+s28+$0x40 ss:$0x1], $0xffff;
	[tilespmem:s23+$0x0 ss:$0x81] =	vst.msk $0xffff, v7  }
0xe7: {  	v7 =	vld.idx.msk [tilespmem:v0+s28+$0x50 ss:$0x1], $0xffff;
	[tilespmem:s21+$0x0 ss:$0x81] =	vst.msk $0xffff, v1  }
0xe8: {  	[tilespmem:s23+$0x0 ss:$0x81] =	vst.msk $0xffff, v2;
	v9 =	vld.idx.msk [tilespmem:v0+s28+$0x60 ss:$0x1], $0xffff  }
0xe9: {  	[tilespmem:s24+$0x0 ss:$0x81] =	vst.msk $0xffff, v3;
	v4 =	vld.idx.msk [tilespmem:v0+s18+$0x10 ss:$0x1], $0xffff  }
.Ltmp13:
0xea: {  	[tilespmem:s25+$0x0 ss:$0x81] =	vst.msk $0xffff, v5;
	v1 =	vld.idx.msk [tilespmem:v0+s18+$0x20 ss:$0x1], $0xffff;
	(pc) =	sbr.rel @p2 .LBB1_10-.Ltmp13, $4  }
0xeb: {  	[tilespmem:s20+$0x0 ss:$0x81] =	vst.msk $0xffff, v6;
	v2 =	vld.idx.msk [tilespmem:v0+s18+$0x30 ss:$0x1], $0xffff  }
0xec: {  	[tilespmem:s19+$0x0 ss:$0x81] =	vst.msk $0xffff, v8;
	v3 =	vld.idx.msk [tilespmem:v0+s18+$0x40 ss:$0x1], $0xffff  }
0xed: {  	[tilespmem:s12+$0x0 ss:$0x81] =	vst.msk $0xffff, v7;
	v5 =	vld.idx.msk [tilespmem:v0+s18+$0x50 ss:$0x1], $0xffff  }
0xee: {  	s27 =	sadd.s32 $0x800, s27;
	[tilespmem:s14+$0x0 ss:$0x81] =	vst.msk $0xffff, v9;
	v6 =	vld.idx.msk [tilespmem:v0+s18+$0x60 ss:$0x1], $0xffff  }
.LBB1_11:
0xef: {  	_ =	sdelay $0x2  }
0xf0: {  	[tilespmem:s16+$0x0 ss:$0x81] =	vst.msk $0xffff, v4  }
0xf1: {  	v0 =	vld.idx.msk [tilespmem:v0+s18+$0x70 ss:$0x1], $0xffff;
	[tilespmem:s22+$0x0 ss:$0x81] =	vst.msk $0xffff, v1  }
0xf2: {  	[tilespmem:s13+$0x0 ss:$0x81] =	vst.msk $0xffff, v2  }
0xf3: {  	[tilespmem:s19+$0x0 ss:$0x81] =	vst.msk $0xffff, v3  }
0xf4: {  	[tilespmem:s17+$0x0 ss:$0x81] =	vst.msk $0xffff, v5  }
0xf5: {  	[tilespmem:s10+$0x0 ss:$0x81] =	vst.msk $0xffff, v6  }
0xf6: {  	[tilespmem:s15+$0x0 ss:$0x81] =	vst.msk $0xffff, v0  }
.LBB1_12:
.Ltmp14:
0xf7: {  	(pc) =	sbr.rel @p1 .LBB1_15-.Ltmp14, $1  }
0xf8: {  	_ =	sdelay $0x3  }
0xf9: {  	s11 =	sand.u32 $0x380, s6;
	s10 =	sshrl.u32 s7, $0x4;
	s12 =	sadd.s32 s26, s8  }
0xfa: {  	s13 =	smov.u32 s2;
	s14 =	smov.u32 s31;
	s11 =	sadd.s32 s11, s5  }
.LBB1_14:
0xfb: {  	s15 =	sand.u32 $0x3C00, s13  }
0xfc: {  	s15 =	sadd.s32 s6, s15  }
0xfd: {  	s15 =	sand.u32 $0x3C00, s15  }
0xfe: {  	s16 =	sand.u32 $0x70, s14;
	s27 =	sadd.s32 s14, s10;
	s15 =	sadd.s32 s15, s11  }
0xff: {  	s14 =	sadd.s32 $0x10, s14;
	s28 =	sand.u32 $0x78, s27;
	s15 =	sadd.s32 s16, s15  }
0x100: {  	p2 =	slt.s32 s14, s30;
	v0 =	vld [tilespmem:s15+$0x0];
	s15 =	smul.u32 $0x204, s28  }
.Ltmp15:
0x101: {  	_ = 	snop;
	(pc) =	sbr.rel @p2 .LBB1_14-.Ltmp15, $4  }
0x102: {  	_ = 	snop  }
0x103: {  	s15 =	sshrl.u32 s15, $0x2  }
0x104: {  	s15 =	sadd.s32 s15, s12  }
0x105: {  	s13 =	sadd.s32 $0x80, s13;
	[tilespmem:s15+$0x0 ss:$0x81] =	vst.msk $0xffff, v0  }
.Ltmp16:
0x106: {  	_ = 	snop;
	(pc) =	sbr.rel .LBB1_15-.Ltmp16, $1  }
0x107: {  	_ =	sdelay $0x3  }
.LBB1_20:
0x108: {  	_ =	sfence.sel $0x180000  }
0x109: {  	s0 =	simm.s32 $0x1;
	[bflag:$0x0] =	sbarrier.arrive $0xFFFF  }
0x10a: {  	s30 =	simm.s32 $0x2;
	[sflag:s0] =	ssyncpa.u1 $0x1  }
0x10b: {  	[sflag:s30] =	ssyncpa.u1 $0x1  }
0x10c: {  	_ =	strace $0x9000004A  }
0x10d: {  	s31 =	stileid.u32;
	[bflag:$0x2] =	sbarrier.arrive $0xFFFF  }
0x10e: {  	p0 =	sne.s32 s31, $0x0;
	s0 =	rddreg [dreg:$0x2]  }
0x10f: {  	s0 =	sadd.s32 @!p0 $0x100000, s0  }
0x110: {  	[sflag:s0] =	ssyncadd.tile.s32 @!p0 $0x1;
	_ =	shalt  }
.Lfunc_end1:
_tile_overlayer_lowered:
.L_overlay_start_2:
0x111: {  	(tag) =	ssettag $0x2  }
0x112: {  	s0 =	rddreg [dreg:$0x0];
	s2 =	stileid.u32  }
0x113: {  	s1 =	rddreg [dreg:$0x1];
	p0 =	sne.s32 s2, $0x0  }
0x114: {  	s3 =	rddreg [dreg:$0x2];
	[bflag:$0x3] =	sbarrier.arrive $0xFFFF;
	s2 =	simm.s32 @!p0 $0x1C01  }
0x115: {  	[timem:s3], [sflag:s2] =	dma.local @!p0 [hbm:s0], s1  }
0x116: {  	s0 =	simm.s32 @!p0 $0x1  }
0x117: {  	_ =	swait.ge @!p0 [sflag:s0], s1  }
0x118: {  	s1 =	ssub.s32 @!p0 $0x0, s1;
	[sflag:s0] =	ssyncset.done @!p0 $0x0  }
0x119: {  	[sflag:s0] =	ssyncadd.s32 @!p0 s1  }
0x11a: {  	[bflag:$0x3] =	sbarrier.arrive $0xFFFF  }
0x11b: {  	_ =	shalt  }

</sc_bundles>
